<compile_context>
chip_gen: v7x
topology: tpu7x:2x2x1
jax: 0.10.2.dev20260603
libtpu: 0.0.44.dev20260713+nightly
codegen_flags: <defaults>
</compile_context>

<pallas_src>
import functools

import jax
import jax.numpy as jnp
from jax import lax
from jax.experimental import pallas as pl
from jax.experimental.pallas import tpu as pltpu
from jax.experimental.pallas import tpu_sc as plsc

N = 10000
E = 320000
D = 128
G = 16
EPS = 1e-5

NC = 2
NS = 16
NW = NC * NS
EW = E // NW
CH = 80
NCHUNK = EW // CH
NGRP = 5
GCH = NCHUNK // NGRP
NPAD = 10240
SPT = NPAD // NS

def _deg_body(dst_hbm, w_hbm, zeros_hbm, out_hbm, dst_v, w_v, deg_sh):
    cid = lax.axis_index("c")
    sid = lax.axis_index("s")
    wid = cid * NS + sid

    @pl.when(sid == 0)
    def _():
        pltpu.sync_copy(zeros_hbm, deg_sh)

    plsc.subcore_barrier()

    pltpu.sync_copy(dst_hbm.at[wid], dst_v)
    pltpu.sync_copy(w_hbm.at[wid], w_v)

    def chunk(j, carry):
        pltpu.sync_copy(w_v.at[j], deg_sh.at[dst_v.at[j]], add=True)
        return carry

    lax.fori_loop(0, NCHUNK, chunk, 0)
    plsc.subcore_barrier()

    @pl.when(sid == 0)
    def _():
        pltpu.sync_copy(deg_sh, out_hbm.at[cid])


@functools.cache
def _deg_pass():
    mesh = plsc.VectorSubcoreMesh(core_axis_name="c", subcore_axis_name="s",
                                  num_cores=NC, num_subcores=NS)
    return pl.kernel(
        _deg_body,
        out_type=jax.ShapeDtypeStruct((NC, N), jnp.float32),
        mesh=mesh,
        scratch_types=[
            pltpu.VMEM((NCHUNK, CH), jnp.int32),
            pltpu.VMEM((NCHUNK, CH), jnp.float32),
            pltpu.MemorySpace.VMEM_SHARED((N,), jnp.float32),
        ],
    )


def _prep_body(x_ref, w_ref, degt_ref, z_ref, zsl_ref, dis_ref):
    deg = degt_ref[:, 0:1] + degt_ref[:, 1:2] + 1.0
    safe = jnp.where(deg > 0.0, deg, 1.0)
    dis = jnp.where(deg > 0.0, lax.rsqrt(safe), 0.0)
    x = jnp.dot(x_ref[...], w_ref[...], preferred_element_type=jnp.float32)
    z = x * dis
    z_ref[...] = z
    zsl_ref[...] = z * dis
    dis_ref[...] = dis


_prep_pass = pl.pallas_call(
    _prep_body,
    out_shape=[
        jax.ShapeDtypeStruct((N, D), jnp.float32),
        jax.ShapeDtypeStruct((N, D), jnp.float32),
        jax.ShapeDtypeStruct((N, 1), jnp.float32),
    ],
)


def _edge_body(src_hbm, dst_hbm, w_hbm, z_hbm, dis_hbm, zeros_hbm, out_hbm,
               src_v, dst_v, w_v, dis_v, rows_v, s_v, conv_sh, sem):
    cid = lax.axis_index("c")
    sid = lax.axis_index("s")
    wid = cid * NS + sid

    pltpu.sync_copy(zeros_hbm.at[pl.ds(sid * SPT, SPT)],
                    conv_sh.at[pl.ds(sid * SPT, SPT)])
    pltpu.sync_copy(dis_hbm, dis_v)
    plsc.subcore_barrier()

    def group(g, carry0):
        pltpu.sync_copy(src_hbm.at[wid].at[g], src_v)
        pltpu.sync_copy(dst_hbm.at[wid].at[g], dst_v)
        pltpu.sync_copy(w_hbm.at[wid].at[g], w_v)

        def chunk(j, carry):
            pltpu.async_copy(z_hbm.at[src_v.at[j]], rows_v, sem).wait()
            for v in range(CH // 16):
                sl = pl.ds(v * 16, 16)
                dstv = dst_v[j, sl]
                disg = plsc.load_gather(dis_v, [dstv])
                s_v[sl] = w_v[j, sl] * disg

            def rowloop(r0, carry2):
                svec = s_v[pl.ds(r0 * 16, 16)]
                for u in range(16):
                    sc = svec[u]
                    r = r0 * 16 + u
                    for cv in range(D // 16):
                        csl = pl.ds(cv * 16, 16)
                        rows_v[r, csl] = rows_v[r, csl] * sc
                return carry2

            lax.fori_loop(0, CH // 16, rowloop, 0)
            pltpu.sync_copy(rows_v, conv_sh.at[dst_v.at[j]], add=True)
            return carry

        lax.fori_loop(0, GCH, chunk, 0)
        return carry0

    lax.fori_loop(0, NGRP, group, 0)
    plsc.subcore_barrier()

    pltpu.sync_copy(conv_sh.at[pl.ds(sid * SPT, SPT)],
                    out_hbm.at[cid].at[pl.ds(sid * SPT, SPT)])


@functools.cache
def _edge_pass():
    mesh = plsc.VectorSubcoreMesh(core_axis_name="c", subcore_axis_name="s",
                                  num_cores=NC, num_subcores=NS)
    return pl.kernel(
        _edge_body,
        out_type=jax.ShapeDtypeStruct((NC, NPAD, D), jnp.float32),
        mesh=mesh,
        compiler_params=pltpu.CompilerParams(needs_layout_passes=False),
        scratch_types=[
            pltpu.VMEM((GCH, CH), jnp.int32),
            pltpu.VMEM((GCH, CH), jnp.int32),
            pltpu.VMEM((GCH, CH), jnp.float32),
            pltpu.VMEM((N,), jnp.float32),
            pltpu.VMEM((CH, D), jnp.float32),
            pltpu.VMEM((CH,), jnp.float32),
            pltpu.MemorySpace.VMEM_SHARED((NPAD, D), jnp.float32),
            pltpu.SemaphoreType.DMA,
        ],
    )


def _final_body(convp_ref, zsl_ref, b_ref, gnw_ref, gnb_ref, gnms_ref,
                batchr_ref, batchc_ref, h_ref, flat_ref):
    conv = convp_ref[0] + convp_ref[1] + zsl_ref[...] + b_ref[...]
    ms = gnms_ref[...]

    gids = lax.broadcasted_iota(jnp.int32, (G, N), 0)
    onehot = (batchr_ref[...] == gids).astype(jnp.float32)
    counts = jnp.sum(onehot, axis=1, keepdims=True)
    counts = jnp.maximum(counts, 1.0)
    s1 = jnp.dot(onehot, conv, preferred_element_type=jnp.float32)
    s2 = jnp.dot(onehot, conv * conv, preferred_element_type=jnp.float32)
    mean = s1 / counts
    msq = s2 / counts
    var = msq - (2.0 * ms - ms * ms) * mean * mean
    rstd = lax.rsqrt(var + EPS)
    scale = gnw_ref[...] * rstd
    shift = gnb_ref[...] - ms * mean * scale

    gcols = lax.broadcasted_iota(jnp.int32, (N, G), 1)
    onehot_t = (batchc_ref[...] == gcols).astype(jnp.float32)
    scale_full = jnp.dot(onehot_t, scale, preferred_element_type=jnp.float32)
    shift_full = jnp.dot(onehot_t, shift, preferred_element_type=jnp.float32)
    h = jnp.maximum(conv * scale_full + shift_full, 0.0)
    h_ref[...] = h

    neg_inf = jnp.float32(-jnp.inf)
    for g in range(G):
        mask = onehot_t[:, g:g + 1] > 0.0
        hm = jnp.where(mask, h, neg_inf)
        flat_ref[g:g + 1, :] = jnp.max(hm, axis=0, keepdims=True)


_final_pass = pl.pallas_call(
    _final_body,
    out_shape=[
        jax.ShapeDtypeStruct((N, D), jnp.float32),
        jax.ShapeDtypeStruct((G, D), jnp.float32),
    ],
)


def kernel(inputs, edge_index, batch, edge_weight, W, b,
           gn_weight, gn_bias, gn_mean_scale):
    src = edge_index[0].reshape(NW, NGRP, GCH, CH)
    dst = edge_index[1].reshape(NW, NGRP, GCH, CH)
    wre = edge_weight.reshape(NW, NGRP, GCH, CH)
    zeros_n = jnp.zeros((N,), jnp.float32)
    zeros_nd = jnp.zeros((NPAD, D), jnp.float32)

    deg_part = _deg_pass()(dst.reshape(NW, NCHUNK, CH),
                           wre.reshape(NW, NCHUNK, CH), zeros_n)
    degt = deg_part.T

    z, zsl, dis = _prep_pass(inputs, W, degt)

    conv_part = _edge_pass()(src, dst, wre, z, dis.reshape(N), zeros_nd)
    conv_part = conv_part[:, :N, :]

    h, flat = _final_pass(
        conv_part, zsl,
        b.reshape(1, D), gn_weight.reshape(1, D), gn_bias.reshape(1, D),
        gn_mean_scale.reshape(1, D),
        batch.reshape(1, N), batch.reshape(N, 1),
    )
    return (h, flat, edge_index, edge_weight, batch)

# --- scband reference (transcript-rebuilt; emitter-appended) ---
"""Pipeline reference for scband-gcnblock-33904471835028 (READ-ONLY COPY).

The authoritative reference and input builder live on the scoring server;
editing this copy changes nothing except your own understanding.
"""

import jax, jax.numpy as jnp
import numpy as np

N = 10000
E = 320000
D_IN = 128
D_H = 128
G = 16
EPS = 1e-5


def setup_inputs(seed: int = 0) -> dict:
    key = jax.random.key(seed)
    k1, k2, k3, k4, k5 = jax.random.split(key, 5)
    inputs = jax.random.normal(k1, (N, D_IN), dtype=jnp.float32)
    edge_index = jax.random.randint(k2, (2, E), 0, N, dtype=jnp.int32)
    batch = jnp.sort(jax.random.randint(k3, (N,), 0, G, dtype=jnp.int32))
    edge_weight = jax.random.uniform(k4, (E,), dtype=jnp.float32)
    # GCNConv parameters (PyG: lin without bias, separate bias added after aggregation)
    W = jax.random.normal(k5, (D_IN, D_H), dtype=jnp.float32) * (1.0 / np.sqrt(D_IN))
    b = jnp.zeros((D_H,), dtype=jnp.float32)
    # GraphNorm parameters (weight=1, bias=0, mean_scale=1 at init)
    gn_weight = jnp.ones((D_H,), dtype=jnp.float32)
    gn_bias = jnp.zeros((D_H,), dtype=jnp.float32)
    gn_mean_scale = jnp.ones((D_H,), dtype=jnp.float32)
    return {
        "inputs": inputs,
        "edge_index": edge_index,
        "batch": batch,
        "edge_weight": edge_weight,
        "W": W,
        "b": b,
        "gn_weight": gn_weight,
        "gn_bias": gn_bias,
        "gn_mean_scale": gn_mean_scale,
    }


def reference(inputs, edge_index, batch, edge_weight, W, b, gn_weight, gn_bias, gn_mean_scale):
    n = inputs.shape[0]
    src, dst = edge_index[0], edge_index[1]
    # --- GCNConv with add_self_loops=True and symmetric gcn_norm ---
    loop = jnp.arange(n, dtype=src.dtype)
    src_full = jnp.concatenate([src, loop])
    dst_full = jnp.concatenate([dst, loop])
    w_full = jnp.concatenate([edge_weight, jnp.ones((n,), dtype=edge_weight.dtype)])
    deg = jax.ops.segment_sum(w_full, dst_full, num_segments=n)
    deg_inv_sqrt = jnp.where(deg > 0, jax.lax.rsqrt(jnp.where(deg > 0, deg, 1.0)), 0.0)
    norm = deg_inv_sqrt[src_full] * w_full * deg_inv_sqrt[dst_full]
    x = inputs @ W
    msg = x[src_full] * norm[:, None]
    conv_out = jax.ops.segment_sum(msg, dst_full, num_segments=n) + b
    # --- GraphNorm (per-graph normalization over `batch`) ---
    ones = jnp.ones((n,), dtype=conv_out.dtype)
    counts = jax.ops.segment_sum(ones, batch, num_segments=G)
    counts = jnp.maximum(counts, 1.0)
    mean = jax.ops.segment_sum(conv_out, batch, num_segments=G) / counts[:, None]
    sub = conv_out - mean[batch] * gn_mean_scale
    var = jax.ops.segment_sum(sub * sub, batch, num_segments=G) / counts[:, None]
    std = jnp.sqrt(var + EPS)
    normed = gn_weight * sub / std[batch] + gn_bias
    h_emb = jax.nn.relu(normed)
    # add_residue=False -> no residual
    # --- global_max_pool over batch ---
    flat = jax.ops.segment_max(h_emb, batch, num_segments=G)
    return (h_emb, flat, edge_index, edge_weight, batch)

if __name__ == "__main__":
    import jax
    _d = setup_inputs()
    print(jax.jit(kernel)(*tuple(_d.values())))

</pallas_src>

<mosaic_0001>
#map = affine_map<(d0, d1) -> (0, 0, 0, 0)>
#map1 = affine_map<(d0, d1) -> (0, 0)>
#map2 = affine_map<(d0, d1) -> (0)>
#map3 = affine_map<(d0, d1) -> (0, 0, 0)>
module attributes {stable_mosaic.version = 14 : i64} {
  func.func @_edge_body(%arg0: i32, %arg1: i32, %arg2: memref<32x5x25x80xi32, #tpu.memory_space<hbm>>, %arg3: memref<32x5x25x80xi32, #tpu.memory_space<hbm>>, %arg4: memref<32x5x25x80xf32, #tpu.memory_space<hbm>>, %arg5: memref<10000x128xf32, #tpu.memory_space<hbm>>, %arg6: memref<10000xf32, #tpu.memory_space<hbm>>, %arg7: memref<10240x128xf32, #tpu.memory_space<hbm>>, %arg8: memref<2x10240x128xf32, #tpu.memory_space<hbm>>, %arg9: memref<25x80xi32, #tpu.memory_space<vmem>>, %arg10: memref<25x80xi32, #tpu.memory_space<vmem>>, %arg11: memref<25x80xf32, #tpu.memory_space<vmem>>, %arg12: memref<10000xf32, #tpu.memory_space<vmem>>, %arg13: memref<80x128xf32, #tpu.memory_space<vmem>>, %arg14: memref<80xf32, #tpu.memory_space<vmem>>, %arg15: memref<10240x128xf32, #tpu.memory_space<vmem_shared>>, %arg16: memref<!tpu.dma_semaphore, #tpu.memory_space<semaphore_mem>>) attributes {dimension_semantics = [#tpu.dimension_semantics<core_parallel>, #tpu.dimension_semantics<subcore_parallel>], iteration_bounds = array<i64: 2, 16>, scalar_prefetch = 0 : i64, scratch_operands = 8 : i64, tpu.core_type = #tpu.core_type<sc_vector_subcore>, window_params = [{transform_indices = #map}, {transform_indices = #map}, {transform_indices = #map}, {transform_indices = #map1}, {transform_indices = #map2}, {transform_indices = #map1}, {transform_indices = #map3}]} {
    %mul3A = arith.constant 16 : i32
    %mul3A_0 = arith.muli %arg0, %mul3A : i32
    %add3A = arith.addi %mul3A_0, %arg1 : i32
    %mul3A_1 = arith.constant 640 : i32
    %mul3A_2 = arith.muli %arg1, %mul3A_1 : i32
    %mul3A_3 = arith.constant 640 : i32
    %mul3A_4 = arith.muli %arg1, %mul3A_3 : i32
    "tpu.region"() ({
      %run_scoped3A = tpu.sem_alloc : memref<!tpu.dma_semaphore, #tpu.memory_space<semaphore_mem>>
      %dma_start3A = arith.constant 0 : i32
      %dma_start3A_15 = tpu.memref_slice %arg15[%mul3A_4, %dma_start3A] : memref<10240x128xf32, #tpu.memory_space<vmem_shared>> -> memref<640x128xf32, #tpu.memory_space<vmem_shared>>
      %dma_start3A_16 = arith.constant 0 : i32
      %dma_start3A_17 = tpu.memref_slice %arg7[%mul3A_2, %dma_start3A_16] : memref<10240x128xf32, #tpu.memory_space<hbm>> -> memref<640x128xf32, #tpu.memory_space<hbm>>
      tpu.enqueue_dma source(%dma_start3A_17 : memref<640x128xf32, #tpu.memory_space<hbm>>) target(%dma_start3A_15 : memref<640x128xf32, #tpu.memory_space<vmem_shared>>) target_semaphore(%run_scoped3A : memref<!tpu.dma_semaphore, #tpu.memory_space<semaphore_mem>>)
      %dma_wait3A = arith.constant 0 : i32
      %dma_wait3A_18 = tpu.memref_slice %arg15[%mul3A_4, %dma_wait3A] : memref<10240x128xf32, #tpu.memory_space<vmem_shared>> -> memref<640x128xf32, #tpu.memory_space<vmem_shared>>
      %dma_wait3A_19 = arith.constant 0 : i32
      %dma_wait3A_20 = tpu.memref_slice %arg7[%mul3A_2, %dma_wait3A_19] : memref<10240x128xf32, #tpu.memory_space<hbm>> -> memref<640x128xf32, #tpu.memory_space<hbm>>
      tpu.wait_dma2 semaphore(%run_scoped3A : memref<!tpu.dma_semaphore, #tpu.memory_space<semaphore_mem>>) src(%dma_wait3A_20 : memref<640x128xf32, #tpu.memory_space<hbm>>) dst(%dma_wait3A_18 : memref<640x128xf32, #tpu.memory_space<vmem_shared>>)
      tpu.yield
    }) : () -> ()
    "tpu.region"() ({
      %run_scoped3A = tpu.sem_alloc : memref<!tpu.dma_semaphore, #tpu.memory_space<semaphore_mem>>
      tpu.enqueue_dma source(%arg6 : memref<10000xf32, #tpu.memory_space<hbm>>) target(%arg12 : memref<10000xf32, #tpu.memory_space<vmem>>) target_semaphore(%run_scoped3A : memref<!tpu.dma_semaphore, #tpu.memory_space<semaphore_mem>>)
      tpu.wait_dma2 semaphore(%run_scoped3A : memref<!tpu.dma_semaphore, #tpu.memory_space<semaphore_mem>>) src(%arg6 : memref<10000xf32, #tpu.memory_space<hbm>>) dst(%arg12 : memref<10000xf32, #tpu.memory_space<vmem>>)
      tpu.yield
    }) : () -> ()
    %barrier3A = arith.constant 0 : index
    tpu.barrier barrier_id(%barrier3A)
    %scan3A = arith.constant 0 : i32
    %scan3A_5 = arith.constant 0 : i32
    %scan3A_6 = arith.constant 5 : i32
    %scan3A_7 = arith.addi %scan3A_5, %scan3A_6 : i32
    %scan3A_8 = arith.constant 1 : i32
    scf.for %scan3A_15 = %scan3A_5 to %scan3A_7 step %scan3A_8  : i32 {
      "tpu.region"() ({
        %run_scoped3A = tpu.sem_alloc : memref<!tpu.dma_semaphore, #tpu.memory_space<semaphore_mem>>
        %dma_start3A = arith.constant 0 : i32
        %dma_start3A_22 = arith.constant 0 : i32
        %dma_start3A_23 = arith.constant 0 : i32
        %dma_start3A_24 = tpu.memref_slice %arg2[%add3A, %dma_start3A, %dma_start3A_22, %dma_start3A_23] : memref<32x5x25x80xi32, #tpu.memory_space<hbm>> -> memref<1x5x25x80xi32, #tpu.memory_space<hbm>>
        %dma_start3A_25 = tpu.memref_squeeze %dma_start3A_24 : memref<1x5x25x80xi32, #tpu.memory_space<hbm>> -> memref<5x25x80xi32, #tpu.memory_space<hbm>>
        %dma_start3A_26 = arith.constant 0 : i32
        %dma_start3A_27 = arith.constant 0 : i32
        %dma_start3A_28 = tpu.memref_slice %dma_start3A_25[%scan3A_15, %dma_start3A_26, %dma_start3A_27] : memref<5x25x80xi32, #tpu.memory_space<hbm>> -> memref<1x25x80xi32, #tpu.memory_space<hbm>>
        %dma_start3A_29 = tpu.memref_squeeze %dma_start3A_28 : memref<1x25x80xi32, #tpu.memory_space<hbm>> -> memref<25x80xi32, #tpu.memory_space<hbm>>
        %dma_start3A_30 = arith.constant 0 : i32
        %dma_start3A_31 = arith.constant 0 : i32
        %dma_start3A_32 = arith.constant 0 : i32
        %dma_start3A_33 = tpu.memref_slice %arg2[%add3A, %dma_start3A_30, %dma_start3A_31, %dma_start3A_32] : memref<32x5x25x80xi32, #tpu.memory_space<hbm>> -> memref<1x5x25x80xi32, #tpu.memory_space<hbm>>
        %dma_start3A_34 = tpu.memref_squeeze %dma_start3A_33 : memref<1x5x25x80xi32, #tpu.memory_space<hbm>> -> memref<5x25x80xi32, #tpu.memory_space<hbm>>
        %dma_start3A_35 = arith.constant 0 : i32
        %dma_start3A_36 = arith.constant 0 : i32
        %dma_start3A_37 = tpu.memref_slice %dma_start3A_34[%scan3A_15, %dma_start3A_35, %dma_start3A_36] : memref<5x25x80xi32, #tpu.memory_space<hbm>> -> memref<1x25x80xi32, #tpu.memory_space<hbm>>
        %dma_start3A_38 = tpu.memref_squeeze %dma_start3A_37 : memref<1x25x80xi32, #tpu.memory_space<hbm>> -> memref<25x80xi32, #tpu.memory_space<hbm>>
        tpu.enqueue_dma source(%dma_start3A_38 : memref<25x80xi32, #tpu.memory_space<hbm>>) target(%arg9 : memref<25x80xi32, #tpu.memory_space<vmem>>) target_semaphore(%run_scoped3A : memref<!tpu.dma_semaphore, #tpu.memory_space<semaphore_mem>>)
        %dma_wait3A = arith.constant 0 : i32
        %dma_wait3A_39 = arith.constant 0 : i32
        %dma_wait3A_40 = arith.constant 0 : i32
        %dma_wait3A_41 = tpu.memref_slice %arg2[%add3A, %dma_wait3A, %dma_wait3A_39, %dma_wait3A_40] : memref<32x5x25x80xi32, #tpu.memory_space<hbm>> -> memref<1x5x25x80xi32, #tpu.memory_space<hbm>>
        %dma_wait3A_42 = tpu.memref_squeeze %dma_wait3A_41 : memref<1x5x25x80xi32, #tpu.memory_space<hbm>> -> memref<5x25x80xi32, #tpu.memory_space<hbm>>
        %dma_wait3A_43 = arith.constant 0 : i32
        %dma_wait3A_44 = arith.constant 0 : i32
        %dma_wait3A_45 = tpu.memref_slice %dma_wait3A_42[%scan3A_15, %dma_wait3A_43, %dma_wait3A_44] : memref<5x25x80xi32, #tpu.memory_space<hbm>> -> memref<1x25x80xi32, #tpu.memory_space<hbm>>
        %dma_wait3A_46 = tpu.memref_squeeze %dma_wait3A_45 : memref<1x25x80xi32, #tpu.memory_space<hbm>> -> memref<25x80xi32, #tpu.memory_space<hbm>>
        %dma_wait3A_47 = arith.constant 0 : i32
        %dma_wait3A_48 = arith.constant 0 : i32
        %dma_wait3A_49 = arith.constant 0 : i32
        %dma_wait3A_50 = tpu.memref_slice %arg2[%add3A, %dma_wait3A_47, %dma_wait3A_48, %dma_wait3A_49] : memref<32x5x25x80xi32, #tpu.memory_space<hbm>> -> memref<1x5x25x80xi32, #tpu.memory_space<hbm>>
        %dma_wait3A_51 = tpu.memref_squeeze %dma_wait3A_50 : memref<1x5x25x80xi32, #tpu.memory_space<hbm>> -> memref<5x25x80xi32, #tpu.memory_space<hbm>>
        %dma_wait3A_52 = arith.constant 0 : i32
        %dma_wait3A_53 = arith.constant 0 : i32
        %dma_wait3A_54 = tpu.memref_slice %dma_wait3A_51[%scan3A_15, %dma_wait3A_52, %dma_wait3A_53] : memref<5x25x80xi32, #tpu.memory_space<hbm>> -> memref<1x25x80xi32, #tpu.memory_space<hbm>>
        %dma_wait3A_55 = tpu.memref_squeeze %dma_wait3A_54 : memref<1x25x80xi32, #tpu.memory_space<hbm>> -> memref<25x80xi32, #tpu.memory_space<hbm>>
        tpu.wait_dma2 semaphore(%run_scoped3A : memref<!tpu.dma_semaphore, #tpu.memory_space<semaphore_mem>>) src(%dma_wait3A_55 : memref<25x80xi32, #tpu.memory_space<hbm>>) dst(%arg9 : memref<25x80xi32, #tpu.memory_space<vmem>>)
        tpu.yield
      }) : () -> ()
      "tpu.region"() ({
        %run_scoped3A = tpu.sem_alloc : memref<!tpu.dma_semaphore, #tpu.memory_space<semaphore_mem>>
        %dma_start3A = arith.constant 0 : i32
        %dma_start3A_22 = arith.constant 0 : i32
        %dma_start3A_23 = arith.constant 0 : i32
        %dma_start3A_24 = tpu.memref_slice %arg3[%add3A, %dma_start3A, %dma_start3A_22, %dma_start3A_23] : memref<32x5x25x80xi32, #tpu.memory_space<hbm>> -> memref<1x5x25x80xi32, #tpu.memory_space<hbm>>
        %dma_start3A_25 = tpu.memref_squeeze %dma_start3A_24 : memref<1x5x25x80xi32, #tpu.memory_space<hbm>> -> memref<5x25x80xi32, #tpu.memory_space<hbm>>
        %dma_start3A_26 = arith.constant 0 : i32
        %dma_start3A_27 = arith.constant 0 : i32
        %dma_start3A_28 = tpu.memref_slice %dma_start3A_25[%scan3A_15, %dma_start3A_26, %dma_start3A_27] : memref<5x25x80xi32, #tpu.memory_space<hbm>> -> memref<1x25x80xi32, #tpu.memory_space<hbm>>
        %dma_start3A_29 = tpu.memref_squeeze %dma_start3A_28 : memref<1x25x80xi32, #tpu.memory_space<hbm>> -> memref<25x80xi32, #tpu.memory_space<hbm>>
        %dma_start3A_30 = arith.constant 0 : i32
        %dma_start3A_31 = arith.constant 0 : i32
        %dma_start3A_32 = arith.constant 0 : i32
        %dma_start3A_33 = tpu.memref_slice %arg3[%add3A, %dma_start3A_30, %dma_start3A_31, %dma_start3A_32] : memref<32x5x25x80xi32, #tpu.memory_space<hbm>> -> memref<1x5x25x80xi32, #tpu.memory_space<hbm>>
        %dma_start3A_34 = tpu.memref_squeeze %dma_start3A_33 : memref<1x5x25x80xi32, #tpu.memory_space<hbm>> -> memref<5x25x80xi32, #tpu.memory_space<hbm>>
        %dma_start3A_35 = arith.constant 0 : i32
        %dma_start3A_36 = arith.constant 0 : i32
        %dma_start3A_37 = tpu.memref_slice %dma_start3A_34[%scan3A_15, %dma_start3A_35, %dma_start3A_36] : memref<5x25x80xi32, #tpu.memory_space<hbm>> -> memref<1x25x80xi32, #tpu.memory_space<hbm>>
        %dma_start3A_38 = tpu.memref_squeeze %dma_start3A_37 : memref<1x25x80xi32, #tpu.memory_space<hbm>> -> memref<25x80xi32, #tpu.memory_space<hbm>>
        tpu.enqueue_dma source(%dma_start3A_38 : memref<25x80xi32, #tpu.memory_space<hbm>>) target(%arg10 : memref<25x80xi32, #tpu.memory_space<vmem>>) target_semaphore(%run_scoped3A : memref<!tpu.dma_semaphore, #tpu.memory_space<semaphore_mem>>)
        %dma_wait3A = arith.constant 0 : i32
        %dma_wait3A_39 = arith.constant 0 : i32
        %dma_wait3A_40 = arith.constant 0 : i32
        %dma_wait3A_41 = tpu.memref_slice %arg3[%add3A, %dma_wait3A, %dma_wait3A_39, %dma_wait3A_40] : memref<32x5x25x80xi32, #tpu.memory_space<hbm>> -> memref<1x5x25x80xi32, #tpu.memory_space<hbm>>
        %dma_wait3A_42 = tpu.memref_squeeze %dma_wait3A_41 : memref<1x5x25x80xi32, #tpu.memory_space<hbm>> -> memref<5x25x80xi32, #tpu.memory_space<hbm>>
        %dma_wait3A_43 = arith.constant 0 : i32
        %dma_wait3A_44 = arith.constant 0 : i32
        %dma_wait3A_45 = tpu.memref_slice %dma_wait3A_42[%scan3A_15, %dma_wait3A_43, %dma_wait3A_44] : memref<5x25x80xi32, #tpu.memory_space<hbm>> -> memref<1x25x80xi32, #tpu.memory_space<hbm>>
        %dma_wait3A_46 = tpu.memref_squeeze %dma_wait3A_45 : memref<1x25x80xi32, #tpu.memory_space<hbm>> -> memref<25x80xi32, #tpu.memory_space<hbm>>
        %dma_wait3A_47 = arith.constant 0 : i32
        %dma_wait3A_48 = arith.constant 0 : i32
        %dma_wait3A_49 = arith.constant 0 : i32
        %dma_wait3A_50 = tpu.memref_slice %arg3[%add3A, %dma_wait3A_47, %dma_wait3A_48, %dma_wait3A_49] : memref<32x5x25x80xi32, #tpu.memory_space<hbm>> -> memref<1x5x25x80xi32, #tpu.memory_space<hbm>>
        %dma_wait3A_51 = tpu.memref_squeeze %dma_wait3A_50 : memref<1x5x25x80xi32, #tpu.memory_space<hbm>> -> memref<5x25x80xi32, #tpu.memory_space<hbm>>
        %dma_wait3A_52 = arith.constant 0 : i32
        %dma_wait3A_53 = arith.constant 0 : i32
        %dma_wait3A_54 = tpu.memref_slice %dma_wait3A_51[%scan3A_15, %dma_wait3A_52, %dma_wait3A_53] : memref<5x25x80xi32, #tpu.memory_space<hbm>> -> memref<1x25x80xi32, #tpu.memory_space<hbm>>
        %dma_wait3A_55 = tpu.memref_squeeze %dma_wait3A_54 : memref<1x25x80xi32, #tpu.memory_space<hbm>> -> memref<25x80xi32, #tpu.memory_space<hbm>>
        tpu.wait_dma2 semaphore(%run_scoped3A : memref<!tpu.dma_semaphore, #tpu.memory_space<semaphore_mem>>) src(%dma_wait3A_55 : memref<25x80xi32, #tpu.memory_space<hbm>>) dst(%arg10 : memref<25x80xi32, #tpu.memory_space<vmem>>)
        tpu.yield
      }) : () -> ()
      "tpu.region"() ({
        %run_scoped3A = tpu.sem_alloc : memref<!tpu.dma_semaphore, #tpu.memory_space<semaphore_mem>>
        %dma_start3A = arith.constant 0 : i32
        %dma_start3A_22 = arith.constant 0 : i32
        %dma_start3A_23 = arith.constant 0 : i32
        %dma_start3A_24 = tpu.memref_slice %arg4[%add3A, %dma_start3A, %dma_start3A_22, %dma_start3A_23] : memref<32x5x25x80xf32, #tpu.memory_space<hbm>> -> memref<1x5x25x80xf32, #tpu.memory_space<hbm>>
        %dma_start3A_25 = tpu.memref_squeeze %dma_start3A_24 : memref<1x5x25x80xf32, #tpu.memory_space<hbm>> -> memref<5x25x80xf32, #tpu.memory_space<hbm>>
        %dma_start3A_26 = arith.constant 0 : i32
        %dma_start3A_27 = arith.constant 0 : i32
        %dma_start3A_28 = tpu.memref_slice %dma_start3A_25[%scan3A_15, %dma_start3A_26, %dma_start3A_27] : memref<5x25x80xf32, #tpu.memory_space<hbm>> -> memref<1x25x80xf32, #tpu.memory_space<hbm>>
        %dma_start3A_29 = tpu.memref_squeeze %dma_start3A_28 : memref<1x25x80xf32, #tpu.memory_space<hbm>> -> memref<25x80xf32, #tpu.memory_space<hbm>>
        %dma_start3A_30 = arith.constant 0 : i32
        %dma_start3A_31 = arith.constant 0 : i32
        %dma_start3A_32 = arith.constant 0 : i32
        %dma_start3A_33 = tpu.memref_slice %arg4[%add3A, %dma_start3A_30, %dma_start3A_31, %dma_start3A_32] : memref<32x5x25x80xf32, #tpu.memory_space<hbm>> -> memref<1x5x25x80xf32, #tpu.memory_space<hbm>>
        %dma_start3A_34 = tpu.memref_squeeze %dma_start3A_33 : memref<1x5x25x80xf32, #tpu.memory_space<hbm>> -> memref<5x25x80xf32, #tpu.memory_space<hbm>>
        %dma_start3A_35 = arith.constant 0 : i32
        %dma_start3A_36 = arith.constant 0 : i32
        %dma_start3A_37 = tpu.memref_slice %dma_start3A_34[%scan3A_15, %dma_start3A_35, %dma_start3A_36] : memref<5x25x80xf32, #tpu.memory_space<hbm>> -> memref<1x25x80xf32, #tpu.memory_space<hbm>>
        %dma_start3A_38 = tpu.memref_squeeze %dma_start3A_37 : memref<1x25x80xf32, #tpu.memory_space<hbm>> -> memref<25x80xf32, #tpu.memory_space<hbm>>
        tpu.enqueue_dma source(%dma_start3A_38 : memref<25x80xf32, #tpu.memory_space<hbm>>) target(%arg11 : memref<25x80xf32, #tpu.memory_space<vmem>>) target_semaphore(%run_scoped3A : memref<!tpu.dma_semaphore, #tpu.memory_space<semaphore_mem>>)
        %dma_wait3A = arith.constant 0 : i32
        %dma_wait3A_39 = arith.constant 0 : i32
        %dma_wait3A_40 = arith.constant 0 : i32
        %dma_wait3A_41 = tpu.memref_slice %arg4[%add3A, %dma_wait3A, %dma_wait3A_39, %dma_wait3A_40] : memref<32x5x25x80xf32, #tpu.memory_space<hbm>> -> memref<1x5x25x80xf32, #tpu.memory_space<hbm>>
        %dma_wait3A_42 = tpu.memref_squeeze %dma_wait3A_41 : memref<1x5x25x80xf32, #tpu.memory_space<hbm>> -> memref<5x25x80xf32, #tpu.memory_space<hbm>>
        %dma_wait3A_43 = arith.constant 0 : i32
        %dma_wait3A_44 = arith.constant 0 : i32
        %dma_wait3A_45 = tpu.memref_slice %dma_wait3A_42[%scan3A_15, %dma_wait3A_43, %dma_wait3A_44] : memref<5x25x80xf32, #tpu.memory_space<hbm>> -> memref<1x25x80xf32, #tpu.memory_space<hbm>>
        %dma_wait3A_46 = tpu.memref_squeeze %dma_wait3A_45 : memref<1x25x80xf32, #tpu.memory_space<hbm>> -> memref<25x80xf32, #tpu.memory_space<hbm>>
        %dma_wait3A_47 = arith.constant 0 : i32
        %dma_wait3A_48 = arith.constant 0 : i32
        %dma_wait3A_49 = arith.constant 0 : i32
        %dma_wait3A_50 = tpu.memref_slice %arg4[%add3A, %dma_wait3A_47, %dma_wait3A_48, %dma_wait3A_49] : memref<32x5x25x80xf32, #tpu.memory_space<hbm>> -> memref<1x5x25x80xf32, #tpu.memory_space<hbm>>
        %dma_wait3A_51 = tpu.memref_squeeze %dma_wait3A_50 : memref<1x5x25x80xf32, #tpu.memory_space<hbm>> -> memref<5x25x80xf32, #tpu.memory_space<hbm>>
        %dma_wait3A_52 = arith.constant 0 : i32
        %dma_wait3A_53 = arith.constant 0 : i32
        %dma_wait3A_54 = tpu.memref_slice %dma_wait3A_51[%scan3A_15, %dma_wait3A_52, %dma_wait3A_53] : memref<5x25x80xf32, #tpu.memory_space<hbm>> -> memref<1x25x80xf32, #tpu.memory_space<hbm>>
        %dma_wait3A_55 = tpu.memref_squeeze %dma_wait3A_54 : memref<1x25x80xf32, #tpu.memory_space<hbm>> -> memref<25x80xf32, #tpu.memory_space<hbm>>
        tpu.wait_dma2 semaphore(%run_scoped3A : memref<!tpu.dma_semaphore, #tpu.memory_space<semaphore_mem>>) src(%dma_wait3A_55 : memref<25x80xf32, #tpu.memory_space<hbm>>) dst(%arg11 : memref<25x80xf32, #tpu.memory_space<vmem>>)
        tpu.yield
      }) : () -> ()
      %scan3A_16 = arith.constant 0 : i32
      %scan3A_17 = arith.constant 0 : i32
      %scan3A_18 = arith.constant 25 : i32
      %scan3A_19 = arith.addi %scan3A_17, %scan3A_18 : i32
      %scan3A_20 = arith.constant 1 : i32
      scf.for %scan3A_22 = %scan3A_17 to %scan3A_19 step %scan3A_20  : i32 {
        %dma_start3A = arith.constant 0 : i32
        %dma_start3A_23 = tpu.memref_slice %arg9[%scan3A_22, %dma_start3A] : memref<25x80xi32, #tpu.memory_space<vmem>> -> memref<1x80xi32, #tpu.memory_space<vmem>>
        %dma_start3A_24 = tpu.memref_squeeze %dma_start3A_23 : memref<1x80xi32, #tpu.memory_space<vmem>> -> memref<80xi32, #tpu.memory_space<vmem>>
        %dma_start3A_25 = arith.constant 0 : i32
        %dma_start3A_26 = arith.constant 0 : i32
        %dma_start3A_27 = tpu.memref_slice %arg5[%dma_start3A_25, %dma_start3A_26] : memref<10000x128xf32, #tpu.memory_space<hbm>> -> memref<10000x128xf32, #tpu.memory_space<hbm>>
        tpu.enqueue_indirect_dma source(%dma_start3A_27 : memref<10000x128xf32, #tpu.memory_space<hbm>>) target(%arg13 : memref<80x128xf32, #tpu.memory_space<vmem>>) offsets(%dma_start3A_24 : memref<80xi32, #tpu.memory_space<vmem>>) semaphore(%arg16 : memref<!tpu.dma_semaphore, #tpu.memory_space<semaphore_mem>>)
        %dma_wait3A = arith.constant 0 : i32
        %dma_wait3A_28 = tpu.memref_slice %arg9[%scan3A_22, %dma_wait3A] : memref<25x80xi32, #tpu.memory_space<vmem>> -> memref<1x80xi32, #tpu.memory_space<vmem>>
        %dma_wait3A_29 = tpu.memref_squeeze %dma_wait3A_28 : memref<1x80xi32, #tpu.memory_space<vmem>> -> memref<80xi32, #tpu.memory_space<vmem>>
        %dma_wait3A_30 = arith.constant 0 : i32
        %dma_wait3A_31 = arith.constant 0 : i32
        %dma_wait3A_32 = tpu.memref_slice %arg5[%dma_wait3A_30, %dma_wait3A_31] : memref<10000x128xf32, #tpu.memory_space<hbm>> -> memref<10000x128xf32, #tpu.memory_space<hbm>>
        tpu.wait_indirect_dma semaphore(%arg16 : memref<!tpu.dma_semaphore, #tpu.memory_space<semaphore_mem>>) src(%dma_wait3A_32 : memref<10000x128xf32, #tpu.memory_space<hbm>>) dst(%arg13 : memref<80x128xf32, #tpu.memory_space<vmem>>)
        %get3A = arith.index_cast %scan3A_22 : i32 to index
        %get3A_33 = arith.constant 0 : index
        %get3A_34 = tpu.vector_load %arg10[%get3A, %get3A_33] {strides = array<i32>} : memref<25x80xi32, #tpu.memory_space<vmem>>, vector<16xi32>,
        %gather3A = tpu.vector_load_idx %arg12[%get3A_34] : memref<10000xf32, #tpu.memory_space<vmem>>[vector<16xi32>], vector<16xf32>,
        %get3A_35 = arith.index_cast %scan3A_22 : i32 to index
        %get3A_36 = arith.constant 0 : index
        %get3A_37 = tpu.vector_load %arg11[%get3A_35, %get3A_36] {strides = array<i32>} : memref<25x80xf32, #tpu.memory_space<vmem>>, vector<16xf32>,
        %mul3A_38 = arith.mulf %get3A_37, %gather3A : vector<16xf32>
        %swap3A = arith.constant 0 : index
        %swap3A_39 = tpu.vector_load %arg14[%swap3A] {strides = array<i32>} : memref<80xf32, #tpu.memory_space<vmem>>, vector<16xf32>,
        tpu.vector_store %arg14[%swap3A], %mul3A_38 {strides = array<i32>} : memref<80xf32, #tpu.memory_space<vmem>>, vector<16xf32>,
        %get3A_40 = arith.index_cast %scan3A_22 : i32 to index
        %get3A_41 = arith.constant 16 : index
        %get3A_42 = tpu.vector_load %arg10[%get3A_40, %get3A_41] {strides = array<i32>} : memref<25x80xi32, #tpu.memory_space<vmem>>, vector<16xi32>,
        %gather3A_43 = tpu.vector_load_idx %arg12[%get3A_42] : memref<10000xf32, #tpu.memory_space<vmem>>[vector<16xi32>], vector<16xf32>,
        %get3A_44 = arith.index_cast %scan3A_22 : i32 to index
        %get3A_45 = arith.constant 16 : index
        %get3A_46 = tpu.vector_load %arg11[%get3A_44, %get3A_45] {strides = array<i32>} : memref<25x80xf32, #tpu.memory_space<vmem>>, vector<16xf32>,
        %mul3A_47 = arith.mulf %get3A_46, %gather3A_43 : vector<16xf32>
        %swap3A_48 = arith.constant 16 : index
        %swap3A_49 = tpu.vector_load %arg14[%swap3A_48] {strides = array<i32>} : memref<80xf32, #tpu.memory_space<vmem>>, vector<16xf32>,
        tpu.vector_store %arg14[%swap3A_48], %mul3A_47 {strides = array<i32>} : memref<80xf32, #tpu.memory_space<vmem>>, vector<16xf32>,
        %get3A_50 = arith.index_cast %scan3A_22 : i32 to index
        %get3A_51 = arith.constant 32 : index
        %get3A_52 = tpu.vector_load %arg10[%get3A_50, %get3A_51] {strides = array<i32>} : memref<25x80xi32, #tpu.memory_space<vmem>>, vector<16xi32>,
        %gather3A_53 = tpu.vector_load_idx %arg12[%get3A_52] : memref<10000xf32, #tpu.memory_space<vmem>>[vector<16xi32>], vector<16xf32>,
        %get3A_54 = arith.index_cast %scan3A_22 : i32 to index
        %get3A_55 = arith.constant 32 : index
        %get3A_56 = tpu.vector_load %arg11[%get3A_54, %get3A_55] {strides = array<i32>} : memref<25x80xf32, #tpu.memory_space<vmem>>, vector<16xf32>,
        %mul3A_57 = arith.mulf %get3A_56, %gather3A_53 : vector<16xf32>
        %swap3A_58 = arith.constant 32 : index
        %swap3A_59 = tpu.vector_load %arg14[%swap3A_58] {strides = array<i32>} : memref<80xf32, #tpu.memory_space<vmem>>, vector<16xf32>,
        tpu.vector_store %arg14[%swap3A_58], %mul3A_57 {strides = array<i32>} : memref<80xf32, #tpu.memory_space<vmem>>, vector<16xf32>,
        %get3A_60 = arith.index_cast %scan3A_22 : i32 to index
        %get3A_61 = arith.constant 48 : index
        %get3A_62 = tpu.vector_load %arg10[%get3A_60, %get3A_61] {strides = array<i32>} : memref<25x80xi32, #tpu.memory_space<vmem>>, vector<16xi32>,
        %gather3A_63 = tpu.vector_load_idx %arg12[%get3A_62] : memref<10000xf32, #tpu.memory_space<vmem>>[vector<16xi32>], vector<16xf32>,
        %get3A_64 = arith.index_cast %scan3A_22 : i32 to index
        %get3A_65 = arith.constant 48 : index
        %get3A_66 = tpu.vector_load %arg11[%get3A_64, %get3A_65] {strides = array<i32>} : memref<25x80xf32, #tpu.memory_space<vmem>>, vector<16xf32>,
        %mul3A_67 = arith.mulf %get3A_66, %gather3A_63 : vector<16xf32>
        %swap3A_68 = arith.constant 48 : index
        %swap3A_69 = tpu.vector_load %arg14[%swap3A_68] {strides = array<i32>} : memref<80xf32, #tpu.memory_space<vmem>>, vector<16xf32>,
        tpu.vector_store %arg14[%swap3A_68], %mul3A_67 {strides = array<i32>} : memref<80xf32, #tpu.memory_space<vmem>>, vector<16xf32>,
        %get3A_70 = arith.index_cast %scan3A_22 : i32 to index
        %get3A_71 = arith.constant 64 : index
        %get3A_72 = tpu.vector_load %arg10[%get3A_70, %get3A_71] {strides = array<i32>} : memref<25x80xi32, #tpu.memory_space<vmem>>, vector<16xi32>,
        %gather3A_73 = tpu.vector_load_idx %arg12[%get3A_72] : memref<10000xf32, #tpu.memory_space<vmem>>[vector<16xi32>], vector<16xf32>,
        %get3A_74 = arith.index_cast %scan3A_22 : i32 to index
        %get3A_75 = arith.constant 64 : index
        %get3A_76 = tpu.vector_load %arg11[%get3A_74, %get3A_75] {strides = array<i32>} : memref<25x80xf32, #tpu.memory_space<vmem>>, vector<16xf32>,
        %mul3A_77 = arith.mulf %get3A_76, %gather3A_73 : vector<16xf32>
        %swap3A_78 = arith.constant 64 : index
        %swap3A_79 = tpu.vector_load %arg14[%swap3A_78] {strides = array<i32>} : memref<80xf32, #tpu.memory_space<vmem>>, vector<16xf32>,
        tpu.vector_store %arg14[%swap3A_78], %mul3A_77 {strides = array<i32>} : memref<80xf32, #tpu.memory_space<vmem>>, vector<16xf32>,
        %scan3A_80 = arith.constant 0 : i32
        %scan3A_81 = arith.constant 0 : i32
        %scan3A_82 = arith.constant 5 : i32
        %scan3A_83 = arith.addi %scan3A_81, %scan3A_82 : i32
        %scan3A_84 = arith.constant 1 : i32
        scf.for %scan3A_86 = %scan3A_81 to %scan3A_83 step %scan3A_84  : i32 {
          %mul3A_87 = arith.constant 16 : i32
          %mul3A_88 = arith.muli %scan3A_86, %mul3A_87 : i32
          %get3A_89 = arith.index_cast %mul3A_88 : i32 to index
          %get3A_90 = tpu.vector_load %arg14[%get3A_89] {strides = array<i32>} : memref<80xf32, #tpu.memory_space<vmem>>, vector<16xf32>,
          %slice3A = vector.extract_strided_slice %get3A_90 {offsets = [0], sizes = [1], strides = [1]} : vector<16xf32> to vector<1xf32>
          %squeeze3A = vector.extract %slice3A[0] : f32 from vector<1xf32>
          %mul3A_91 = arith.constant 16 : i32
          %mul3A_92 = arith.muli %scan3A_86, %mul3A_91 : i32
          %add3A_93 = arith.constant 0 : i32
          %add3A_94 = arith.addi %mul3A_92, %add3A_93 : i32
          %get3A_95 = arith.index_cast %add3A_94 : i32 to index
          %get3A_96 = arith.constant 0 : index
          %get3A_97 = tpu.vector_load %arg13[%get3A_95, %get3A_96] {strides = array<i32>} : memref<80x128xf32, #tpu.memory_space<vmem>>, vector<16xf32>,
          %mul3A_98 = vector.broadcast %squeeze3A : f32 to vector<16xf32>
          %mul3A_99 = arith.mulf %get3A_97, %mul3A_98 : vector<16xf32>
          %swap3A_100 = arith.index_cast %add3A_94 : i32 to index
          %swap3A_101 = arith.constant 0 : index
          %swap3A_102 = tpu.vector_load %arg13[%swap3A_100, %swap3A_101] {strides = array<i32>} : memref<80x128xf32, #tpu.memory_space<vmem>>, vector<16xf32>,
          tpu.vector_store %arg13[%swap3A_100, %swap3A_101], %mul3A_99 {strides = array<i32>} : memref<80x128xf32, #tpu.memory_space<vmem>>, vector<16xf32>,
          %get3A_103 = arith.index_cast %add3A_94 : i32 to index
          %get3A_104 = arith.constant 16 : index
          %get3A_105 = tpu.vector_load %arg13[%get3A_103, %get3A_104] {strides = array<i32>} : memref<80x128xf32, #tpu.memory_space<vmem>>, vector<16xf32>,
          %mul3A_106 = vector.broadcast %squeeze3A : f32 to vector<16xf32>
          %mul3A_107 = arith.mulf %get3A_105, %mul3A_106 : vector<16xf32>
          %swap3A_108 = arith.index_cast %add3A_94 : i32 to index
          %swap3A_109 = arith.constant 16 : index
          %swap3A_110 = tpu.vector_load %arg13[%swap3A_108, %swap3A_109] {strides = array<i32>} : memref<80x128xf32, #tpu.memory_space<vmem>>, vector<16xf32>,
          tpu.vector_store %arg13[%swap3A_108, %swap3A_109], %mul3A_107 {strides = array<i32>} : memref<80x128xf32, #tpu.memory_space<vmem>>, vector<16xf32>,
          %get3A_111 = arith.index_cast %add3A_94 : i32 to index
          %get3A_112 = arith.constant 32 : index
          %get3A_113 = tpu.vector_load %arg13[%get3A_111, %get3A_112] {strides = array<i32>} : memref<80x128xf32, #tpu.memory_space<vmem>>, vector<16xf32>,
          %mul3A_114 = vector.broadcast %squeeze3A : f32 to vector<16xf32>
          %mul3A_115 = arith.mulf %get3A_113, %mul3A_114 : vector<16xf32>
          %swap3A_116 = arith.index_cast %add3A_94 : i32 to index
          %swap3A_117 = arith.constant 32 : index
          %swap3A_118 = tpu.vector_load %arg13[%swap3A_116, %swap3A_117] {strides = array<i32>} : memref<80x128xf32, #tpu.memory_space<vmem>>, vector<16xf32>,
          tpu.vector_store %arg13[%swap3A_116, %swap3A_117], %mul3A_115 {strides = array<i32>} : memref<80x128xf32, #tpu.memory_space<vmem>>, vector<16xf32>,
          %get3A_119 = arith.index_cast %add3A_94 : i32 to index
          %get3A_120 = arith.constant 48 : index
          %get3A_121 = tpu.vector_load %arg13[%get3A_119, %get3A_120] {strides = array<i32>} : memref<80x128xf32, #tpu.memory_space<vmem>>, vector<16xf32>,
          %mul3A_122 = vector.broadcast %squeeze3A : f32 to vector<16xf32>
          %mul3A_123 = arith.mulf %get3A_121, %mul3A_122 : vector<16xf32>
          %swap3A_124 = arith.index_cast %add3A_94 : i32 to index
          %swap3A_125 = arith.constant 48 : index
          %swap3A_126 = tpu.vector_load %arg13[%swap3A_124, %swap3A_125] {strides = array<i32>} : memref<80x128xf32, #tpu.memory_space<vmem>>, vector<16xf32>,
          tpu.vector_store %arg13[%swap3A_124, %swap3A_125], %mul3A_123 {strides = array<i32>} : memref<80x128xf32, #tpu.memory_space<vmem>>, vector<16xf32>,
          %get3A_127 = arith.index_cast %add3A_94 : i32 to index
          %get3A_128 = arith.constant 64 : index
          %get3A_129 = tpu.vector_load %arg13[%get3A_127, %get3A_128] {strides = array<i32>} : memref<80x128xf32, #tpu.memory_space<vmem>>, vector<16xf32>,
          %mul3A_130 = vector.broadcast %squeeze3A : f32 to vector<16xf32>
          %mul3A_131 = arith.mulf %get3A_129, %mul3A_130 : vector<16xf32>
          %swap3A_132 = arith.index_cast %add3A_94 : i32 to index
          %swap3A_133 = arith.constant 64 : index
          %swap3A_134 = tpu.vector_load %arg13[%swap3A_132, %swap3A_133] {strides = array<i32>} : memref<80x128xf32, #tpu.memory_space<vmem>>, vector<16xf32>,
          tpu.vector_store %arg13[%swap3A_132, %swap3A_133], %mul3A_131 {strides = array<i32>} : memref<80x128xf32, #tpu.memory_space<vmem>>, vector<16xf32>,
          %get3A_135 = arith.index_cast %add3A_94 : i32 to index
          %get3A_136 = arith.constant 80 : index
          %get3A_137 = tpu.vector_load %arg13[%get3A_135, %get3A_136] {strides = array<i32>} : memref<80x128xf32, #tpu.memory_space<vmem>>, vector<16xf32>,
          %mul3A_138 = vector.broadcast %squeeze3A : f32 to vector<16xf32>
          %mul3A_139 = arith.mulf %get3A_137, %mul3A_138 : vector<16xf32>
          %swap3A_140 = arith.index_cast %add3A_94 : i32 to index
          %swap3A_141 = arith.constant 80 : index
          %swap3A_142 = tpu.vector_load %arg13[%swap3A_140, %swap3A_141] {strides = array<i32>} : memref<80x128xf32, #tpu.memory_space<vmem>>, vector<16xf32>,
          tpu.vector_store %arg13[%swap3A_140, %swap3A_141], %mul3A_139 {strides = array<i32>} : memref<80x128xf32, #tpu.memory_space<vmem>>, vector<16xf32>,
          %get3A_143 = arith.index_cast %add3A_94 : i32 to index
          %get3A_144 = arith.constant 96 : index
          %get3A_145 = tpu.vector_load %arg13[%get3A_143, %get3A_144] {strides = array<i32>} : memref<80x128xf32, #tpu.memory_space<vmem>>, vector<16xf32>,
          %mul3A_146 = vector.broadcast %squeeze3A : f32 to vector<16xf32>
          %mul3A_147 = arith.mulf %get3A_145, %mul3A_146 : vector<16xf32>
          %swap3A_148 = arith.index_cast %add3A_94 : i32 to index
          %swap3A_149 = arith.constant 96 : index
          %swap3A_150 = tpu.vector_load %arg13[%swap3A_148, %swap3A_149] {strides = array<i32>} : memref<80x128xf32, #tpu.memory_space<vmem>>, vector<16xf32>,
          tpu.vector_store %arg13[%swap3A_148, %swap3A_149], %mul3A_147 {strides = array<i32>} : memref<80x128xf32, #tpu.memory_space<vmem>>, vector<16xf32>,
          %get3A_151 = arith.index_cast %add3A_94 : i32 to index
          %get3A_152 = arith.constant 112 : index
          %get3A_153 = tpu.vector_load %arg13[%get3A_151, %get3A_152] {strides = array<i32>} : memref<80x128xf32, #tpu.memory_space<vmem>>, vector<16xf32>,
          %mul3A_154 = vector.broadcast %squeeze3A : f32 to vector<16xf32>
          %mul3A_155 = arith.mulf %get3A_153, %mul3A_154 : vector<16xf32>
          %swap3A_156 = arith.index_cast %add3A_94 : i32 to index
          %swap3A_157 = arith.constant 112 : index
          %swap3A_158 = tpu.vector_load %arg13[%swap3A_156, %swap3A_157] {strides = array<i32>} : memref<80x128xf32, #tpu.memory_space<vmem>>, vector<16xf32>,
          tpu.vector_store %arg13[%swap3A_156, %swap3A_157], %mul3A_155 {strides = array<i32>} : memref<80x128xf32, #tpu.memory_space<vmem>>, vector<16xf32>,
          %slice3A_159 = vector.extract_strided_slice %get3A_90 {offsets = [1], sizes = [1], strides = [1]} : vector<16xf32> to vector<1xf32>
          %squeeze3A_160 = vector.extract %slice3A_159[0] : f32 from vector<1xf32>
          %mul3A_161 = arith.constant 16 : i32
          %mul3A_162 = arith.muli %scan3A_86, %mul3A_161 : i32
          %add3A_163 = arith.constant 1 : i32
          %add3A_164 = arith.addi %mul3A_162, %add3A_163 : i32
          %get3A_165 = arith.index_cast %add3A_164 : i32 to index
          %get3A_166 = arith.constant 0 : index
          %get3A_167 = tpu.vector_load %arg13[%get3A_165, %get3A_166] {strides = array<i32>} : memref<80x128xf32, #tpu.memory_space<vmem>>, vector<16xf32>,
          %mul3A_168 = vector.broadcast %squeeze3A_160 : f32 to vector<16xf32>
          %mul3A_169 = arith.mulf %get3A_167, %mul3A_168 : vector<16xf32>
          %swap3A_170 = arith.index_cast %add3A_164 : i32 to index
          %swap3A_171 = arith.constant 0 : index
          %swap3A_172 = tpu.vector_load %arg13[%swap3A_170, %swap3A_171] {strides = array<i32>} : memref<80x128xf32, #tpu.memory_space<vmem>>, vector<16xf32>,
          tpu.vector_store %arg13[%swap3A_170, %swap3A_171], %mul3A_169 {strides = array<i32>} : memref<80x128xf32, #tpu.memory_space<vmem>>, vector<16xf32>,
          %get3A_173 = arith.index_cast %add3A_164 : i32 to index
          %get3A_174 = arith.constant 16 : index
          %get3A_175 = tpu.vector_load %arg13[%get3A_173, %get3A_174] {strides = array<i32>} : memref<80x128xf32, #tpu.memory_space<vmem>>, vector<16xf32>,
          %mul3A_176 = vector.broadcast %squeeze3A_160 : f32 to vector<16xf32>
          %mul3A_177 = arith.mulf %get3A_175, %mul3A_176 : vector<16xf32>
          %swap3A_178 = arith.index_cast %add3A_164 : i32 to index
          %swap3A_179 = arith.constant 16 : index
          %swap3A_180 = tpu.vector_load %arg13[%swap3A_178, %swap3A_179] {strides = array<i32>} : memref<80x128xf32, #tpu.memory_space<vmem>>, vector<16xf32>,
          tpu.vector_store %arg13[%swap3A_178, %swap3A_179], %mul3A_177 {strides = array<i32>} : memref<80x128xf32, #tpu.memory_space<vmem>>, vector<16xf32>,
          %get3A_181 = arith.index_cast %add3A_164 : i32 to index
          %get3A_182 = arith.constant 32 : index
          %get3A_183 = tpu.vector_load %arg13[%get3A_181, %get3A_182] {strides = array<i32>} : memref<80x128xf32, #tpu.memory_space<vmem>>, vector<16xf32>,
          %mul3A_184 = vector.broadcast %squeeze3A_160 : f32 to vector<16xf32>
          %mul3A_185 = arith.mulf %get3A_183, %mul3A_184 : vector<16xf32>
          %swap3A_186 = arith.index_cast %add3A_164 : i32 to index
          %swap3A_187 = arith.constant 32 : index
          %swap3A_188 = tpu.vector_load %arg13[%swap3A_186, %swap3A_187] {strides = array<i32>} : memref<80x128xf32, #tpu.memory_space<vmem>>, vector<16xf32>,
          tpu.vector_store %arg13[%swap3A_186, %swap3A_187], %mul3A_185 {strides = array<i32>} : memref<80x128xf32, #tpu.memory_space<vmem>>, vector<16xf32>,
          %get3A_189 = arith.index_cast %add3A_164 : i32 to index
          %get3A_190 = arith.constant 48 : index
          %get3A_191 = tpu.vector_load %arg13[%get3A_189, %get3A_190] {strides = array<i32>} : memref<80x128xf32, #tpu.memory_space<vmem>>, vector<16xf32>,
          %mul3A_192 = vector.broadcast %squeeze3A_160 : f32 to vector<16xf32>
          %mul3A_193 = arith.mulf %get3A_191, %mul3A_192 : vector<16xf32>
          %swap3A_194 = arith.index_cast %add3A_164 : i32 to index
          %swap3A_195 = arith.constant 48 : index
          %swap3A_196 = tpu.vector_load %arg13[%swap3A_194, %swap3A_195] {strides = array<i32>} : memref<80x128xf32, #tpu.memory_space<vmem>>, vector<16xf32>,
          tpu.vector_store %arg13[%swap3A_194, %swap3A_195], %mul3A_193 {strides = array<i32>} : memref<80x128xf32, #tpu.memory_space<vmem>>, vector<16xf32>,
          %get3A_197 = arith.index_cast %add3A_164 : i32 to index
          %get3A_198 = arith.constant 64 : index
          %get3A_199 = tpu.vector_load %arg13[%get3A_197, %get3A_198] {strides = array<i32>} : memref<80x128xf32, #tpu.memory_space<vmem>>, vector<16xf32>,
          %mul3A_200 = vector.broadcast %squeeze3A_160 : f32 to vector<16xf32>
          %mul3A_201 = arith.mulf %get3A_199, %mul3A_200 : vector<16xf32>
          %swap3A_202 = arith.index_cast %add3A_164 : i32 to index
          %swap3A_203 = arith.constant 64 : index
          %swap3A_204 = tpu.vector_load %arg13[%swap3A_202, %swap3A_203] {strides = array<i32>} : memref<80x128xf32, #tpu.memory_space<vmem>>, vector<16xf32>,
          tpu.vector_store %arg13[%swap3A_202, %swap3A_203], %mul3A_201 {strides = array<i32>} : memref<80x128xf32, #tpu.memory_space<vmem>>, vector<16xf32>,
          %get3A_205 = arith.index_cast %add3A_164 : i32 to index
          %get3A_206 = arith.constant 80 : index
          %get3A_207 = tpu.vector_load %arg13[%get3A_205, %get3A_206] {strides = array<i32>} : memref<80x128xf32, #tpu.memory_space<vmem>>, vector<16xf32>,
          %mul3A_208 = vector.broadcast %squeeze3A_160 : f32 to vector<16xf32>
          %mul3A_209 = arith.mulf %get3A_207, %mul3A_208 : vector<16xf32>
          %swap3A_210 = arith.index_cast %add3A_164 : i32 to index
          %swap3A_211 = arith.constant 80 : index
          %swap3A_212 = tpu.vector_load %arg13[%swap3A_210, %swap3A_211] {strides = array<i32>} : memref<80x128xf32, #tpu.memory_space<vmem>>, vector<16xf32>,
          tpu.vector_store %arg13[%swap3A_210, %swap3A_211], %mul3A_209 {strides = array<i32>} : memref<80x128xf32, #tpu.memory_space<vmem>>, vector<16xf32>,
          %get3A_213 = arith.index_cast %add3A_164 : i32 to index
          %get3A_214 = arith.constant 96 : index
          %get3A_215 = tpu.vector_load %arg13[%get3A_213, %get3A_214] {strides = array<i32>} : memref<80x128xf32, #tpu.memory_space<vmem>>, vector<16xf32>,
          %mul3A_216 = vector.broadcast %squeeze3A_160 : f32 to vector<16xf32>
          %mul3A_217 = arith.mulf %get3A_215, %mul3A_216 : vector<16xf32>
          %swap3A_218 = arith.index_cast %add3A_164 : i32 to index
          %swap3A_219 = arith.constant 96 : index
          %swap3A_220 = tpu.vector_load %arg13[%swap3A_218, %swap3A_219] {strides = array<i32>} : memref<80x128xf32, #tpu.memory_space<vmem>>, vector<16xf32>,
          tpu.vector_store %arg13[%swap3A_218, %swap3A_219], %mul3A_217 {strides = array<i32>} : memref<80x128xf32, #tpu.memory_space<vmem>>, vector<16xf32>,
          %get3A_221 = arith.index_cast %add3A_164 : i32 to index
          %get3A_222 = arith.constant 112 : index
          %get3A_223 = tpu.vector_load %arg13[%get3A_221, %get3A_222] {strides = array<i32>} : memref<80x128xf32, #tpu.memory_space<vmem>>, vector<16xf32>,
          %mul3A_224 = vector.broadcast %squeeze3A_160 : f32 to vector<16xf32>
          %mul3A_225 = arith.mulf %get3A_223, %mul3A_224 : vector<16xf32>
          %swap3A_226 = arith.index_cast %add3A_164 : i32 to index
          %swap3A_227 = arith.constant 112 : index
          %swap3A_228 = tpu.vector_load %arg13[%swap3A_226, %swap3A_227] {strides = array<i32>} : memref<80x128xf32, #tpu.memory_space<vmem>>, vector<16xf32>,
          tpu.vector_store %arg13[%swap3A_226, %swap3A_227], %mul3A_225 {strides = array<i32>} : memref<80x128xf32, #tpu.memory_space<vmem>>, vector<16xf32>,
          %slice3A_229 = vector.extract_strided_slice %get3A_90 {offsets = [2], sizes = [1], strides = [1]} : vector<16xf32> to vector<1xf32>
          %squeeze3A_230 = vector.extract %slice3A_229[0] : f32 from vector<1xf32>
          %mul3A_231 = arith.constant 16 : i32
          %mul3A_232 = arith.muli %scan3A_86, %mul3A_231 : i32
          %add3A_233 = arith.constant 2 : i32
          %add3A_234 = arith.addi %mul3A_232, %add3A_233 : i32
          %get3A_235 = arith.index_cast %add3A_234 : i32 to index
          %get3A_236 = arith.constant 0 : index
          %get3A_237 = tpu.vector_load %arg13[%get3A_235, %get3A_236] {strides = array<i32>} : memref<80x128xf32, #tpu.memory_space<vmem>>, vector<16xf32>,
          %mul3A_238 = vector.broadcast %squeeze3A_230 : f32 to vector<16xf32>
          %mul3A_239 = arith.mulf %get3A_237, %mul3A_238 : vector<16xf32>
          %swap3A_240 = arith.index_cast %add3A_234 : i32 to index
          %swap3A_241 = arith.constant 0 : index
          %swap3A_242 = tpu.vector_load %arg13[%swap3A_240, %swap3A_241] {strides = array<i32>} : memref<80x128xf32, #tpu.memory_space<vmem>>, vector<16xf32>,
          tpu.vector_store %arg13[%swap3A_240, %swap3A_241], %mul3A_239 {strides = array<i32>} : memref<80x128xf32, #tpu.memory_space<vmem>>, vector<16xf32>,
          %get3A_243 = arith.index_cast %add3A_234 : i32 to index
          %get3A_244 = arith.constant 16 : index
          %get3A_245 = tpu.vector_load %arg13[%get3A_243, %get3A_244] {strides = array<i32>} : memref<80x128xf32, #tpu.memory_space<vmem>>, vector<16xf32>,
          %mul3A_246 = vector.broadcast %squeeze3A_230 : f32 to vector<16xf32>
          %mul3A_247 = arith.mulf %get3A_245, %mul3A_246 : vector<16xf32>
          %swap3A_248 = arith.index_cast %add3A_234 : i32 to index
          %swap3A_249 = arith.constant 16 : index
          %swap3A_250 = tpu.vector_load %arg13[%swap3A_248, %swap3A_249] {strides = array<i32>} : memref<80x128xf32, #tpu.memory_space<vmem>>, vector<16xf32>,
          tpu.vector_store %arg13[%swap3A_248, %swap3A_249], %mul3A_247 {strides = array<i32>} : memref<80x128xf32, #tpu.memory_space<vmem>>, vector<16xf32>,
          %get3A_251 = arith.index_cast %add3A_234 : i32 to index
          %get3A_252 = arith.constant 32 : index
          %get3A_253 = tpu.vector_load %arg13[%get3A_251, %get3A_252] {strides = array<i32>} : memref<80x128xf32, #tpu.memory_space<vmem>>, vector<16xf32>,
          %mul3A_254 = vector.broadcast %squeeze3A_230 : f32 to vector<16xf32>
          %mul3A_255 = arith.mulf %get3A_253, %mul3A_254 : vector<16xf32>
          %swap3A_256 = arith.index_cast %add3A_234 : i32 to index
          %swap3A_257 = arith.constant 32 : index
          %swap3A_258 = tpu.vector_load %arg13[%swap3A_256, %swap3A_257] {strides = array<i32>} : memref<80x128xf32, #tpu.memory_space<vmem>>, vector<16xf32>,
          tpu.vector_store %arg13[%swap3A_256, %swap3A_257], %mul3A_255 {strides = array<i32>} : memref<80x128xf32, #tpu.memory_space<vmem>>, vector<16xf32>,
          %get3A_259 = arith.index_cast %add3A_234 : i32 to index
          %get3A_260 = arith.constant 48 : index
          %get3A_261 = tpu.vector_load %arg13[%get3A_259, %get3A_260] {strides = array<i32>} : memref<80x128xf32, #tpu.memory_space<vmem>>, vector<16xf32>,
          %mul3A_262 = vector.broadcast %squeeze3A_230 : f32 to vector<16xf32>
          %mul3A_263 = arith.mulf %get3A_261, %mul3A_262 : vector<16xf32>
          %swap3A_264 = arith.index_cast %add3A_234 : i32 to index
          %swap3A_265 = arith.constant 48 : index
          %swap3A_266 = tpu.vector_load %arg13[%swap3A_264, %swap3A_265] {strides = array<i32>} : memref<80x128xf32, #tpu.memory_space<vmem>>, vector<16xf32>,
          tpu.vector_store %arg13[%swap3A_264, %swap3A_265], %mul3A_263 {strides = array<i32>} : memref<80x128xf32, #tpu.memory_space<vmem>>, vector<16xf32>,
          %get3A_267 = arith.index_cast %add3A_234 : i32 to index
          %get3A_268 = arith.constant 64 : index
          %get3A_269 = tpu.vector_load %arg13[%get3A_267, %get3A_268] {strides = array<i32>} : memref<80x128xf32, #tpu.memory_space<vmem>>, vector<16xf32>,
          %mul3A_270 = vector.broadcast %squeeze3A_230 : f32 to vector<16xf32>
          %mul3A_271 = arith.mulf %get3A_269, %mul3A_270 : vector<16xf32>
          %swap3A_272 = arith.index_cast %add3A_234 : i32 to index
          %swap3A_273 = arith.constant 64 : index
          %swap3A_274 = tpu.vector_load %arg13[%swap3A_272, %swap3A_273] {strides = array<i32>} : memref<80x128xf32, #tpu.memory_space<vmem>>, vector<16xf32>,
          tpu.vector_store %arg13[%swap3A_272, %swap3A_273], %mul3A_271 {strides = array<i32>} : memref<80x128xf32, #tpu.memory_space<vmem>>, vector<16xf32>,
          %get3A_275 = arith.index_cast %add3A_234 : i32 to index
          %get3A_276 = arith.constant 80 : index
          %get3A_277 = tpu.vector_load %arg13[%get3A_275, %get3A_276] {strides = array<i32>} : memref<80x128xf32, #tpu.memory_space<vmem>>, vector<16xf32>,
          %mul3A_278 = vector.broadcast %squeeze3A_230 : f32 to vector<16xf32>
          %mul3A_279 = arith.mulf %get3A_277, %mul3A_278 : vector<16xf32>
          %swap3A_280 = arith.index_cast %add3A_234 : i32 to index
          %swap3A_281 = arith.constant 80 : index
          %swap3A_282 = tpu.vector_load %arg13[%swap3A_280, %swap3A_281] {strides = array<i32>} : memref<80x128xf32, #tpu.memory_space<vmem>>, vector<16xf32>,
          tpu.vector_store %arg13[%swap3A_280, %swap3A_281], %mul3A_279 {strides = array<i32>} : memref<80x128xf32, #tpu.memory_space<vmem>>, vector<16xf32>,
          %get3A_283 = arith.index_cast %add3A_234 : i32 to index
          %get3A_284 = arith.constant 96 : index
          %get3A_285 = tpu.vector_load %arg13[%get3A_283, %get3A_284] {strides = array<i32>} : memref<80x128xf32, #tpu.memory_space<vmem>>, vector<16xf32>,
          %mul3A_286 = vector.broadcast %squeeze3A_230 : f32 to vector<16xf32>
          %mul3A_287 = arith.mulf %get3A_285, %mul3A_286 : vector<16xf32>
          %swap3A_288 = arith.index_cast %add3A_234 : i32 to index
          %swap3A_289 = arith.constant 96 : index
          %swap3A_290 = tpu.vector_load %arg13[%swap3A_288, %swap3A_289] {strides = array<i32>} : memref<80x128xf32, #tpu.memory_space<vmem>>, vector<16xf32>,
          tpu.vector_store %arg13[%swap3A_288, %swap3A_289], %mul3A_287 {strides = array<i32>} : memref<80x128xf32, #tpu.memory_space<vmem>>, vector<16xf32>,
          %get3A_291 = arith.index_cast %add3A_234 : i32 to index
          %get3A_292 = arith.constant 112 : index
          %get3A_293 = tpu.vector_load %arg13[%get3A_291, %get3A_292] {strides = array<i32>} : memref<80x128xf32, #tpu.memory_space<vmem>>, vector<16xf32>,
          %mul3A_294 = vector.broadcast %squeeze3A_230 : f32 to vector<16xf32>
          %mul3A_295 = arith.mulf %get3A_293, %mul3A_294 : vector<16xf32>
          %swap3A_296 = arith.index_cast %add3A_234 : i32 to index
          %swap3A_297 = arith.constant 112 : index
          %swap3A_298 = tpu.vector_load %arg13[%swap3A_296, %swap3A_297] {strides = array<i32>} : memref<80x128xf32, #tpu.memory_space<vmem>>, vector<16xf32>,
          tpu.vector_store %arg13[%swap3A_296, %swap3A_297], %mul3A_295 {strides = array<i32>} : memref<80x128xf32, #tpu.memory_space<vmem>>, vector<16xf32>,
          %slice3A_299 = vector.extract_strided_slice %get3A_90 {offsets = [3], sizes = [1], strides = [1]} : vector<16xf32> to vector<1xf32>
          %squeeze3A_300 = vector.extract %slice3A_299[0] : f32 from vector<1xf32>
          %mul3A_301 = arith.constant 16 : i32
          %mul3A_302 = arith.muli %scan3A_86, %mul3A_301 : i32
          %add3A_303 = arith.constant 3 : i32
          %add3A_304 = arith.addi %mul3A_302, %add3A_303 : i32
          %get3A_305 = arith.index_cast %add3A_304 : i32 to index
          %get3A_306 = arith.constant 0 : index
          %get3A_307 = tpu.vector_load %arg13[%get3A_305, %get3A_306] {strides = array<i32>} : memref<80x128xf32, #tpu.memory_space<vmem>>, vector<16xf32>,
          %mul3A_308 = vector.broadcast %squeeze3A_300 : f32 to vector<16xf32>
          %mul3A_309 = arith.mulf %get3A_307, %mul3A_308 : vector<16xf32>
          %swap3A_310 = arith.index_cast %add3A_304 : i32 to index
          %swap3A_311 = arith.constant 0 : index
          %swap3A_312 = tpu.vector_load %arg13[%swap3A_310, %swap3A_311] {strides = array<i32>} : memref<80x128xf32, #tpu.memory_space<vmem>>, vector<16xf32>,
          tpu.vector_store %arg13[%swap3A_310, %swap3A_311], %mul3A_309 {strides = array<i32>} : memref<80x128xf32, #tpu.memory_space<vmem>>, vector<16xf32>,
          %get3A_313 = arith.index_cast %add3A_304 : i32 to index
          %get3A_314 = arith.constant 16 : index
          %get3A_315 = tpu.vector_load %arg13[%get3A_313, %get3A_314] {strides = array<i32>} : memref<80x128xf32, #tpu.memory_space<vmem>>, vector<16xf32>,
          %mul3A_316 = vector.broadcast %squeeze3A_300 : f32 to vector<16xf32>
          %mul3A_317 = arith.mulf %get3A_315, %mul3A_316 : vector<16xf32>
          %swap3A_318 = arith.index_cast %add3A_304 : i32 to index
          %swap3A_319 = arith.constant 16 : index
          %swap3A_320 = tpu.vector_load %arg13[%swap3A_318, %swap3A_319] {strides = array<i32>} : memref<80x128xf32, #tpu.memory_space<vmem>>, vector<16xf32>,
          tpu.vector_store %arg13[%swap3A_318, %swap3A_319], %mul3A_317 {strides = array<i32>} : memref<80x128xf32, #tpu.memory_space<vmem>>, vector<16xf32>,
          %get3A_321 = arith.index_cast %add3A_304 : i32 to index
          %get3A_322 = arith.constant 32 : index
          %get3A_323 = tpu.vector_load %arg13[%get3A_321, %get3A_322] {strides = array<i32>} : memref<80x128xf32, #tpu.memory_space<vmem>>, vector<16xf32>,
          %mul3A_324 = vector.broadcast %squeeze3A_300 : f32 to vector<16xf32>
          %mul3A_325 = arith.mulf %get3A_323, %mul3A_324 : vector<16xf32>
          %swap3A_326 = arith.index_cast %add3A_304 : i32 to index
          %swap3A_327 = arith.constant 32 : index
          %swap3A_328 = tpu.vector_load %arg13[%swap3A_326, %swap3A_327] {strides = array<i32>} : memref<80x128xf32, #tpu.memory_space<vmem>>, vector<16xf32>,
          tpu.vector_store %arg13[%swap3A_326, %swap3A_327], %mul3A_325 {strides = array<i32>} : memref<80x128xf32, #tpu.memory_space<vmem>>, vector<16xf32>,
          %get3A_329 = arith.index_cast %add3A_304 : i32 to index
          %get3A_330 = arith.constant 48 : index
          %get3A_331 = tpu.vector_load %arg13[%get3A_329, %get3A_330] {strides = array<i32>} : memref<80x128xf32, #tpu.memory_space<vmem>>, vector<16xf32>,
          %mul3A_332 = vector.broadcast %squeeze3A_300 : f32 to vector<16xf32>
          %mul3A_333 = arith.mulf %get3A_331, %mul3A_332 : vector<16xf32>
          %swap3A_334 = arith.index_cast %add3A_304 : i32 to index
          %swap3A_335 = arith.constant 48 : index
          %swap3A_336 = tpu.vector_load %arg13[%swap3A_334, %swap3A_335] {strides = array<i32>} : memref<80x128xf32, #tpu.memory_space<vmem>>, vector<16xf32>,
          tpu.vector_store %arg13[%swap3A_334, %swap3A_335], %mul3A_333 {strides = array<i32>} : memref<80x128xf32, #tpu.memory_space<vmem>>, vector<16xf32>,
          %get3A_337 = arith.index_cast %add3A_304 : i32 to index
          %get3A_338 = arith.constant 64 : index
          %get3A_339 = tpu.vector_load %arg13[%get3A_337, %get3A_338] {strides = array<i32>} : memref<80x128xf32, #tpu.memory_space<vmem>>, vector<16xf32>,
          %mul3A_340 = vector.broadcast %squeeze3A_300 : f32 to vector<16xf32>
          %mul3A_341 = arith.mulf %get3A_339, %mul3A_340 : vector<16xf32>
          %swap3A_342 = arith.index_cast %add3A_304 : i32 to index
          %swap3A_343 = arith.constant 64 : index
          %swap3A_344 = tpu.vector_load %arg13[%swap3A_342, %swap3A_343] {strides = array<i32>} : memref<80x128xf32, #tpu.memory_space<vmem>>, vector<16xf32>,
          tpu.vector_store %arg13[%swap3A_342, %swap3A_343], %mul3A_341 {strides = array<i32>} : memref<80x128xf32, #tpu.memory_space<vmem>>, vector<16xf32>,
          %get3A_345 = arith.index_cast %add3A_304 : i32 to index
          %get3A_346 = arith.constant 80 : index
          %get3A_347 = tpu.vector_load %arg13[%get3A_345, %get3A_346] {strides = array<i32>} : memref<80x128xf32, #tpu.memory_space<vmem>>, vector<16xf32>,
          %mul3A_348 = vector.broadcast %squeeze3A_300 : f32 to vector<16xf32>
          %mul3A_349 = arith.mulf %get3A_347, %mul3A_348 : vector<16xf32>
          %swap3A_350 = arith.index_cast %add3A_304 : i32 to index
          %swap3A_351 = arith.constant 80 : index
          %swap3A_352 = tpu.vector_load %arg13[%swap3A_350, %swap3A_351] {strides = array<i32>} : memref<80x128xf32, #tpu.memory_space<vmem>>, vector<16xf32>,
          tpu.vector_store %arg13[%swap3A_350, %swap3A_351], %mul3A_349 {strides = array<i32>} : memref<80x128xf32, #tpu.memory_space<vmem>>, vector<16xf32>,
          %get3A_353 = arith.index_cast %add3A_304 : i32 to index
          %get3A_354 = arith.constant 96 : index
          %get3A_355 = tpu.vector_load %arg13[%get3A_353, %get3A_354] {strides = array<i32>} : memref<80x128xf32, #tpu.memory_space<vmem>>, vector<16xf32>,
          %mul3A_356 = vector.broadcast %squeeze3A_300 : f32 to vector<16xf32>
          %mul3A_357 = arith.mulf %get3A_355, %mul3A_356 : vector<16xf32>
          %swap3A_358 = arith.index_cast %add3A_304 : i32 to index
          %swap3A_359 = arith.constant 96 : index
          %swap3A_360 = tpu.vector_load %arg13[%swap3A_358, %swap3A_359] {strides = array<i32>} : memref<80x128xf32, #tpu.memory_space<vmem>>, vector<16xf32>,
          tpu.vector_store %arg13[%swap3A_358, %swap3A_359], %mul3A_357 {strides = array<i32>} : memref<80x128xf32, #tpu.memory_space<vmem>>, vector<16xf32>,
          %get3A_361 = arith.index_cast %add3A_304 : i32 to index
          %get3A_362 = arith.constant 112 : index
          %get3A_363 = tpu.vector_load %arg13[%get3A_361, %get3A_362] {strides = array<i32>} : memref<80x128xf32, #tpu.memory_space<vmem>>, vector<16xf32>,
          %mul3A_364 = vector.broadcast %squeeze3A_300 : f32 to vector<16xf32>
          %mul3A_365 = arith.mulf %get3A_363, %mul3A_364 : vector<16xf32>
          %swap3A_366 = arith.index_cast %add3A_304 : i32 to index
          %swap3A_367 = arith.constant 112 : index
          %swap3A_368 = tpu.vector_load %arg13[%swap3A_366, %swap3A_367] {strides = array<i32>} : memref<80x128xf32, #tpu.memory_space<vmem>>, vector<16xf32>,
          tpu.vector_store %arg13[%swap3A_366, %swap3A_367], %mul3A_365 {strides = array<i32>} : memref<80x128xf32, #tpu.memory_space<vmem>>, vector<16xf32>,
          %slice3A_369 = vector.extract_strided_slice %get3A_90 {offsets = [4], sizes = [1], strides = [1]} : vector<16xf32> to vector<1xf32>
          %squeeze3A_370 = vector.extract %slice3A_369[0] : f32 from vector<1xf32>
          %mul3A_371 = arith.constant 16 : i32
          %mul3A_372 = arith.muli %scan3A_86, %mul3A_371 : i32
          %add3A_373 = arith.constant 4 : i32
          %add3A_374 = arith.addi %mul3A_372, %add3A_373 : i32
          %get3A_375 = arith.index_cast %add3A_374 : i32 to index
          %get3A_376 = arith.constant 0 : index
          %get3A_377 = tpu.vector_load %arg13[%get3A_375, %get3A_376] {strides = array<i32>} : memref<80x128xf32, #tpu.memory_space<vmem>>, vector<16xf32>,
          %mul3A_378 = vector.broadcast %squeeze3A_370 : f32 to vector<16xf32>
          %mul3A_379 = arith.mulf %get3A_377, %mul3A_378 : vector<16xf32>
          %swap3A_380 = arith.index_cast %add3A_374 : i32 to index
          %swap3A_381 = arith.constant 0 : index
          %swap3A_382 = tpu.vector_load %arg13[%swap3A_380, %swap3A_381] {strides = array<i32>} : memref<80x128xf32, #tpu.memory_space<vmem>>, vector<16xf32>,
          tpu.vector_store %arg13[%swap3A_380, %swap3A_381], %mul3A_379 {strides = array<i32>} : memref<80x128xf32, #tpu.memory_space<vmem>>, vector<16xf32>,
          %get3A_383 = arith.index_cast %add3A_374 : i32 to index
          %get3A_384 = arith.constant 16 : index
          %get3A_385 = tpu.vector_load %arg13[%get3A_383, %get3A_384] {strides = array<i32>} : memref<80x128xf32, #tpu.memory_space<vmem>>, vector<16xf32>,
          %mul3A_386 = vector.broadcast %squeeze3A_370 : f32 to vector<16xf32>
          %mul3A_387 = arith.mulf %get3A_385, %mul3A_386 : vector<16xf32>
          %swap3A_388 = arith.index_cast %add3A_374 : i32 to index
          %swap3A_389 = arith.constant 16 : index
          %swap3A_390 = tpu.vector_load %arg13[%swap3A_388, %swap3A_389] {strides = array<i32>} : memref<80x128xf32, #tpu.memory_space<vmem>>, vector<16xf32>,
          tpu.vector_store %arg13[%swap3A_388, %swap3A_389], %mul3A_387 {strides = array<i32>} : memref<80x128xf32, #tpu.memory_space<vmem>>, vector<16xf32>,
          %get3A_391 = arith.index_cast %add3A_374 : i32 to index
          %get3A_392 = arith.constant 32 : index
          %get3A_393 = tpu.vector_load %arg13[%get3A_391, %get3A_392] {strides = array<i32>} : memref<80x128xf32, #tpu.memory_space<vmem>>, vector<16xf32>,
          %mul3A_394 = vector.broadcast %squeeze3A_370 : f32 to vector<16xf32>
          %mul3A_395 = arith.mulf %get3A_393, %mul3A_394 : vector<16xf32>
          %swap3A_396 = arith.index_cast %add3A_374 : i32 to index
          %swap3A_397 = arith.constant 32 : index
          %swap3A_398 = tpu.vector_load %arg13[%swap3A_396, %swap3A_397] {strides = array<i32>} : memref<80x128xf32, #tpu.memory_space<vmem>>, vector<16xf32>,
          tpu.vector_store %arg13[%swap3A_396, %swap3A_397], %mul3A_395 {strides = array<i32>} : memref<80x128xf32, #tpu.memory_space<vmem>>, vector<16xf32>,
          %get3A_399 = arith.index_cast %add3A_374 : i32 to index
          %get3A_400 = arith.constant 48 : index
          %get3A_401 = tpu.vector_load %arg13[%get3A_399, %get3A_400] {strides = array<i32>} : memref<80x128xf32, #tpu.memory_space<vmem>>, vector<16xf32>,
          %mul3A_402 = vector.broadcast %squeeze3A_370 : f32 to vector<16xf32>
          %mul3A_403 = arith.mulf %get3A_401, %mul3A_402 : vector<16xf32>
          %swap3A_404 = arith.index_cast %add3A_374 : i32 to index
          %swap3A_405 = arith.constant 48 : index
          %swap3A_406 = tpu.vector_load %arg13[%swap3A_404, %swap3A_405] {strides = array<i32>} : memref<80x128xf32, #tpu.memory_space<vmem>>, vector<16xf32>,
          tpu.vector_store %arg13[%swap3A_404, %swap3A_405], %mul3A_403 {strides = array<i32>} : memref<80x128xf32, #tpu.memory_space<vmem>>, vector<16xf32>,
          %get3A_407 = arith.index_cast %add3A_374 : i32 to index
          %get3A_408 = arith.constant 64 : index
          %get3A_409 = tpu.vector_load %arg13[%get3A_407, %get3A_408] {strides = array<i32>} : memref<80x128xf32, #tpu.memory_space<vmem>>, vector<16xf32>,
          %mul3A_410 = vector.broadcast %squeeze3A_370 : f32 to vector<16xf32>
          %mul3A_411 = arith.mulf %get3A_409, %mul3A_410 : vector<16xf32>
          %swap3A_412 = arith.index_cast %add3A_374 : i32 to index
          %swap3A_413 = arith.constant 64 : index
          %swap3A_414 = tpu.vector_load %arg13[%swap3A_412, %swap3A_413] {strides = array<i32>} : memref<80x128xf32, #tpu.memory_space<vmem>>, vector<16xf32>,
          tpu.vector_store %arg13[%swap3A_412, %swap3A_413], %mul3A_411 {strides = array<i32>} : memref<80x128xf32, #tpu.memory_space<vmem>>, vector<16xf32>,
          %get3A_415 = arith.index_cast %add3A_374 : i32 to index
          %get3A_416 = arith.constant 80 : index
          %get3A_417 = tpu.vector_load %arg13[%get3A_415, %get3A_416] {strides = array<i32>} : memref<80x128xf32, #tpu.memory_space<vmem>>, vector<16xf32>,
          %mul3A_418 = vector.broadcast %squeeze3A_370 : f32 to vector<16xf32>
          %mul3A_419 = arith.mulf %get3A_417, %mul3A_418 : vector<16xf32>
          %swap3A_420 = arith.index_cast %add3A_374 : i32 to index
          %swap3A_421 = arith.constant 80 : index
          %swap3A_422 = tpu.vector_load %arg13[%swap3A_420, %swap3A_421] {strides = array<i32>} : memref<80x128xf32, #tpu.memory_space<vmem>>, vector<16xf32>,
          tpu.vector_store %arg13[%swap3A_420, %swap3A_421], %mul3A_419 {strides = array<i32>} : memref<80x128xf32, #tpu.memory_space<vmem>>, vector<16xf32>,
          %get3A_423 = arith.index_cast %add3A_374 : i32 to index
          %get3A_424 = arith.constant 96 : index
          %get3A_425 = tpu.vector_load %arg13[%get3A_423, %get3A_424] {strides = array<i32>} : memref<80x128xf32, #tpu.memory_space<vmem>>, vector<16xf32>,
          %mul3A_426 = vector.broadcast %squeeze3A_370 : f32 to vector<16xf32>
          %mul3A_427 = arith.mulf %get3A_425, %mul3A_426 : vector<16xf32>
          %swap3A_428 = arith.index_cast %add3A_374 : i32 to index
          %swap3A_429 = arith.constant 96 : index
          %swap3A_430 = tpu.vector_load %arg13[%swap3A_428, %swap3A_429] {strides = array<i32>} : memref<80x128xf32, #tpu.memory_space<vmem>>, vector<16xf32>,
          tpu.vector_store %arg13[%swap3A_428, %swap3A_429], %mul3A_427 {strides = array<i32>} : memref<80x128xf32, #tpu.memory_space<vmem>>, vector<16xf32>,
          %get3A_431 = arith.index_cast %add3A_374 : i32 to index
          %get3A_432 = arith.constant 112 : index
          %get3A_433 = tpu.vector_load %arg13[%get3A_431, %get3A_432] {strides = array<i32>} : memref<80x128xf32, #tpu.memory_space<vmem>>, vector<16xf32>,
          %mul3A_434 = vector.broadcast %squeeze3A_370 : f32 to vector<16xf32>
          %mul3A_435 = arith.mulf %get3A_433, %mul3A_434 : vector<16xf32>
          %swap3A_436 = arith.index_cast %add3A_374 : i32 to index
          %swap3A_437 = arith.constant 112 : index
          %swap3A_438 = tpu.vector_load %arg13[%swap3A_436, %swap3A_437] {strides = array<i32>} : memref<80x128xf32, #tpu.memory_space<vmem>>, vector<16xf32>,
          tpu.vector_store %arg13[%swap3A_436, %swap3A_437], %mul3A_435 {strides = array<i32>} : memref<80x128xf32, #tpu.memory_space<vmem>>, vector<16xf32>,
          %slice3A_439 = vector.extract_strided_slice %get3A_90 {offsets = [5], sizes = [1], strides = [1]} : vector<16xf32> to vector<1xf32>
          %squeeze3A_440 = vector.extract %slice3A_439[0] : f32 from vector<1xf32>
          %mul3A_441 = arith.constant 16 : i32
          %mul3A_442 = arith.muli %scan3A_86, %mul3A_441 : i32
          %add3A_443 = arith.constant 5 : i32
          %add3A_444 = arith.addi %mul3A_442, %add3A_443 : i32
          %get3A_445 = arith.index_cast %add3A_444 : i32 to index
          %get3A_446 = arith.constant 0 : index
          %get3A_447 = tpu.vector_load %arg13[%get3A_445, %get3A_446] {strides = array<i32>} : memref<80x128xf32, #tpu.memory_space<vmem>>, vector<16xf32>,
          %mul3A_448 = vector.broadcast %squeeze3A_440 : f32 to vector<16xf32>
          %mul3A_449 = arith.mulf %get3A_447, %mul3A_448 : vector<16xf32>
          %swap3A_450 = arith.index_cast %add3A_444 : i32 to index
          %swap3A_451 = arith.constant 0 : index
          %swap3A_452 = tpu.vector_load %arg13[%swap3A_450, %swap3A_451] {strides = array<i32>} : memref<80x128xf32, #tpu.memory_space<vmem>>, vector<16xf32>,
          tpu.vector_store %arg13[%swap3A_450, %swap3A_451], %mul3A_449 {strides = array<i32>} : memref<80x128xf32, #tpu.memory_space<vmem>>, vector<16xf32>,
          %get3A_453 = arith.index_cast %add3A_444 : i32 to index
          %get3A_454 = arith.constant 16 : index
          %get3A_455 = tpu.vector_load %arg13[%get3A_453, %get3A_454] {strides = array<i32>} : memref<80x128xf32, #tpu.memory_space<vmem>>, vector<16xf32>,
          %mul3A_456 = vector.broadcast %squeeze3A_440 : f32 to vector<16xf32>
          %mul3A_457 = arith.mulf %get3A_455, %mul3A_456 : vector<16xf32>
          %swap3A_458 = arith.index_cast %add3A_444 : i32 to index
          %swap3A_459 = arith.constant 16 : index
          %swap3A_460 = tpu.vector_load %arg13[%swap3A_458, %swap3A_459] {strides = array<i32>} : memref<80x128xf32, #tpu.memory_space<vmem>>, vector<16xf32>,
          tpu.vector_store %arg13[%swap3A_458, %swap3A_459], %mul3A_457 {strides = array<i32>} : memref<80x128xf32, #tpu.memory_space<vmem>>, vector<16xf32>,
          %get3A_461 = arith.index_cast %add3A_444 : i32 to index
          %get3A_462 = arith.constant 32 : index
          %get3A_463 = tpu.vector_load %arg13[%get3A_461, %get3A_462] {strides = array<i32>} : memref<80x128xf32, #tpu.memory_space<vmem>>, vector<16xf32>,
          %mul3A_464 = vector.broadcast %squeeze3A_440 : f32 to vector<16xf32>
          %mul3A_465 = arith.mulf %get3A_463, %mul3A_464 : vector<16xf32>
          %swap3A_466 = arith.index_cast %add3A_444 : i32 to index
          %swap3A_467 = arith.constant 32 : index
          %swap3A_468 = tpu.vector_load %arg13[%swap3A_466, %swap3A_467] {strides = array<i32>} : memref<80x128xf32, #tpu.memory_space<vmem>>, vector<16xf32>,
          tpu.vector_store %arg13[%swap3A_466, %swap3A_467], %mul3A_465 {strides = array<i32>} : memref<80x128xf32, #tpu.memory_space<vmem>>, vector<16xf32>,
          %get3A_469 = arith.index_cast %add3A_444 : i32 to index
          %get3A_470 = arith.constant 48 : index
          %get3A_471 = tpu.vector_load %arg13[%get3A_469, %get3A_470] {strides = array<i32>} : memref<80x128xf32, #tpu.memory_space<vmem>>, vector<16xf32>,
          %mul3A_472 = vector.broadcast %squeeze3A_440 : f32 to vector<16xf32>
          %mul3A_473 = arith.mulf %get3A_471, %mul3A_472 : vector<16xf32>
          %swap3A_474 = arith.index_cast %add3A_444 : i32 to index
          %swap3A_475 = arith.constant 48 : index
          %swap3A_476 = tpu.vector_load %arg13[%swap3A_474, %swap3A_475] {strides = array<i32>} : memref<80x128xf32, #tpu.memory_space<vmem>>, vector<16xf32>,
          tpu.vector_store %arg13[%swap3A_474, %swap3A_475], %mul3A_473 {strides = array<i32>} : memref<80x128xf32, #tpu.memory_space<vmem>>, vector<16xf32>,
          %get3A_477 = arith.index_cast %add3A_444 : i32 to index
          %get3A_478 = arith.constant 64 : index
          %get3A_479 = tpu.vector_load %arg13[%get3A_477, %get3A_478] {strides = array<i32>} : memref<80x128xf32, #tpu.memory_space<vmem>>, vector<16xf32>,
          %mul3A_480 = vector.broadcast %squeeze3A_440 : f32 to vector<16xf32>
          %mul3A_481 = arith.mulf %get3A_479, %mul3A_480 : vector<16xf32>
          %swap3A_482 = arith.index_cast %add3A_444 : i32 to index
          %swap3A_483 = arith.constant 64 : index
          %swap3A_484 = tpu.vector_load %arg13[%swap3A_482, %swap3A_483] {strides = array<i32>} : memref<80x128xf32, #tpu.memory_space<vmem>>, vector<16xf32>,
          tpu.vector_store %arg13[%swap3A_482, %swap3A_483], %mul3A_481 {strides = array<i32>} : memref<80x128xf32, #tpu.memory_space<vmem>>, vector<16xf32>,
          %get3A_485 = arith.index_cast %add3A_444 : i32 to index
          %get3A_486 = arith.constant 80 : index
          %get3A_487 = tpu.vector_load %arg13[%get3A_485, %get3A_486] {strides = array<i32>} : memref<80x128xf32, #tpu.memory_space<vmem>>, vector<16xf32>,
          %mul3A_488 = vector.broadcast %squeeze3A_440 : f32 to vector<16xf32>
          %mul3A_489 = arith.mulf %get3A_487, %mul3A_488 : vector<16xf32>
          %swap3A_490 = arith.index_cast %add3A_444 : i32 to index
          %swap3A_491 = arith.constant 80 : index
          %swap3A_492 = tpu.vector_load %arg13[%swap3A_490, %swap3A_491] {strides = array<i32>} : memref<80x128xf32, #tpu.memory_space<vmem>>, vector<16xf32>,
          tpu.vector_store %arg13[%swap3A_490, %swap3A_491], %mul3A_489 {strides = array<i32>} : memref<80x128xf32, #tpu.memory_space<vmem>>, vector<16xf32>,
          %get3A_493 = arith.index_cast %add3A_444 : i32 to index
          %get3A_494 = arith.constant 96 : index
          %get3A_495 = tpu.vector_load %arg13[%get3A_493, %get3A_494] {strides = array<i32>} : memref<80x128xf32, #tpu.memory_space<vmem>>, vector<16xf32>,
          %mul3A_496 = vector.broadcast %squeeze3A_440 : f32 to vector<16xf32>
          %mul3A_497 = arith.mulf %get3A_495, %mul3A_496 : vector<16xf32>
          %swap3A_498 = arith.index_cast %add3A_444 : i32 to index
          %swap3A_499 = arith.constant 96 : index
          %swap3A_500 = tpu.vector_load %arg13[%swap3A_498, %swap3A_499] {strides = array<i32>} : memref<80x128xf32, #tpu.memory_space<vmem>>, vector<16xf32>,
          tpu.vector_store %arg13[%swap3A_498, %swap3A_499], %mul3A_497 {strides = array<i32>} : memref<80x128xf32, #tpu.memory_space<vmem>>, vector<16xf32>,
          %get3A_501 = arith.index_cast %add3A_444 : i32 to index
          %get3A_502 = arith.constant 112 : index
          %get3A_503 = tpu.vector_load %arg13[%get3A_501, %get3A_502] {strides = array<i32>} : memref<80x128xf32, #tpu.memory_space<vmem>>, vector<16xf32>,
          %mul3A_504 = vector.broadcast %squeeze3A_440 : f32 to vector<16xf32>
          %mul3A_505 = arith.mulf %get3A_503, %mul3A_504 : vector<16xf32>
          %swap3A_506 = arith.index_cast %add3A_444 : i32 to index
          %swap3A_507 = arith.constant 112 : index
          %swap3A_508 = tpu.vector_load %arg13[%swap3A_506, %swap3A_507] {strides = array<i32>} : memref<80x128xf32, #tpu.memory_space<vmem>>, vector<16xf32>,
          tpu.vector_store %arg13[%swap3A_506, %swap3A_507], %mul3A_505 {strides = array<i32>} : memref<80x128xf32, #tpu.memory_space<vmem>>, vector<16xf32>,
          %slice3A_509 = vector.extract_strided_slice %get3A_90 {offsets = [6], sizes = [1], strides = [1]} : vector<16xf32> to vector<1xf32>
          %squeeze3A_510 = vector.extract %slice3A_509[0] : f32 from vector<1xf32>
          %mul3A_511 = arith.constant 16 : i32
          %mul3A_512 = arith.muli %scan3A_86, %mul3A_511 : i32
          %add3A_513 = arith.constant 6 : i32
          %add3A_514 = arith.addi %mul3A_512, %add3A_513 : i32
          %get3A_515 = arith.index_cast %add3A_514 : i32 to index
          %get3A_516 = arith.constant 0 : index
          %get3A_517 = tpu.vector_load %arg13[%get3A_515, %get3A_516] {strides = array<i32>} : memref<80x128xf32, #tpu.memory_space<vmem>>, vector<16xf32>,
          %mul3A_518 = vector.broadcast %squeeze3A_510 : f32 to vector<16xf32>
          %mul3A_519 = arith.mulf %get3A_517, %mul3A_518 : vector<16xf32>
          %swap3A_520 = arith.index_cast %add3A_514 : i32 to index
          %swap3A_521 = arith.constant 0 : index
          %swap3A_522 = tpu.vector_load %arg13[%swap3A_520, %swap3A_521] {strides = array<i32>} : memref<80x128xf32, #tpu.memory_space<vmem>>, vector<16xf32>,
          tpu.vector_store %arg13[%swap3A_520, %swap3A_521], %mul3A_519 {strides = array<i32>} : memref<80x128xf32, #tpu.memory_space<vmem>>, vector<16xf32>,
          %get3A_523 = arith.index_cast %add3A_514 : i32 to index
          %get3A_524 = arith.constant 16 : index
          %get3A_525 = tpu.vector_load %arg13[%get3A_523, %get3A_524] {strides = array<i32>} : memref<80x128xf32, #tpu.memory_space<vmem>>, vector<16xf32>,
          %mul3A_526 = vector.broadcast %squeeze3A_510 : f32 to vector<16xf32>
          %mul3A_527 = arith.mulf %get3A_525, %mul3A_526 : vector<16xf32>
          %swap3A_528 = arith.index_cast %add3A_514 : i32 to index
          %swap3A_529 = arith.constant 16 : index
          %swap3A_530 = tpu.vector_load %arg13[%swap3A_528, %swap3A_529] {strides = array<i32>} : memref<80x128xf32, #tpu.memory_space<vmem>>, vector<16xf32>,
          tpu.vector_store %arg13[%swap3A_528, %swap3A_529], %mul3A_527 {strides = array<i32>} : memref<80x128xf32, #tpu.memory_space<vmem>>, vector<16xf32>,
          %get3A_531 = arith.index_cast %add3A_514 : i32 to index
          %get3A_532 = arith.constant 32 : index
          %get3A_533 = tpu.vector_load %arg13[%get3A_531, %get3A_532] {strides = array<i32>} : memref<80x128xf32, #tpu.memory_space<vmem>>, vector<16xf32>,
          %mul3A_534 = vector.broadcast %squeeze3A_510 : f32 to vector<16xf32>
          %mul3A_535 = arith.mulf %get3A_533, %mul3A_534 : vector<16xf32>
          %swap3A_536 = arith.index_cast %add3A_514 : i32 to index
          %swap3A_537 = arith.constant 32 : index
          %swap3A_538 = tpu.vector_load %arg13[%swap3A_536, %swap3A_537] {strides = array<i32>} : memref<80x128xf32, #tpu.memory_space<vmem>>, vector<16xf32>,
          tpu.vector_store %arg13[%swap3A_536, %swap3A_537], %mul3A_535 {strides = array<i32>} : memref<80x128xf32, #tpu.memory_space<vmem>>, vector<16xf32>,
          %get3A_539 = arith.index_cast %add3A_514 : i32 to index
          %get3A_540 = arith.constant 48 : index
          %get3A_541 = tpu.vector_load %arg13[%get3A_539, %get3A_540] {strides = array<i32>} : memref<80x128xf32, #tpu.memory_space<vmem>>, vector<16xf32>,
          %mul3A_542 = vector.broadcast %squeeze3A_510 : f32 to vector<16xf32>
          %mul3A_543 = arith.mulf %get3A_541, %mul3A_542 : vector<16xf32>
          %swap3A_544 = arith.index_cast %add3A_514 : i32 to index
          %swap3A_545 = arith.constant 48 : index
          %swap3A_546 = tpu.vector_load %arg13[%swap3A_544, %swap3A_545] {strides = array<i32>} : memref<80x128xf32, #tpu.memory_space<vmem>>, vector<16xf32>,
          tpu.vector_store %arg13[%swap3A_544, %swap3A_545], %mul3A_543 {strides = array<i32>} : memref<80x128xf32, #tpu.memory_space<vmem>>, vector<16xf32>,
          %get3A_547 = arith.index_cast %add3A_514 : i32 to index
          %get3A_548 = arith.constant 64 : index
          %get3A_549 = tpu.vector_load %arg13[%get3A_547, %get3A_548] {strides = array<i32>} : memref<80x128xf32, #tpu.memory_space<vmem>>, vector<16xf32>,
          %mul3A_550 = vector.broadcast %squeeze3A_510 : f32 to vector<16xf32>
          %mul3A_551 = arith.mulf %get3A_549, %mul3A_550 : vector<16xf32>
          %swap3A_552 = arith.index_cast %add3A_514 : i32 to index
          %swap3A_553 = arith.constant 64 : index
          %swap3A_554 = tpu.vector_load %arg13[%swap3A_552, %swap3A_553] {strides = array<i32>} : memref<80x128xf32, #tpu.memory_space<vmem>>, vector<16xf32>,
          tpu.vector_store %arg13[%swap3A_552, %swap3A_553], %mul3A_551 {strides = array<i32>} : memref<80x128xf32, #tpu.memory_space<vmem>>, vector<16xf32>,
          %get3A_555 = arith.index_cast %add3A_514 : i32 to index
          %get3A_556 = arith.constant 80 : index
          %get3A_557 = tpu.vector_load %arg13[%get3A_555, %get3A_556] {strides = array<i32>} : memref<80x128xf32, #tpu.memory_space<vmem>>, vector<16xf32>,
          %mul3A_558 = vector.broadcast %squeeze3A_510 : f32 to vector<16xf32>
          %mul3A_559 = arith.mulf %get3A_557, %mul3A_558 : vector<16xf32>
          %swap3A_560 = arith.index_cast %add3A_514 : i32 to index
          %swap3A_561 = arith.constant 80 : index
          %swap3A_562 = tpu.vector_load %arg13[%swap3A_560, %swap3A_561] {strides = array<i32>} : memref<80x128xf32, #tpu.memory_space<vmem>>, vector<16xf32>,
          tpu.vector_store %arg13[%swap3A_560, %swap3A_561], %mul3A_559 {strides = array<i32>} : memref<80x128xf32, #tpu.memory_space<vmem>>, vector<16xf32>,
          %get3A_563 = arith.index_cast %add3A_514 : i32 to index
          %get3A_564 = arith.constant 96 : index
          %get3A_565 = tpu.vector_load %arg13[%get3A_563, %get3A_564] {strides = array<i32>} : memref<80x128xf32, #tpu.memory_space<vmem>>, vector<16xf32>,
          %mul3A_566 = vector.broadcast %squeeze3A_510 : f32 to vector<16xf32>
          %mul3A_567 = arith.mulf %get3A_565, %mul3A_566 : vector<16xf32>
          %swap3A_568 = arith.index_cast %add3A_514 : i32 to index
          %swap3A_569 = arith.constant 96 : index
          %swap3A_570 = tpu.vector_load %arg13[%swap3A_568, %swap3A_569] {strides = array<i32>} : memref<80x128xf32, #tpu.memory_space<vmem>>, vector<16xf32>,
          tpu.vector_store %arg13[%swap3A_568, %swap3A_569], %mul3A_567 {strides = array<i32>} : memref<80x128xf32, #tpu.memory_space<vmem>>, vector<16xf32>,
          %get3A_571 = arith.index_cast %add3A_514 : i32 to index
          %get3A_572 = arith.constant 112 : index
          %get3A_573 = tpu.vector_load %arg13[%get3A_571, %get3A_572] {strides = array<i32>} : memref<80x128xf32, #tpu.memory_space<vmem>>, vector<16xf32>,
          %mul3A_574 = vector.broadcast %squeeze3A_510 : f32 to vector<16xf32>
          %mul3A_575 = arith.mulf %get3A_573, %mul3A_574 : vector<16xf32>
          %swap3A_576 = arith.index_cast %add3A_514 : i32 to index
          %swap3A_577 = arith.constant 112 : index
          %swap3A_578 = tpu.vector_load %arg13[%swap3A_576, %swap3A_577] {strides = array<i32>} : memref<80x128xf32, #tpu.memory_space<vmem>>, vector<16xf32>,
          tpu.vector_store %arg13[%swap3A_576, %swap3A_577], %mul3A_575 {strides = array<i32>} : memref<80x128xf32, #tpu.memory_space<vmem>>, vector<16xf32>,
          %slice3A_579 = vector.extract_strided_slice %get3A_90 {offsets = [7], sizes = [1], strides = [1]} : vector<16xf32> to vector<1xf32>
          %squeeze3A_580 = vector.extract %slice3A_579[0] : f32 from vector<1xf32>
          %mul3A_581 = arith.constant 16 : i32
          %mul3A_582 = arith.muli %scan3A_86, %mul3A_581 : i32
          %add3A_583 = arith.constant 7 : i32
          %add3A_584 = arith.addi %mul3A_582, %add3A_583 : i32
          %get3A_585 = arith.index_cast %add3A_584 : i32 to index
          %get3A_586 = arith.constant 0 : index
          %get3A_587 = tpu.vector_load %arg13[%get3A_585, %get3A_586] {strides = array<i32>} : memref<80x128xf32, #tpu.memory_space<vmem>>, vector<16xf32>,
          %mul3A_588 = vector.broadcast %squeeze3A_580 : f32 to vector<16xf32>
          %mul3A_589 = arith.mulf %get3A_587, %mul3A_588 : vector<16xf32>
          %swap3A_590 = arith.index_cast %add3A_584 : i32 to index
          %swap3A_591 = arith.constant 0 : index
          %swap3A_592 = tpu.vector_load %arg13[%swap3A_590, %swap3A_591] {strides = array<i32>} : memref<80x128xf32, #tpu.memory_space<vmem>>, vector<16xf32>,
          tpu.vector_store %arg13[%swap3A_590, %swap3A_591], %mul3A_589 {strides = array<i32>} : memref<80x128xf32, #tpu.memory_space<vmem>>, vector<16xf32>,
          %get3A_593 = arith.index_cast %add3A_584 : i32 to index
          %get3A_594 = arith.constant 16 : index
          %get3A_595 = tpu.vector_load %arg13[%get3A_593, %get3A_594] {strides = array<i32>} : memref<80x128xf32, #tpu.memory_space<vmem>>, vector<16xf32>,
          %mul3A_596 = vector.broadcast %squeeze3A_580 : f32 to vector<16xf32>
          %mul3A_597 = arith.mulf %get3A_595, %mul3A_596 : vector<16xf32>
          %swap3A_598 = arith.index_cast %add3A_584 : i32 to index
          %swap3A_599 = arith.constant 16 : index
          %swap3A_600 = tpu.vector_load %arg13[%swap3A_598, %swap3A_599] {strides = array<i32>} : memref<80x128xf32, #tpu.memory_space<vmem>>, vector<16xf32>,
          tpu.vector_store %arg13[%swap3A_598, %swap3A_599], %mul3A_597 {strides = array<i32>} : memref<80x128xf32, #tpu.memory_space<vmem>>, vector<16xf32>,
          %get3A_601 = arith.index_cast %add3A_584 : i32 to index
          %get3A_602 = arith.constant 32 : index
          %get3A_603 = tpu.vector_load %arg13[%get3A_601, %get3A_602] {strides = array<i32>} : memref<80x128xf32, #tpu.memory_space<vmem>>, vector<16xf32>,
          %mul3A_604 = vector.broadcast %squeeze3A_580 : f32 to vector<16xf32>
          %mul3A_605 = arith.mulf %get3A_603, %mul3A_604 : vector<16xf32>
          %swap3A_606 = arith.index_cast %add3A_584 : i32 to index
          %swap3A_607 = arith.constant 32 : index
          %swap3A_608 = tpu.vector_load %arg13[%swap3A_606, %swap3A_607] {strides = array<i32>} : memref<80x128xf32, #tpu.memory_space<vmem>>, vector<16xf32>,
          tpu.vector_store %arg13[%swap3A_606, %swap3A_607], %mul3A_605 {strides = array<i32>} : memref<80x128xf32, #tpu.memory_space<vmem>>, vector<16xf32>,
          %get3A_609 = arith.index_cast %add3A_584 : i32 to index
          %get3A_610 = arith.constant 48 : index
          %get3A_611 = tpu.vector_load %arg13[%get3A_609, %get3A_610] {strides = array<i32>} : memref<80x128xf32, #tpu.memory_space<vmem>>, vector<16xf32>,
          %mul3A_612 = vector.broadcast %squeeze3A_580 : f32 to vector<16xf32>
          %mul3A_613 = arith.mulf %get3A_611, %mul3A_612 : vector<16xf32>
          %swap3A_614 = arith.index_cast %add3A_584 : i32 to index
          %swap3A_615 = arith.constant 48 : index
          %swap3A_616 = tpu.vector_load %arg13[%swap3A_614, %swap3A_615] {strides = array<i32>} : memref<80x128xf32, #tpu.memory_space<vmem>>, vector<16xf32>,
          tpu.vector_store %arg13[%swap3A_614, %swap3A_615], %mul3A_613 {strides = array<i32>} : memref<80x128xf32, #tpu.memory_space<vmem>>, vector<16xf32>,
          %get3A_617 = arith.index_cast %add3A_584 : i32 to index
          %get3A_618 = arith.constant 64 : index
          %get3A_619 = tpu.vector_load %arg13[%get3A_617, %get3A_618] {strides = array<i32>} : memref<80x128xf32, #tpu.memory_space<vmem>>, vector<16xf32>,
          %mul3A_620 = vector.broadcast %squeeze3A_580 : f32 to vector<16xf32>
          %mul3A_621 = arith.mulf %get3A_619, %mul3A_620 : vector<16xf32>
          %swap3A_622 = arith.index_cast %add3A_584 : i32 to index
          %swap3A_623 = arith.constant 64 : index
          %swap3A_624 = tpu.vector_load %arg13[%swap3A_622, %swap3A_623] {strides = array<i32>} : memref<80x128xf32, #tpu.memory_space<vmem>>, vector<16xf32>,
          tpu.vector_store %arg13[%swap3A_622, %swap3A_623], %mul3A_621 {strides = array<i32>} : memref<80x128xf32, #tpu.memory_space<vmem>>, vector<16xf32>,
          %get3A_625 = arith.index_cast %add3A_584 : i32 to index
          %get3A_626 = arith.constant 80 : index
          %get3A_627 = tpu.vector_load %arg13[%get3A_625, %get3A_626] {strides = array<i32>} : memref<80x128xf32, #tpu.memory_space<vmem>>, vector<16xf32>,
          %mul3A_628 = vector.broadcast %squeeze3A_580 : f32 to vector<16xf32>
          %mul3A_629 = arith.mulf %get3A_627, %mul3A_628 : vector<16xf32>
          %swap3A_630 = arith.index_cast %add3A_584 : i32 to index
          %swap3A_631 = arith.constant 80 : index
          %swap3A_632 = tpu.vector_load %arg13[%swap3A_630, %swap3A_631] {strides = array<i32>} : memref<80x128xf32, #tpu.memory_space<vmem>>, vector<16xf32>,
          tpu.vector_store %arg13[%swap3A_630, %swap3A_631], %mul3A_629 {strides = array<i32>} : memref<80x128xf32, #tpu.memory_space<vmem>>, vector<16xf32>,
          %get3A_633 = arith.index_cast %add3A_584 : i32 to index
          %get3A_634 = arith.constant 96 : index
          %get3A_635 = tpu.vector_load %arg13[%get3A_633, %get3A_634] {strides = array<i32>} : memref<80x128xf32, #tpu.memory_space<vmem>>, vector<16xf32>,
          %mul3A_636 = vector.broadcast %squeeze3A_580 : f32 to vector<16xf32>
          %mul3A_637 = arith.mulf %get3A_635, %mul3A_636 : vector<16xf32>
          %swap3A_638 = arith.index_cast %add3A_584 : i32 to index
          %swap3A_639 = arith.constant 96 : index
          %swap3A_640 = tpu.vector_load %arg13[%swap3A_638, %swap3A_639] {strides = array<i32>} : memref<80x128xf32, #tpu.memory_space<vmem>>, vector<16xf32>,
          tpu.vector_store %arg13[%swap3A_638, %swap3A_639], %mul3A_637 {strides = array<i32>} : memref<80x128xf32, #tpu.memory_space<vmem>>, vector<16xf32>,
          %get3A_641 = arith.index_cast %add3A_584 : i32 to index
          %get3A_642 = arith.constant 112 : index
          %get3A_643 = tpu.vector_load %arg13[%get3A_641, %get3A_642] {strides = array<i32>} : memref<80x128xf32, #tpu.memory_space<vmem>>, vector<16xf32>,
          %mul3A_644 = vector.broadcast %squeeze3A_580 : f32 to vector<16xf32>
          %mul3A_645 = arith.mulf %get3A_643, %mul3A_644 : vector<16xf32>
          %swap3A_646 = arith.index_cast %add3A_584 : i32 to index
          %swap3A_647 = arith.constant 112 : index
          %swap3A_648 = tpu.vector_load %arg13[%swap3A_646, %swap3A_647] {strides = array<i32>} : memref<80x128xf32, #tpu.memory_space<vmem>>, vector<16xf32>,
          tpu.vector_store %arg13[%swap3A_646, %swap3A_647], %mul3A_645 {strides = array<i32>} : memref<80x128xf32, #tpu.memory_space<vmem>>, vector<16xf32>,
          %slice3A_649 = vector.extract_strided_slice %get3A_90 {offsets = [8], sizes = [1], strides = [1]} : vector<16xf32> to vector<1xf32>
          %squeeze3A_650 = vector.extract %slice3A_649[0] : f32 from vector<1xf32>
          %mul3A_651 = arith.constant 16 : i32
          %mul3A_652 = arith.muli %scan3A_86, %mul3A_651 : i32
          %add3A_653 = arith.constant 8 : i32
          %add3A_654 = arith.addi %mul3A_652, %add3A_653 : i32
          %get3A_655 = arith.index_cast %add3A_654 : i32 to index
          %get3A_656 = arith.constant 0 : index
          %get3A_657 = tpu.vector_load %arg13[%get3A_655, %get3A_656] {strides = array<i32>} : memref<80x128xf32, #tpu.memory_space<vmem>>, vector<16xf32>,
          %mul3A_658 = vector.broadcast %squeeze3A_650 : f32 to vector<16xf32>
          %mul3A_659 = arith.mulf %get3A_657, %mul3A_658 : vector<16xf32>
          %swap3A_660 = arith.index_cast %add3A_654 : i32 to index
          %swap3A_661 = arith.constant 0 : index
          %swap3A_662 = tpu.vector_load %arg13[%swap3A_660, %swap3A_661] {strides = array<i32>} : memref<80x128xf32, #tpu.memory_space<vmem>>, vector<16xf32>,
          tpu.vector_store %arg13[%swap3A_660, %swap3A_661], %mul3A_659 {strides = array<i32>} : memref<80x128xf32, #tpu.memory_space<vmem>>, vector<16xf32>,
          %get3A_663 = arith.index_cast %add3A_654 : i32 to index
          %get3A_664 = arith.constant 16 : index
          %get3A_665 = tpu.vector_load %arg13[%get3A_663, %get3A_664] {strides = array<i32>} : memref<80x128xf32, #tpu.memory_space<vmem>>, vector<16xf32>,
          %mul3A_666 = vector.broadcast %squeeze3A_650 : f32 to vector<16xf32>
          %mul3A_667 = arith.mulf %get3A_665, %mul3A_666 : vector<16xf32>
          %swap3A_668 = arith.index_cast %add3A_654 : i32 to index
          %swap3A_669 = arith.constant 16 : index
          %swap3A_670 = tpu.vector_load %arg13[%swap3A_668, %swap3A_669] {strides = array<i32>} : memref<80x128xf32, #tpu.memory_space<vmem>>, vector<16xf32>,
          tpu.vector_store %arg13[%swap3A_668, %swap3A_669], %mul3A_667 {strides = array<i32>} : memref<80x128xf32, #tpu.memory_space<vmem>>, vector<16xf32>,
          %get3A_671 = arith.index_cast %add3A_654 : i32 to index
          %get3A_672 = arith.constant 32 : index
          %get3A_673 = tpu.vector_load %arg13[%get3A_671, %get3A_672] {strides = array<i32>} : memref<80x128xf32, #tpu.memory_space<vmem>>, vector<16xf32>,
          %mul3A_674 = vector.broadcast %squeeze3A_650 : f32 to vector<16xf32>
          %mul3A_675 = arith.mulf %get3A_673, %mul3A_674 : vector<16xf32>
          %swap3A_676 = arith.index_cast %add3A_654 : i32 to index
          %swap3A_677 = arith.constant 32 : index
          %swap3A_678 = tpu.vector_load %arg13[%swap3A_676, %swap3A_677] {strides = array<i32>} : memref<80x128xf32, #tpu.memory_space<vmem>>, vector<16xf32>,
          tpu.vector_store %arg13[%swap3A_676, %swap3A_677], %mul3A_675 {strides = array<i32>} : memref<80x128xf32, #tpu.memory_space<vmem>>, vector<16xf32>,
          %get3A_679 = arith.index_cast %add3A_654 : i32 to index
          %get3A_680 = arith.constant 48 : index
          %get3A_681 = tpu.vector_load %arg13[%get3A_679, %get3A_680] {strides = array<i32>} : memref<80x128xf32, #tpu.memory_space<vmem>>, vector<16xf32>,
          %mul3A_682 = vector.broadcast %squeeze3A_650 : f32 to vector<16xf32>
          %mul3A_683 = arith.mulf %get3A_681, %mul3A_682 : vector<16xf32>
          %swap3A_684 = arith.index_cast %add3A_654 : i32 to index
          %swap3A_685 = arith.constant 48 : index
          %swap3A_686 = tpu.vector_load %arg13[%swap3A_684, %swap3A_685] {strides = array<i32>} : memref<80x128xf32, #tpu.memory_space<vmem>>, vector<16xf32>,
          tpu.vector_store %arg13[%swap3A_684, %swap3A_685], %mul3A_683 {strides = array<i32>} : memref<80x128xf32, #tpu.memory_space<vmem>>, vector<16xf32>,
          %get3A_687 = arith.index_cast %add3A_654 : i32 to index
          %get3A_688 = arith.constant 64 : index
          %get3A_689 = tpu.vector_load %arg13[%get3A_687, %get3A_688] {strides = array<i32>} : memref<80x128xf32, #tpu.memory_space<vmem>>, vector<16xf32>,
          %mul3A_690 = vector.broadcast %squeeze3A_650 : f32 to vector<16xf32>
          %mul3A_691 = arith.mulf %get3A_689, %mul3A_690 : vector<16xf32>
          %swap3A_692 = arith.index_cast %add3A_654 : i32 to index
          %swap3A_693 = arith.constant 64 : index
          %swap3A_694 = tpu.vector_load %arg13[%swap3A_692, %swap3A_693] {strides = array<i32>} : memref<80x128xf32, #tpu.memory_space<vmem>>, vector<16xf32>,
          tpu.vector_store %arg13[%swap3A_692, %swap3A_693], %mul3A_691 {strides = array<i32>} : memref<80x128xf32, #tpu.memory_space<vmem>>, vector<16xf32>,
          %get3A_695 = arith.index_cast %add3A_654 : i32 to index
          %get3A_696 = arith.constant 80 : index
          %get3A_697 = tpu.vector_load %arg13[%get3A_695, %get3A_696] {strides = array<i32>} : memref<80x128xf32, #tpu.memory_space<vmem>>, vector<16xf32>,
          %mul3A_698 = vector.broadcast %squeeze3A_650 : f32 to vector<16xf32>
          %mul3A_699 = arith.mulf %get3A_697, %mul3A_698 : vector<16xf32>
          %swap3A_700 = arith.index_cast %add3A_654 : i32 to index
          %swap3A_701 = arith.constant 80 : index
          %swap3A_702 = tpu.vector_load %arg13[%swap3A_700, %swap3A_701] {strides = array<i32>} : memref<80x128xf32, #tpu.memory_space<vmem>>, vector<16xf32>,
          tpu.vector_store %arg13[%swap3A_700, %swap3A_701], %mul3A_699 {strides = array<i32>} : memref<80x128xf32, #tpu.memory_space<vmem>>, vector<16xf32>,
          %get3A_703 = arith.index_cast %add3A_654 : i32 to index
          %get3A_704 = arith.constant 96 : index
          %get3A_705 = tpu.vector_load %arg13[%get3A_703, %get3A_704] {strides = array<i32>} : memref<80x128xf32, #tpu.memory_space<vmem>>, vector<16xf32>,
          %mul3A_706 = vector.broadcast %squeeze3A_650 : f32 to vector<16xf32>
          %mul3A_707 = arith.mulf %get3A_705, %mul3A_706 : vector<16xf32>
          %swap3A_708 = arith.index_cast %add3A_654 : i32 to index
          %swap3A_709 = arith.constant 96 : index
          %swap3A_710 = tpu.vector_load %arg13[%swap3A_708, %swap3A_709] {strides = array<i32>} : memref<80x128xf32, #tpu.memory_space<vmem>>, vector<16xf32>,
          tpu.vector_store %arg13[%swap3A_708, %swap3A_709], %mul3A_707 {strides = array<i32>} : memref<80x128xf32, #tpu.memory_space<vmem>>, vector<16xf32>,
          %get3A_711 = arith.index_cast %add3A_654 : i32 to index
          %get3A_712 = arith.constant 112 : index
          %get3A_713 = tpu.vector_load %arg13[%get3A_711, %get3A_712] {strides = array<i32>} : memref<80x128xf32, #tpu.memory_space<vmem>>, vector<16xf32>,
          %mul3A_714 = vector.broadcast %squeeze3A_650 : f32 to vector<16xf32>
          %mul3A_715 = arith.mulf %get3A_713, %mul3A_714 : vector<16xf32>
          %swap3A_716 = arith.index_cast %add3A_654 : i32 to index
          %swap3A_717 = arith.constant 112 : index
          %swap3A_718 = tpu.vector_load %arg13[%swap3A_716, %swap3A_717] {strides = array<i32>} : memref<80x128xf32, #tpu.memory_space<vmem>>, vector<16xf32>,
          tpu.vector_store %arg13[%swap3A_716, %swap3A_717], %mul3A_715 {strides = array<i32>} : memref<80x128xf32, #tpu.memory_space<vmem>>, vector<16xf32>,
          %slice3A_719 = vector.extract_strided_slice %get3A_90 {offsets = [9], sizes = [1], strides = [1]} : vector<16xf32> to vector<1xf32>
          %squeeze3A_720 = vector.extract %slice3A_719[0] : f32 from vector<1xf32>
          %mul3A_721 = arith.constant 16 : i32
          %mul3A_722 = arith.muli %scan3A_86, %mul3A_721 : i32
          %add3A_723 = arith.constant 9 : i32
          %add3A_724 = arith.addi %mul3A_722, %add3A_723 : i32
          %get3A_725 = arith.index_cast %add3A_724 : i32 to index
          %get3A_726 = arith.constant 0 : index
          %get3A_727 = tpu.vector_load %arg13[%get3A_725, %get3A_726] {strides = array<i32>} : memref<80x128xf32, #tpu.memory_space<vmem>>, vector<16xf32>,
          %mul3A_728 = vector.broadcast %squeeze3A_720 : f32 to vector<16xf32>
          %mul3A_729 = arith.mulf %get3A_727, %mul3A_728 : vector<16xf32>
          %swap3A_730 = arith.index_cast %add3A_724 : i32 to index
          %swap3A_731 = arith.constant 0 : index
          %swap3A_732 = tpu.vector_load %arg13[%swap3A_730, %swap3A_731] {strides = array<i32>} : memref<80x128xf32, #tpu.memory_space<vmem>>, vector<16xf32>,
          tpu.vector_store %arg13[%swap3A_730, %swap3A_731], %mul3A_729 {strides = array<i32>} : memref<80x128xf32, #tpu.memory_space<vmem>>, vector<16xf32>,
          %get3A_733 = arith.index_cast %add3A_724 : i32 to index
          %get3A_734 = arith.constant 16 : index
          %get3A_735 = tpu.vector_load %arg13[%get3A_733, %get3A_734] {strides = array<i32>} : memref<80x128xf32, #tpu.memory_space<vmem>>, vector<16xf32>,
          %mul3A_736 = vector.broadcast %squeeze3A_720 : f32 to vector<16xf32>
          %mul3A_737 = arith.mulf %get3A_735, %mul3A_736 : vector<16xf32>
          %swap3A_738 = arith.index_cast %add3A_724 : i32 to index
          %swap3A_739 = arith.constant 16 : index
          %swap3A_740 = tpu.vector_load %arg13[%swap3A_738, %swap3A_739] {strides = array<i32>} : memref<80x128xf32, #tpu.memory_space<vmem>>, vector<16xf32>,
          tpu.vector_store %arg13[%swap3A_738, %swap3A_739], %mul3A_737 {strides = array<i32>} : memref<80x128xf32, #tpu.memory_space<vmem>>, vector<16xf32>,
          %get3A_741 = arith.index_cast %add3A_724 : i32 to index
          %get3A_742 = arith.constant 32 : index
          %get3A_743 = tpu.vector_load %arg13[%get3A_741, %get3A_742] {strides = array<i32>} : memref<80x128xf32, #tpu.memory_space<vmem>>, vector<16xf32>,
          %mul3A_744 = vector.broadcast %squeeze3A_720 : f32 to vector<16xf32>
          %mul3A_745 = arith.mulf %get3A_743, %mul3A_744 : vector<16xf32>
          %swap3A_746 = arith.index_cast %add3A_724 : i32 to index
          %swap3A_747 = arith.constant 32 : index
          %swap3A_748 = tpu.vector_load %arg13[%swap3A_746, %swap3A_747] {strides = array<i32>} : memref<80x128xf32, #tpu.memory_space<vmem>>, vector<16xf32>,
          tpu.vector_store %arg13[%swap3A_746, %swap3A_747], %mul3A_745 {strides = array<i32>} : memref<80x128xf32, #tpu.memory_space<vmem>>, vector<16xf32>,
          %get3A_749 = arith.index_cast %add3A_724 : i32 to index
          %get3A_750 = arith.constant 48 : index
          %get3A_751 = tpu.vector_load %arg13[%get3A_749, %get3A_750] {strides = array<i32>} : memref<80x128xf32, #tpu.memory_space<vmem>>, vector<16xf32>,
          %mul3A_752 = vector.broadcast %squeeze3A_720 : f32 to vector<16xf32>
          %mul3A_753 = arith.mulf %get3A_751, %mul3A_752 : vector<16xf32>
          %swap3A_754 = arith.index_cast %add3A_724 : i32 to index
          %swap3A_755 = arith.constant 48 : index
          %swap3A_756 = tpu.vector_load %arg13[%swap3A_754, %swap3A_755] {strides = array<i32>} : memref<80x128xf32, #tpu.memory_space<vmem>>, vector<16xf32>,
          tpu.vector_store %arg13[%swap3A_754, %swap3A_755], %mul3A_753 {strides = array<i32>} : memref<80x128xf32, #tpu.memory_space<vmem>>, vector<16xf32>,
          %get3A_757 = arith.index_cast %add3A_724 : i32 to index
          %get3A_758 = arith.constant 64 : index
          %get3A_759 = tpu.vector_load %arg13[%get3A_757, %get3A_758] {strides = array<i32>} : memref<80x128xf32, #tpu.memory_space<vmem>>, vector<16xf32>,
          %mul3A_760 = vector.broadcast %squeeze3A_720 : f32 to vector<16xf32>
          %mul3A_761 = arith.mulf %get3A_759, %mul3A_760 : vector<16xf32>
          %swap3A_762 = arith.index_cast %add3A_724 : i32 to index
          %swap3A_763 = arith.constant 64 : index
          %swap3A_764 = tpu.vector_load %arg13[%swap3A_762, %swap3A_763] {strides = array<i32>} : memref<80x128xf32, #tpu.memory_space<vmem>>, vector<16xf32>,
          tpu.vector_store %arg13[%swap3A_762, %swap3A_763], %mul3A_761 {strides = array<i32>} : memref<80x128xf32, #tpu.memory_space<vmem>>, vector<16xf32>,
          %get3A_765 = arith.index_cast %add3A_724 : i32 to index
          %get3A_766 = arith.constant 80 : index
          %get3A_767 = tpu.vector_load %arg13[%get3A_765, %get3A_766] {strides = array<i32>} : memref<80x128xf32, #tpu.memory_space<vmem>>, vector<16xf32>,
          %mul3A_768 = vector.broadcast %squeeze3A_720 : f32 to vector<16xf32>
          %mul3A_769 = arith.mulf %get3A_767, %mul3A_768 : vector<16xf32>
          %swap3A_770 = arith.index_cast %add3A_724 : i32 to index
          %swap3A_771 = arith.constant 80 : index
          %swap3A_772 = tpu.vector_load %arg13[%swap3A_770, %swap3A_771] {strides = array<i32>} : memref<80x128xf32, #tpu.memory_space<vmem>>, vector<16xf32>,
          tpu.vector_store %arg13[%swap3A_770, %swap3A_771], %mul3A_769 {strides = array<i32>} : memref<80x128xf32, #tpu.memory_space<vmem>>, vector<16xf32>,
          %get3A_773 = arith.index_cast %add3A_724 : i32 to index
          %get3A_774 = arith.constant 96 : index
          %get3A_775 = tpu.vector_load %arg13[%get3A_773, %get3A_774] {strides = array<i32>} : memref<80x128xf32, #tpu.memory_space<vmem>>, vector<16xf32>,
          %mul3A_776 = vector.broadcast %squeeze3A_720 : f32 to vector<16xf32>
          %mul3A_777 = arith.mulf %get3A_775, %mul3A_776 : vector<16xf32>
          %swap3A_778 = arith.index_cast %add3A_724 : i32 to index
          %swap3A_779 = arith.constant 96 : index
          %swap3A_780 = tpu.vector_load %arg13[%swap3A_778, %swap3A_779] {strides = array<i32>} : memref<80x128xf32, #tpu.memory_space<vmem>>, vector<16xf32>,
          tpu.vector_store %arg13[%swap3A_778, %swap3A_779], %mul3A_777 {strides = array<i32>} : memref<80x128xf32, #tpu.memory_space<vmem>>, vector<16xf32>,
          %get3A_781 = arith.index_cast %add3A_724 : i32 to index
          %get3A_782 = arith.constant 112 : index
          %get3A_783 = tpu.vector_load %arg13[%get3A_781, %get3A_782] {strides = array<i32>} : memref<80x128xf32, #tpu.memory_space<vmem>>, vector<16xf32>,
          %mul3A_784 = vector.broadcast %squeeze3A_720 : f32 to vector<16xf32>
          %mul3A_785 = arith.mulf %get3A_783, %mul3A_784 : vector<16xf32>
          %swap3A_786 = arith.index_cast %add3A_724 : i32 to index
          %swap3A_787 = arith.constant 112 : index
          %swap3A_788 = tpu.vector_load %arg13[%swap3A_786, %swap3A_787] {strides = array<i32>} : memref<80x128xf32, #tpu.memory_space<vmem>>, vector<16xf32>,
          tpu.vector_store %arg13[%swap3A_786, %swap3A_787], %mul3A_785 {strides = array<i32>} : memref<80x128xf32, #tpu.memory_space<vmem>>, vector<16xf32>,
          %slice3A_789 = vector.extract_strided_slice %get3A_90 {offsets = [10], sizes = [1], strides = [1]} : vector<16xf32> to vector<1xf32>
          %squeeze3A_790 = vector.extract %slice3A_789[0] : f32 from vector<1xf32>
          %mul3A_791 = arith.constant 16 : i32
          %mul3A_792 = arith.muli %scan3A_86, %mul3A_791 : i32
          %add3A_793 = arith.constant 10 : i32
          %add3A_794 = arith.addi %mul3A_792, %add3A_793 : i32
          %get3A_795 = arith.index_cast %add3A_794 : i32 to index
          %get3A_796 = arith.constant 0 : index
          %get3A_797 = tpu.vector_load %arg13[%get3A_795, %get3A_796] {strides = array<i32>} : memref<80x128xf32, #tpu.memory_space<vmem>>, vector<16xf32>,
          %mul3A_798 = vector.broadcast %squeeze3A_790 : f32 to vector<16xf32>
          %mul3A_799 = arith.mulf %get3A_797, %mul3A_798 : vector<16xf32>
          %swap3A_800 = arith.index_cast %add3A_794 : i32 to index
          %swap3A_801 = arith.constant 0 : index
          %swap3A_802 = tpu.vector_load %arg13[%swap3A_800, %swap3A_801] {strides = array<i32>} : memref<80x128xf32, #tpu.memory_space<vmem>>, vector<16xf32>,
          tpu.vector_store %arg13[%swap3A_800, %swap3A_801], %mul3A_799 {strides = array<i32>} : memref<80x128xf32, #tpu.memory_space<vmem>>, vector<16xf32>,
          %get3A_803 = arith.index_cast %add3A_794 : i32 to index
          %get3A_804 = arith.constant 16 : index
          %get3A_805 = tpu.vector_load %arg13[%get3A_803, %get3A_804] {strides = array<i32>} : memref<80x128xf32, #tpu.memory_space<vmem>>, vector<16xf32>,
          %mul3A_806 = vector.broadcast %squeeze3A_790 : f32 to vector<16xf32>
          %mul3A_807 = arith.mulf %get3A_805, %mul3A_806 : vector<16xf32>
          %swap3A_808 = arith.index_cast %add3A_794 : i32 to index
          %swap3A_809 = arith.constant 16 : index
          %swap3A_810 = tpu.vector_load %arg13[%swap3A_808, %swap3A_809] {strides = array<i32>} : memref<80x128xf32, #tpu.memory_space<vmem>>, vector<16xf32>,
          tpu.vector_store %arg13[%swap3A_808, %swap3A_809], %mul3A_807 {strides = array<i32>} : memref<80x128xf32, #tpu.memory_space<vmem>>, vector<16xf32>,
          %get3A_811 = arith.index_cast %add3A_794 : i32 to index
          %get3A_812 = arith.constant 32 : index
          %get3A_813 = tpu.vector_load %arg13[%get3A_811, %get3A_812] {strides = array<i32>} : memref<80x128xf32, #tpu.memory_space<vmem>>, vector<16xf32>,
          %mul3A_814 = vector.broadcast %squeeze3A_790 : f32 to vector<16xf32>
          %mul3A_815 = arith.mulf %get3A_813, %mul3A_814 : vector<16xf32>
          %swap3A_816 = arith.index_cast %add3A_794 : i32 to index
          %swap3A_817 = arith.constant 32 : index
          %swap3A_818 = tpu.vector_load %arg13[%swap3A_816, %swap3A_817] {strides = array<i32>} : memref<80x128xf32, #tpu.memory_space<vmem>>, vector<16xf32>,
          tpu.vector_store %arg13[%swap3A_816, %swap3A_817], %mul3A_815 {strides = array<i32>} : memref<80x128xf32, #tpu.memory_space<vmem>>, vector<16xf32>,
          %get3A_819 = arith.index_cast %add3A_794 : i32 to index
          %get3A_820 = arith.constant 48 : index
          %get3A_821 = tpu.vector_load %arg13[%get3A_819, %get3A_820] {strides = array<i32>} : memref<80x128xf32, #tpu.memory_space<vmem>>, vector<16xf32>,
          %mul3A_822 = vector.broadcast %squeeze3A_790 : f32 to vector<16xf32>
          %mul3A_823 = arith.mulf %get3A_821, %mul3A_822 : vector<16xf32>
          %swap3A_824 = arith.index_cast %add3A_794 : i32 to index
          %swap3A_825 = arith.constant 48 : index
          %swap3A_826 = tpu.vector_load %arg13[%swap3A_824, %swap3A_825] {strides = array<i32>} : memref<80x128xf32, #tpu.memory_space<vmem>>, vector<16xf32>,
          tpu.vector_store %arg13[%swap3A_824, %swap3A_825], %mul3A_823 {strides = array<i32>} : memref<80x128xf32, #tpu.memory_space<vmem>>, vector<16xf32>,
          %get3A_827 = arith.index_cast %add3A_794 : i32 to index
          %get3A_828 = arith.constant 64 : index
          %get3A_829 = tpu.vector_load %arg13[%get3A_827, %get3A_828] {strides = array<i32>} : memref<80x128xf32, #tpu.memory_space<vmem>>, vector<16xf32>,
          %mul3A_830 = vector.broadcast %squeeze3A_790 : f32 to vector<16xf32>
          %mul3A_831 = arith.mulf %get3A_829, %mul3A_830 : vector<16xf32>
          %swap3A_832 = arith.index_cast %add3A_794 : i32 to index
          %swap3A_833 = arith.constant 64 : index
          %swap3A_834 = tpu.vector_load %arg13[%swap3A_832, %swap3A_833] {strides = array<i32>} : memref<80x128xf32, #tpu.memory_space<vmem>>, vector<16xf32>,
          tpu.vector_store %arg13[%swap3A_832, %swap3A_833], %mul3A_831 {strides = array<i32>} : memref<80x128xf32, #tpu.memory_space<vmem>>, vector<16xf32>,
          %get3A_835 = arith.index_cast %add3A_794 : i32 to index
          %get3A_836 = arith.constant 80 : index
          %get3A_837 = tpu.vector_load %arg13[%get3A_835, %get3A_836] {strides = array<i32>} : memref<80x128xf32, #tpu.memory_space<vmem>>, vector<16xf32>,
          %mul3A_838 = vector.broadcast %squeeze3A_790 : f32 to vector<16xf32>
          %mul3A_839 = arith.mulf %get3A_837, %mul3A_838 : vector<16xf32>
          %swap3A_840 = arith.index_cast %add3A_794 : i32 to index
          %swap3A_841 = arith.constant 80 : index
          %swap3A_842 = tpu.vector_load %arg13[%swap3A_840, %swap3A_841] {strides = array<i32>} : memref<80x128xf32, #tpu.memory_space<vmem>>, vector<16xf32>,
          tpu.vector_store %arg13[%swap3A_840, %swap3A_841], %mul3A_839 {strides = array<i32>} : memref<80x128xf32, #tpu.memory_space<vmem>>, vector<16xf32>,
          %get3A_843 = arith.index_cast %add3A_794 : i32 to index
          %get3A_844 = arith.constant 96 : index
          %get3A_845 = tpu.vector_load %arg13[%get3A_843, %get3A_844] {strides = array<i32>} : memref<80x128xf32, #tpu.memory_space<vmem>>, vector<16xf32>,
          %mul3A_846 = vector.broadcast %squeeze3A_790 : f32 to vector<16xf32>
          %mul3A_847 = arith.mulf %get3A_845, %mul3A_846 : vector<16xf32>
          %swap3A_848 = arith.index_cast %add3A_794 : i32 to index
          %swap3A_849 = arith.constant 96 : index
          %swap3A_850 = tpu.vector_load %arg13[%swap3A_848, %swap3A_849] {strides = array<i32>} : memref<80x128xf32, #tpu.memory_space<vmem>>, vector<16xf32>,
          tpu.vector_store %arg13[%swap3A_848, %swap3A_849], %mul3A_847 {strides = array<i32>} : memref<80x128xf32, #tpu.memory_space<vmem>>, vector<16xf32>,
          %get3A_851 = arith.index_cast %add3A_794 : i32 to index
          %get3A_852 = arith.constant 112 : index
          %get3A_853 = tpu.vector_load %arg13[%get3A_851, %get3A_852] {strides = array<i32>} : memref<80x128xf32, #tpu.memory_space<vmem>>, vector<16xf32>,
          %mul3A_854 = vector.broadcast %squeeze3A_790 : f32 to vector<16xf32>
          %mul3A_855 = arith.mulf %get3A_853, %mul3A_854 : vector<16xf32>
          %swap3A_856 = arith.index_cast %add3A_794 : i32 to index
          %swap3A_857 = arith.constant 112 : index
          %swap3A_858 = tpu.vector_load %arg13[%swap3A_856, %swap3A_857] {strides = array<i32>} : memref<80x128xf32, #tpu.memory_space<vmem>>, vector<16xf32>,
          tpu.vector_store %arg13[%swap3A_856, %swap3A_857], %mul3A_855 {strides = array<i32>} : memref<80x128xf32, #tpu.memory_space<vmem>>, vector<16xf32>,
          %slice3A_859 = vector.extract_strided_slice %get3A_90 {offsets = [11], sizes = [1], strides = [1]} : vector<16xf32> to vector<1xf32>
          %squeeze3A_860 = vector.extract %slice3A_859[0] : f32 from vector<1xf32>
          %mul3A_861 = arith.constant 16 : i32
          %mul3A_862 = arith.muli %scan3A_86, %mul3A_861 : i32
          %add3A_863 = arith.constant 11 : i32
          %add3A_864 = arith.addi %mul3A_862, %add3A_863 : i32
          %get3A_865 = arith.index_cast %add3A_864 : i32 to index
          %get3A_866 = arith.constant 0 : index
          %get3A_867 = tpu.vector_load %arg13[%get3A_865, %get3A_866] {strides = array<i32>} : memref<80x128xf32, #tpu.memory_space<vmem>>, vector<16xf32>,
          %mul3A_868 = vector.broadcast %squeeze3A_860 : f32 to vector<16xf32>
          %mul3A_869 = arith.mulf %get3A_867, %mul3A_868 : vector<16xf32>
          %swap3A_870 = arith.index_cast %add3A_864 : i32 to index
          %swap3A_871 = arith.constant 0 : index
          %swap3A_872 = tpu.vector_load %arg13[%swap3A_870, %swap3A_871] {strides = array<i32>} : memref<80x128xf32, #tpu.memory_space<vmem>>, vector<16xf32>,
          tpu.vector_store %arg13[%swap3A_870, %swap3A_871], %mul3A_869 {strides = array<i32>} : memref<80x128xf32, #tpu.memory_space<vmem>>, vector<16xf32>,
          %get3A_873 = arith.index_cast %add3A_864 : i32 to index
          %get3A_874 = arith.constant 16 : index
          %get3A_875 = tpu.vector_load %arg13[%get3A_873, %get3A_874] {strides = array<i32>} : memref<80x128xf32, #tpu.memory_space<vmem>>, vector<16xf32>,
          %mul3A_876 = vector.broadcast %squeeze3A_860 : f32 to vector<16xf32>
          %mul3A_877 = arith.mulf %get3A_875, %mul3A_876 : vector<16xf32>
          %swap3A_878 = arith.index_cast %add3A_864 : i32 to index
          %swap3A_879 = arith.constant 16 : index
          %swap3A_880 = tpu.vector_load %arg13[%swap3A_878, %swap3A_879] {strides = array<i32>} : memref<80x128xf32, #tpu.memory_space<vmem>>, vector<16xf32>,
          tpu.vector_store %arg13[%swap3A_878, %swap3A_879], %mul3A_877 {strides = array<i32>} : memref<80x128xf32, #tpu.memory_space<vmem>>, vector<16xf32>,
          %get3A_881 = arith.index_cast %add3A_864 : i32 to index
          %get3A_882 = arith.constant 32 : index
          %get3A_883 = tpu.vector_load %arg13[%get3A_881, %get3A_882] {strides = array<i32>} : memref<80x128xf32, #tpu.memory_space<vmem>>, vector<16xf32>,
          %mul3A_884 = vector.broadcast %squeeze3A_860 : f32 to vector<16xf32>
          %mul3A_885 = arith.mulf %get3A_883, %mul3A_884 : vector<16xf32>
          %swap3A_886 = arith.index_cast %add3A_864 : i32 to index
          %swap3A_887 = arith.constant 32 : index
          %swap3A_888 = tpu.vector_load %arg13[%swap3A_886, %swap3A_887] {strides = array<i32>} : memref<80x128xf32, #tpu.memory_space<vmem>>, vector<16xf32>,
          tpu.vector_store %arg13[%swap3A_886, %swap3A_887], %mul3A_885 {strides = array<i32>} : memref<80x128xf32, #tpu.memory_space<vmem>>, vector<16xf32>,
          %get3A_889 = arith.index_cast %add3A_864 : i32 to index
          %get3A_890 = arith.constant 48 : index
          %get3A_891 = tpu.vector_load %arg13[%get3A_889, %get3A_890] {strides = array<i32>} : memref<80x128xf32, #tpu.memory_space<vmem>>, vector<16xf32>,
          %mul3A_892 = vector.broadcast %squeeze3A_860 : f32 to vector<16xf32>
          %mul3A_893 = arith.mulf %get3A_891, %mul3A_892 : vector<16xf32>
          %swap3A_894 = arith.index_cast %add3A_864 : i32 to index
          %swap3A_895 = arith.constant 48 : index
          %swap3A_896 = tpu.vector_load %arg13[%swap3A_894, %swap3A_895] {strides = array<i32>} : memref<80x128xf32, #tpu.memory_space<vmem>>, vector<16xf32>,
          tpu.vector_store %arg13[%swap3A_894, %swap3A_895], %mul3A_893 {strides = array<i32>} : memref<80x128xf32, #tpu.memory_space<vmem>>, vector<16xf32>,
          %get3A_897 = arith.index_cast %add3A_864 : i32 to index
          %get3A_898 = arith.constant 64 : index
          %get3A_899 = tpu.vector_load %arg13[%get3A_897, %get3A_898] {strides = array<i32>} : memref<80x128xf32, #tpu.memory_space<vmem>>, vector<16xf32>,
          %mul3A_900 = vector.broadcast %squeeze3A_860 : f32 to vector<16xf32>
          %mul3A_901 = arith.mulf %get3A_899, %mul3A_900 : vector<16xf32>
          %swap3A_902 = arith.index_cast %add3A_864 : i32 to index
          %swap3A_903 = arith.constant 64 : index
          %swap3A_904 = tpu.vector_load %arg13[%swap3A_902, %swap3A_903] {strides = array<i32>} : memref<80x128xf32, #tpu.memory_space<vmem>>, vector<16xf32>,
          tpu.vector_store %arg13[%swap3A_902, %swap3A_903], %mul3A_901 {strides = array<i32>} : memref<80x128xf32, #tpu.memory_space<vmem>>, vector<16xf32>,
          %get3A_905 = arith.index_cast %add3A_864 : i32 to index
          %get3A_906 = arith.constant 80 : index
          %get3A_907 = tpu.vector_load %arg13[%get3A_905, %get3A_906] {strides = array<i32>} : memref<80x128xf32, #tpu.memory_space<vmem>>, vector<16xf32>,
          %mul3A_908 = vector.broadcast %squeeze3A_860 : f32 to vector<16xf32>
          %mul3A_909 = arith.mulf %get3A_907, %mul3A_908 : vector<16xf32>
          %swap3A_910 = arith.index_cast %add3A_864 : i32 to index
          %swap3A_911 = arith.constant 80 : index
          %swap3A_912 = tpu.vector_load %arg13[%swap3A_910, %swap3A_911] {strides = array<i32>} : memref<80x128xf32, #tpu.memory_space<vmem>>, vector<16xf32>,
          tpu.vector_store %arg13[%swap3A_910, %swap3A_911], %mul3A_909 {strides = array<i32>} : memref<80x128xf32, #tpu.memory_space<vmem>>, vector<16xf32>,
          %get3A_913 = arith.index_cast %add3A_864 : i32 to index
          %get3A_914 = arith.constant 96 : index
          %get3A_915 = tpu.vector_load %arg13[%get3A_913, %get3A_914] {strides = array<i32>} : memref<80x128xf32, #tpu.memory_space<vmem>>, vector<16xf32>,
          %mul3A_916 = vector.broadcast %squeeze3A_860 : f32 to vector<16xf32>
          %mul3A_917 = arith.mulf %get3A_915, %mul3A_916 : vector<16xf32>
          %swap3A_918 = arith.index_cast %add3A_864 : i32 to index
          %swap3A_919 = arith.constant 96 : index
          %swap3A_920 = tpu.vector_load %arg13[%swap3A_918, %swap3A_919] {strides = array<i32>} : memref<80x128xf32, #tpu.memory_space<vmem>>, vector<16xf32>,
          tpu.vector_store %arg13[%swap3A_918, %swap3A_919], %mul3A_917 {strides = array<i32>} : memref<80x128xf32, #tpu.memory_space<vmem>>, vector<16xf32>,
          %get3A_921 = arith.index_cast %add3A_864 : i32 to index
          %get3A_922 = arith.constant 112 : index
          %get3A_923 = tpu.vector_load %arg13[%get3A_921, %get3A_922] {strides = array<i32>} : memref<80x128xf32, #tpu.memory_space<vmem>>, vector<16xf32>,
          %mul3A_924 = vector.broadcast %squeeze3A_860 : f32 to vector<16xf32>
          %mul3A_925 = arith.mulf %get3A_923, %mul3A_924 : vector<16xf32>
          %swap3A_926 = arith.index_cast %add3A_864 : i32 to index
          %swap3A_927 = arith.constant 112 : index
          %swap3A_928 = tpu.vector_load %arg13[%swap3A_926, %swap3A_927] {strides = array<i32>} : memref<80x128xf32, #tpu.memory_space<vmem>>, vector<16xf32>,
          tpu.vector_store %arg13[%swap3A_926, %swap3A_927], %mul3A_925 {strides = array<i32>} : memref<80x128xf32, #tpu.memory_space<vmem>>, vector<16xf32>,
          %slice3A_929 = vector.extract_strided_slice %get3A_90 {offsets = [12], sizes = [1], strides = [1]} : vector<16xf32> to vector<1xf32>
          %squeeze3A_930 = vector.extract %slice3A_929[0] : f32 from vector<1xf32>
          %mul3A_931 = arith.constant 16 : i32
          %mul3A_932 = arith.muli %scan3A_86, %mul3A_931 : i32
          %add3A_933 = arith.constant 12 : i32
          %add3A_934 = arith.addi %mul3A_932, %add3A_933 : i32
          %get3A_935 = arith.index_cast %add3A_934 : i32 to index
          %get3A_936 = arith.constant 0 : index
          %get3A_937 = tpu.vector_load %arg13[%get3A_935, %get3A_936] {strides = array<i32>} : memref<80x128xf32, #tpu.memory_space<vmem>>, vector<16xf32>,
          %mul3A_938 = vector.broadcast %squeeze3A_930 : f32 to vector<16xf32>
          %mul3A_939 = arith.mulf %get3A_937, %mul3A_938 : vector<16xf32>
          %swap3A_940 = arith.index_cast %add3A_934 : i32 to index
          %swap3A_941 = arith.constant 0 : index
          %swap3A_942 = tpu.vector_load %arg13[%swap3A_940, %swap3A_941] {strides = array<i32>} : memref<80x128xf32, #tpu.memory_space<vmem>>, vector<16xf32>,
          tpu.vector_store %arg13[%swap3A_940, %swap3A_941], %mul3A_939 {strides = array<i32>} : memref<80x128xf32, #tpu.memory_space<vmem>>, vector<16xf32>,
          %get3A_943 = arith.index_cast %add3A_934 : i32 to index
          %get3A_944 = arith.constant 16 : index
          %get3A_945 = tpu.vector_load %arg13[%get3A_943, %get3A_944] {strides = array<i32>} : memref<80x128xf32, #tpu.memory_space<vmem>>, vector<16xf32>,
          %mul3A_946 = vector.broadcast %squeeze3A_930 : f32 to vector<16xf32>
          %mul3A_947 = arith.mulf %get3A_945, %mul3A_946 : vector<16xf32>
          %swap3A_948 = arith.index_cast %add3A_934 : i32 to index
          %swap3A_949 = arith.constant 16 : index
          %swap3A_950 = tpu.vector_load %arg13[%swap3A_948, %swap3A_949] {strides = array<i32>} : memref<80x128xf32, #tpu.memory_space<vmem>>, vector<16xf32>,
          tpu.vector_store %arg13[%swap3A_948, %swap3A_949], %mul3A_947 {strides = array<i32>} : memref<80x128xf32, #tpu.memory_space<vmem>>, vector<16xf32>,
          %get3A_951 = arith.index_cast %add3A_934 : i32 to index
          %get3A_952 = arith.constant 32 : index
          %get3A_953 = tpu.vector_load %arg13[%get3A_951, %get3A_952] {strides = array<i32>} : memref<80x128xf32, #tpu.memory_space<vmem>>, vector<16xf32>,
          %mul3A_954 = vector.broadcast %squeeze3A_930 : f32 to vector<16xf32>
          %mul3A_955 = arith.mulf %get3A_953, %mul3A_954 : vector<16xf32>
          %swap3A_956 = arith.index_cast %add3A_934 : i32 to index
          %swap3A_957 = arith.constant 32 : index
          %swap3A_958 = tpu.vector_load %arg13[%swap3A_956, %swap3A_957] {strides = array<i32>} : memref<80x128xf32, #tpu.memory_space<vmem>>, vector<16xf32>,
          tpu.vector_store %arg13[%swap3A_956, %swap3A_957], %mul3A_955 {strides = array<i32>} : memref<80x128xf32, #tpu.memory_space<vmem>>, vector<16xf32>,
          %get3A_959 = arith.index_cast %add3A_934 : i32 to index
          %get3A_960 = arith.constant 48 : index
          %get3A_961 = tpu.vector_load %arg13[%get3A_959, %get3A_960] {strides = array<i32>} : memref<80x128xf32, #tpu.memory_space<vmem>>, vector<16xf32>,
          %mul3A_962 = vector.broadcast %squeeze3A_930 : f32 to vector<16xf32>
          %mul3A_963 = arith.mulf %get3A_961, %mul3A_962 : vector<16xf32>
          %swap3A_964 = arith.index_cast %add3A_934 : i32 to index
          %swap3A_965 = arith.constant 48 : index
          %swap3A_966 = tpu.vector_load %arg13[%swap3A_964, %swap3A_965] {strides = array<i32>} : memref<80x128xf32, #tpu.memory_space<vmem>>, vector<16xf32>,
          tpu.vector_store %arg13[%swap3A_964, %swap3A_965], %mul3A_963 {strides = array<i32>} : memref<80x128xf32, #tpu.memory_space<vmem>>, vector<16xf32>,
          %get3A_967 = arith.index_cast %add3A_934 : i32 to index
          %get3A_968 = arith.constant 64 : index
          %get3A_969 = tpu.vector_load %arg13[%get3A_967, %get3A_968] {strides = array<i32>} : memref<80x128xf32, #tpu.memory_space<vmem>>, vector<16xf32>,
          %mul3A_970 = vector.broadcast %squeeze3A_930 : f32 to vector<16xf32>
          %mul3A_971 = arith.mulf %get3A_969, %mul3A_970 : vector<16xf32>
          %swap3A_972 = arith.index_cast %add3A_934 : i32 to index
          %swap3A_973 = arith.constant 64 : index
          %swap3A_974 = tpu.vector_load %arg13[%swap3A_972, %swap3A_973] {strides = array<i32>} : memref<80x128xf32, #tpu.memory_space<vmem>>, vector<16xf32>,
          tpu.vector_store %arg13[%swap3A_972, %swap3A_973], %mul3A_971 {strides = array<i32>} : memref<80x128xf32, #tpu.memory_space<vmem>>, vector<16xf32>,
          %get3A_975 = arith.index_cast %add3A_934 : i32 to index
          %get3A_976 = arith.constant 80 : index
          %get3A_977 = tpu.vector_load %arg13[%get3A_975, %get3A_976] {strides = array<i32>} : memref<80x128xf32, #tpu.memory_space<vmem>>, vector<16xf32>,
          %mul3A_978 = vector.broadcast %squeeze3A_930 : f32 to vector<16xf32>
          %mul3A_979 = arith.mulf %get3A_977, %mul3A_978 : vector<16xf32>
          %swap3A_980 = arith.index_cast %add3A_934 : i32 to index
          %swap3A_981 = arith.constant 80 : index
          %swap3A_982 = tpu.vector_load %arg13[%swap3A_980, %swap3A_981] {strides = array<i32>} : memref<80x128xf32, #tpu.memory_space<vmem>>, vector<16xf32>,
          tpu.vector_store %arg13[%swap3A_980, %swap3A_981], %mul3A_979 {strides = array<i32>} : memref<80x128xf32, #tpu.memory_space<vmem>>, vector<16xf32>,
          %get3A_983 = arith.index_cast %add3A_934 : i32 to index
          %get3A_984 = arith.constant 96 : index
          %get3A_985 = tpu.vector_load %arg13[%get3A_983, %get3A_984] {strides = array<i32>} : memref<80x128xf32, #tpu.memory_space<vmem>>, vector<16xf32>,
          %mul3A_986 = vector.broadcast %squeeze3A_930 : f32 to vector<16xf32>
          %mul3A_987 = arith.mulf %get3A_985, %mul3A_986 : vector<16xf32>
          %swap3A_988 = arith.index_cast %add3A_934 : i32 to index
          %swap3A_989 = arith.constant 96 : index
          %swap3A_990 = tpu.vector_load %arg13[%swap3A_988, %swap3A_989] {strides = array<i32>} : memref<80x128xf32, #tpu.memory_space<vmem>>, vector<16xf32>,
          tpu.vector_store %arg13[%swap3A_988, %swap3A_989], %mul3A_987 {strides = array<i32>} : memref<80x128xf32, #tpu.memory_space<vmem>>, vector<16xf32>,
          %get3A_991 = arith.index_cast %add3A_934 : i32 to index
          %get3A_992 = arith.constant 112 : index
          %get3A_993 = tpu.vector_load %arg13[%get3A_991, %get3A_992] {strides = array<i32>} : memref<80x128xf32, #tpu.memory_space<vmem>>, vector<16xf32>,
          %mul3A_994 = vector.broadcast %squeeze3A_930 : f32 to vector<16xf32>
          %mul3A_995 = arith.mulf %get3A_993, %mul3A_994 : vector<16xf32>
          %swap3A_996 = arith.index_cast %add3A_934 : i32 to index
          %swap3A_997 = arith.constant 112 : index
          %swap3A_998 = tpu.vector_load %arg13[%swap3A_996, %swap3A_997] {strides = array<i32>} : memref<80x128xf32, #tpu.memory_space<vmem>>, vector<16xf32>,
          tpu.vector_store %arg13[%swap3A_996, %swap3A_997], %mul3A_995 {strides = array<i32>} : memref<80x128xf32, #tpu.memory_space<vmem>>, vector<16xf32>,
          %slice3A_999 = vector.extract_strided_slice %get3A_90 {offsets = [13], sizes = [1], strides = [1]} : vector<16xf32> to vector<1xf32>
          %squeeze3A_1000 = vector.extract %slice3A_999[0] : f32 from vector<1xf32>
          %mul3A_1001 = arith.constant 16 : i32
          %mul3A_1002 = arith.muli %scan3A_86, %mul3A_1001 : i32
          %add3A_1003 = arith.constant 13 : i32
          %add3A_1004 = arith.addi %mul3A_1002, %add3A_1003 : i32
          %get3A_1005 = arith.index_cast %add3A_1004 : i32 to index
          %get3A_1006 = arith.constant 0 : index
          %get3A_1007 = tpu.vector_load %arg13[%get3A_1005, %get3A_1006] {strides = array<i32>} : memref<80x128xf32, #tpu.memory_space<vmem>>, vector<16xf32>,
          %mul3A_1008 = vector.broadcast %squeeze3A_1000 : f32 to vector<16xf32>
          %mul3A_1009 = arith.mulf %get3A_1007, %mul3A_1008 : vector<16xf32>
          %swap3A_1010 = arith.index_cast %add3A_1004 : i32 to index
          %swap3A_1011 = arith.constant 0 : index
          %swap3A_1012 = tpu.vector_load %arg13[%swap3A_1010, %swap3A_1011] {strides = array<i32>} : memref<80x128xf32, #tpu.memory_space<vmem>>, vector<16xf32>,
          tpu.vector_store %arg13[%swap3A_1010, %swap3A_1011], %mul3A_1009 {strides = array<i32>} : memref<80x128xf32, #tpu.memory_space<vmem>>, vector<16xf32>,
          %get3A_1013 = arith.index_cast %add3A_1004 : i32 to index
          %get3A_1014 = arith.constant 16 : index
          %get3A_1015 = tpu.vector_load %arg13[%get3A_1013, %get3A_1014] {strides = array<i32>} : memref<80x128xf32, #tpu.memory_space<vmem>>, vector<16xf32>,
          %mul3A_1016 = vector.broadcast %squeeze3A_1000 : f32 to vector<16xf32>
          %mul3A_1017 = arith.mulf %get3A_1015, %mul3A_1016 : vector<16xf32>
          %swap3A_1018 = arith.index_cast %add3A_1004 : i32 to index
          %swap3A_1019 = arith.constant 16 : index
          %swap3A_1020 = tpu.vector_load %arg13[%swap3A_1018, %swap3A_1019] {strides = array<i32>} : memref<80x128xf32, #tpu.memory_space<vmem>>, vector<16xf32>,
          tpu.vector_store %arg13[%swap3A_1018, %swap3A_1019], %mul3A_1017 {strides = array<i32>} : memref<80x128xf32, #tpu.memory_space<vmem>>, vector<16xf32>,
          %get3A_1021 = arith.index_cast %add3A_1004 : i32 to index
          %get3A_1022 = arith.constant 32 : index
          %get3A_1023 = tpu.vector_load %arg13[%get3A_1021, %get3A_1022] {strides = array<i32>} : memref<80x128xf32, #tpu.memory_space<vmem>>, vector<16xf32>,
          %mul3A_1024 = vector.broadcast %squeeze3A_1000 : f32 to vector<16xf32>
          %mul3A_1025 = arith.mulf %get3A_1023, %mul3A_1024 : vector<16xf32>
          %swap3A_1026 = arith.index_cast %add3A_1004 : i32 to index
          %swap3A_1027 = arith.constant 32 : index
          %swap3A_1028 = tpu.vector_load %arg13[%swap3A_1026, %swap3A_1027] {strides = array<i32>} : memref<80x128xf32, #tpu.memory_space<vmem>>, vector<16xf32>,
          tpu.vector_store %arg13[%swap3A_1026, %swap3A_1027], %mul3A_1025 {strides = array<i32>} : memref<80x128xf32, #tpu.memory_space<vmem>>, vector<16xf32>,
          %get3A_1029 = arith.index_cast %add3A_1004 : i32 to index
          %get3A_1030 = arith.constant 48 : index
          %get3A_1031 = tpu.vector_load %arg13[%get3A_1029, %get3A_1030] {strides = array<i32>} : memref<80x128xf32, #tpu.memory_space<vmem>>, vector<16xf32>,
          %mul3A_1032 = vector.broadcast %squeeze3A_1000 : f32 to vector<16xf32>
          %mul3A_1033 = arith.mulf %get3A_1031, %mul3A_1032 : vector<16xf32>
          %swap3A_1034 = arith.index_cast %add3A_1004 : i32 to index
          %swap3A_1035 = arith.constant 48 : index
          %swap3A_1036 = tpu.vector_load %arg13[%swap3A_1034, %swap3A_1035] {strides = array<i32>} : memref<80x128xf32, #tpu.memory_space<vmem>>, vector<16xf32>,
          tpu.vector_store %arg13[%swap3A_1034, %swap3A_1035], %mul3A_1033 {strides = array<i32>} : memref<80x128xf32, #tpu.memory_space<vmem>>, vector<16xf32>,
          %get3A_1037 = arith.index_cast %add3A_1004 : i32 to index
          %get3A_1038 = arith.constant 64 : index
          %get3A_1039 = tpu.vector_load %arg13[%get3A_1037, %get3A_1038] {strides = array<i32>} : memref<80x128xf32, #tpu.memory_space<vmem>>, vector<16xf32>,
          %mul3A_1040 = vector.broadcast %squeeze3A_1000 : f32 to vector<16xf32>
          %mul3A_1041 = arith.mulf %get3A_1039, %mul3A_1040 : vector<16xf32>
          %swap3A_1042 = arith.index_cast %add3A_1004 : i32 to index
          %swap3A_1043 = arith.constant 64 : index
          %swap3A_1044 = tpu.vector_load %arg13[%swap3A_1042, %swap3A_1043] {strides = array<i32>} : memref<80x128xf32, #tpu.memory_space<vmem>>, vector<16xf32>,
          tpu.vector_store %arg13[%swap3A_1042, %swap3A_1043], %mul3A_1041 {strides = array<i32>} : memref<80x128xf32, #tpu.memory_space<vmem>>, vector<16xf32>,
          %get3A_1045 = arith.index_cast %add3A_1004 : i32 to index
          %get3A_1046 = arith.constant 80 : index
          %get3A_1047 = tpu.vector_load %arg13[%get3A_1045, %get3A_1046] {strides = array<i32>} : memref<80x128xf32, #tpu.memory_space<vmem>>, vector<16xf32>,
          %mul3A_1048 = vector.broadcast %squeeze3A_1000 : f32 to vector<16xf32>
          %mul3A_1049 = arith.mulf %get3A_1047, %mul3A_1048 : vector<16xf32>
          %swap3A_1050 = arith.index_cast %add3A_1004 : i32 to index
          %swap3A_1051 = arith.constant 80 : index
          %swap3A_1052 = tpu.vector_load %arg13[%swap3A_1050, %swap3A_1051] {strides = array<i32>} : memref<80x128xf32, #tpu.memory_space<vmem>>, vector<16xf32>,
          tpu.vector_store %arg13[%swap3A_1050, %swap3A_1051], %mul3A_1049 {strides = array<i32>} : memref<80x128xf32, #tpu.memory_space<vmem>>, vector<16xf32>,
          %get3A_1053 = arith.index_cast %add3A_1004 : i32 to index
          %get3A_1054 = arith.constant 96 : index
          %get3A_1055 = tpu.vector_load %arg13[%get3A_1053, %get3A_1054] {strides = array<i32>} : memref<80x128xf32, #tpu.memory_space<vmem>>, vector<16xf32>,
          %mul3A_1056 = vector.broadcast %squeeze3A_1000 : f32 to vector<16xf32>
          %mul3A_1057 = arith.mulf %get3A_1055, %mul3A_1056 : vector<16xf32>
          %swap3A_1058 = arith.index_cast %add3A_1004 : i32 to index
          %swap3A_1059 = arith.constant 96 : index
          %swap3A_1060 = tpu.vector_load %arg13[%swap3A_1058, %swap3A_1059] {strides = array<i32>} : memref<80x128xf32, #tpu.memory_space<vmem>>, vector<16xf32>,
          tpu.vector_store %arg13[%swap3A_1058, %swap3A_1059], %mul3A_1057 {strides = array<i32>} : memref<80x128xf32, #tpu.memory_space<vmem>>, vector<16xf32>,
          %get3A_1061 = arith.index_cast %add3A_1004 : i32 to index
          %get3A_1062 = arith.constant 112 : index
          %get3A_1063 = tpu.vector_load %arg13[%get3A_1061, %get3A_1062] {strides = array<i32>} : memref<80x128xf32, #tpu.memory_space<vmem>>, vector<16xf32>,
          %mul3A_1064 = vector.broadcast %squeeze3A_1000 : f32 to vector<16xf32>
          %mul3A_1065 = arith.mulf %get3A_1063, %mul3A_1064 : vector<16xf32>
          %swap3A_1066 = arith.index_cast %add3A_1004 : i32 to index
          %swap3A_1067 = arith.constant 112 : index
          %swap3A_1068 = tpu.vector_load %arg13[%swap3A_1066, %swap3A_1067] {strides = array<i32>} : memref<80x128xf32, #tpu.memory_space<vmem>>, vector<16xf32>,
          tpu.vector_store %arg13[%swap3A_1066, %swap3A_1067], %mul3A_1065 {strides = array<i32>} : memref<80x128xf32, #tpu.memory_space<vmem>>, vector<16xf32>,
          %slice3A_1069 = vector.extract_strided_slice %get3A_90 {offsets = [14], sizes = [1], strides = [1]} : vector<16xf32> to vector<1xf32>
          %squeeze3A_1070 = vector.extract %slice3A_1069[0] : f32 from vector<1xf32>
          %mul3A_1071 = arith.constant 16 : i32
          %mul3A_1072 = arith.muli %scan3A_86, %mul3A_1071 : i32
          %add3A_1073 = arith.constant 14 : i32
          %add3A_1074 = arith.addi %mul3A_1072, %add3A_1073 : i32
          %get3A_1075 = arith.index_cast %add3A_1074 : i32 to index
          %get3A_1076 = arith.constant 0 : index
          %get3A_1077 = tpu.vector_load %arg13[%get3A_1075, %get3A_1076] {strides = array<i32>} : memref<80x128xf32, #tpu.memory_space<vmem>>, vector<16xf32>,
          %mul3A_1078 = vector.broadcast %squeeze3A_1070 : f32 to vector<16xf32>
          %mul3A_1079 = arith.mulf %get3A_1077, %mul3A_1078 : vector<16xf32>
          %swap3A_1080 = arith.index_cast %add3A_1074 : i32 to index
          %swap3A_1081 = arith.constant 0 : index
          %swap3A_1082 = tpu.vector_load %arg13[%swap3A_1080, %swap3A_1081] {strides = array<i32>} : memref<80x128xf32, #tpu.memory_space<vmem>>, vector<16xf32>,
          tpu.vector_store %arg13[%swap3A_1080, %swap3A_1081], %mul3A_1079 {strides = array<i32>} : memref<80x128xf32, #tpu.memory_space<vmem>>, vector<16xf32>,
          %get3A_1083 = arith.index_cast %add3A_1074 : i32 to index
          %get3A_1084 = arith.constant 16 : index
          %get3A_1085 = tpu.vector_load %arg13[%get3A_1083, %get3A_1084] {strides = array<i32>} : memref<80x128xf32, #tpu.memory_space<vmem>>, vector<16xf32>,
          %mul3A_1086 = vector.broadcast %squeeze3A_1070 : f32 to vector<16xf32>
          %mul3A_1087 = arith.mulf %get3A_1085, %mul3A_1086 : vector<16xf32>
          %swap3A_1088 = arith.index_cast %add3A_1074 : i32 to index
          %swap3A_1089 = arith.constant 16 : index
          %swap3A_1090 = tpu.vector_load %arg13[%swap3A_1088, %swap3A_1089] {strides = array<i32>} : memref<80x128xf32, #tpu.memory_space<vmem>>, vector<16xf32>,
          tpu.vector_store %arg13[%swap3A_1088, %swap3A_1089], %mul3A_1087 {strides = array<i32>} : memref<80x128xf32, #tpu.memory_space<vmem>>, vector<16xf32>,
          %get3A_1091 = arith.index_cast %add3A_1074 : i32 to index
          %get3A_1092 = arith.constant 32 : index
          %get3A_1093 = tpu.vector_load %arg13[%get3A_1091, %get3A_1092] {strides = array<i32>} : memref<80x128xf32, #tpu.memory_space<vmem>>, vector<16xf32>,
          %mul3A_1094 = vector.broadcast %squeeze3A_1070 : f32 to vector<16xf32>
          %mul3A_1095 = arith.mulf %get3A_1093, %mul3A_1094 : vector<16xf32>
          %swap3A_1096 = arith.index_cast %add3A_1074 : i32 to index
          %swap3A_1097 = arith.constant 32 : index
          %swap3A_1098 = tpu.vector_load %arg13[%swap3A_1096, %swap3A_1097] {strides = array<i32>} : memref<80x128xf32, #tpu.memory_space<vmem>>, vector<16xf32>,
          tpu.vector_store %arg13[%swap3A_1096, %swap3A_1097], %mul3A_1095 {strides = array<i32>} : memref<80x128xf32, #tpu.memory_space<vmem>>, vector<16xf32>,
          %get3A_1099 = arith.index_cast %add3A_1074 : i32 to index
          %get3A_1100 = arith.constant 48 : index
          %get3A_1101 = tpu.vector_load %arg13[%get3A_1099, %get3A_1100] {strides = array<i32>} : memref<80x128xf32, #tpu.memory_space<vmem>>, vector<16xf32>,
          %mul3A_1102 = vector.broadcast %squeeze3A_1070 : f32 to vector<16xf32>
          %mul3A_1103 = arith.mulf %get3A_1101, %mul3A_1102 : vector<16xf32>
          %swap3A_1104 = arith.index_cast %add3A_1074 : i32 to index
          %swap3A_1105 = arith.constant 48 : index
          %swap3A_1106 = tpu.vector_load %arg13[%swap3A_1104, %swap3A_1105] {strides = array<i32>} : memref<80x128xf32, #tpu.memory_space<vmem>>, vector<16xf32>,
          tpu.vector_store %arg13[%swap3A_1104, %swap3A_1105], %mul3A_1103 {strides = array<i32>} : memref<80x128xf32, #tpu.memory_space<vmem>>, vector<16xf32>,
          %get3A_1107 = arith.index_cast %add3A_1074 : i32 to index
          %get3A_1108 = arith.constant 64 : index
          %get3A_1109 = tpu.vector_load %arg13[%get3A_1107, %get3A_1108] {strides = array<i32>} : memref<80x128xf32, #tpu.memory_space<vmem>>, vector<16xf32>,
          %mul3A_1110 = vector.broadcast %squeeze3A_1070 : f32 to vector<16xf32>
          %mul3A_1111 = arith.mulf %get3A_1109, %mul3A_1110 : vector<16xf32>
          %swap3A_1112 = arith.index_cast %add3A_1074 : i32 to index
          %swap3A_1113 = arith.constant 64 : index
          %swap3A_1114 = tpu.vector_load %arg13[%swap3A_1112, %swap3A_1113] {strides = array<i32>} : memref<80x128xf32, #tpu.memory_space<vmem>>, vector<16xf32>,
          tpu.vector_store %arg13[%swap3A_1112, %swap3A_1113], %mul3A_1111 {strides = array<i32>} : memref<80x128xf32, #tpu.memory_space<vmem>>, vector<16xf32>,
          %get3A_1115 = arith.index_cast %add3A_1074 : i32 to index
          %get3A_1116 = arith.constant 80 : index
          %get3A_1117 = tpu.vector_load %arg13[%get3A_1115, %get3A_1116] {strides = array<i32>} : memref<80x128xf32, #tpu.memory_space<vmem>>, vector<16xf32>,
          %mul3A_1118 = vector.broadcast %squeeze3A_1070 : f32 to vector<16xf32>
          %mul3A_1119 = arith.mulf %get3A_1117, %mul3A_1118 : vector<16xf32>
          %swap3A_1120 = arith.index_cast %add3A_1074 : i32 to index
          %swap3A_1121 = arith.constant 80 : index
          %swap3A_1122 = tpu.vector_load %arg13[%swap3A_1120, %swap3A_1121] {strides = array<i32>} : memref<80x128xf32, #tpu.memory_space<vmem>>, vector<16xf32>,
          tpu.vector_store %arg13[%swap3A_1120, %swap3A_1121], %mul3A_1119 {strides = array<i32>} : memref<80x128xf32, #tpu.memory_space<vmem>>, vector<16xf32>,
          %get3A_1123 = arith.index_cast %add3A_1074 : i32 to index
          %get3A_1124 = arith.constant 96 : index
          %get3A_1125 = tpu.vector_load %arg13[%get3A_1123, %get3A_1124] {strides = array<i32>} : memref<80x128xf32, #tpu.memory_space<vmem>>, vector<16xf32>,
          %mul3A_1126 = vector.broadcast %squeeze3A_1070 : f32 to vector<16xf32>
          %mul3A_1127 = arith.mulf %get3A_1125, %mul3A_1126 : vector<16xf32>
          %swap3A_1128 = arith.index_cast %add3A_1074 : i32 to index
          %swap3A_1129 = arith.constant 96 : index
          %swap3A_1130 = tpu.vector_load %arg13[%swap3A_1128, %swap3A_1129] {strides = array<i32>} : memref<80x128xf32, #tpu.memory_space<vmem>>, vector<16xf32>,
          tpu.vector_store %arg13[%swap3A_1128, %swap3A_1129], %mul3A_1127 {strides = array<i32>} : memref<80x128xf32, #tpu.memory_space<vmem>>, vector<16xf32>,
          %get3A_1131 = arith.index_cast %add3A_1074 : i32 to index
          %get3A_1132 = arith.constant 112 : index
          %get3A_1133 = tpu.vector_load %arg13[%get3A_1131, %get3A_1132] {strides = array<i32>} : memref<80x128xf32, #tpu.memory_space<vmem>>, vector<16xf32>,
          %mul3A_1134 = vector.broadcast %squeeze3A_1070 : f32 to vector<16xf32>
          %mul3A_1135 = arith.mulf %get3A_1133, %mul3A_1134 : vector<16xf32>
          %swap3A_1136 = arith.index_cast %add3A_1074 : i32 to index
          %swap3A_1137 = arith.constant 112 : index
          %swap3A_1138 = tpu.vector_load %arg13[%swap3A_1136, %swap3A_1137] {strides = array<i32>} : memref<80x128xf32, #tpu.memory_space<vmem>>, vector<16xf32>,
          tpu.vector_store %arg13[%swap3A_1136, %swap3A_1137], %mul3A_1135 {strides = array<i32>} : memref<80x128xf32, #tpu.memory_space<vmem>>, vector<16xf32>,
          %slice3A_1139 = vector.extract_strided_slice %get3A_90 {offsets = [15], sizes = [1], strides = [1]} : vector<16xf32> to vector<1xf32>
          %squeeze3A_1140 = vector.extract %slice3A_1139[0] : f32 from vector<1xf32>
          %mul3A_1141 = arith.constant 16 : i32
          %mul3A_1142 = arith.muli %scan3A_86, %mul3A_1141 : i32
          %add3A_1143 = arith.constant 15 : i32
          %add3A_1144 = arith.addi %mul3A_1142, %add3A_1143 : i32
          %get3A_1145 = arith.index_cast %add3A_1144 : i32 to index
          %get3A_1146 = arith.constant 0 : index
          %get3A_1147 = tpu.vector_load %arg13[%get3A_1145, %get3A_1146] {strides = array<i32>} : memref<80x128xf32, #tpu.memory_space<vmem>>, vector<16xf32>,
          %mul3A_1148 = vector.broadcast %squeeze3A_1140 : f32 to vector<16xf32>
          %mul3A_1149 = arith.mulf %get3A_1147, %mul3A_1148 : vector<16xf32>
          %swap3A_1150 = arith.index_cast %add3A_1144 : i32 to index
          %swap3A_1151 = arith.constant 0 : index
          %swap3A_1152 = tpu.vector_load %arg13[%swap3A_1150, %swap3A_1151] {strides = array<i32>} : memref<80x128xf32, #tpu.memory_space<vmem>>, vector<16xf32>,
          tpu.vector_store %arg13[%swap3A_1150, %swap3A_1151], %mul3A_1149 {strides = array<i32>} : memref<80x128xf32, #tpu.memory_space<vmem>>, vector<16xf32>,
          %get3A_1153 = arith.index_cast %add3A_1144 : i32 to index
          %get3A_1154 = arith.constant 16 : index
          %get3A_1155 = tpu.vector_load %arg13[%get3A_1153, %get3A_1154] {strides = array<i32>} : memref<80x128xf32, #tpu.memory_space<vmem>>, vector<16xf32>,
          %mul3A_1156 = vector.broadcast %squeeze3A_1140 : f32 to vector<16xf32>
          %mul3A_1157 = arith.mulf %get3A_1155, %mul3A_1156 : vector<16xf32>
          %swap3A_1158 = arith.index_cast %add3A_1144 : i32 to index
          %swap3A_1159 = arith.constant 16 : index
          %swap3A_1160 = tpu.vector_load %arg13[%swap3A_1158, %swap3A_1159] {strides = array<i32>} : memref<80x128xf32, #tpu.memory_space<vmem>>, vector<16xf32>,
          tpu.vector_store %arg13[%swap3A_1158, %swap3A_1159], %mul3A_1157 {strides = array<i32>} : memref<80x128xf32, #tpu.memory_space<vmem>>, vector<16xf32>,
          %get3A_1161 = arith.index_cast %add3A_1144 : i32 to index
          %get3A_1162 = arith.constant 32 : index
          %get3A_1163 = tpu.vector_load %arg13[%get3A_1161, %get3A_1162] {strides = array<i32>} : memref<80x128xf32, #tpu.memory_space<vmem>>, vector<16xf32>,
          %mul3A_1164 = vector.broadcast %squeeze3A_1140 : f32 to vector<16xf32>
          %mul3A_1165 = arith.mulf %get3A_1163, %mul3A_1164 : vector<16xf32>
          %swap3A_1166 = arith.index_cast %add3A_1144 : i32 to index
          %swap3A_1167 = arith.constant 32 : index
          %swap3A_1168 = tpu.vector_load %arg13[%swap3A_1166, %swap3A_1167] {strides = array<i32>} : memref<80x128xf32, #tpu.memory_space<vmem>>, vector<16xf32>,
          tpu.vector_store %arg13[%swap3A_1166, %swap3A_1167], %mul3A_1165 {strides = array<i32>} : memref<80x128xf32, #tpu.memory_space<vmem>>, vector<16xf32>,
          %get3A_1169 = arith.index_cast %add3A_1144 : i32 to index
          %get3A_1170 = arith.constant 48 : index
          %get3A_1171 = tpu.vector_load %arg13[%get3A_1169, %get3A_1170] {strides = array<i32>} : memref<80x128xf32, #tpu.memory_space<vmem>>, vector<16xf32>,
          %mul3A_1172 = vector.broadcast %squeeze3A_1140 : f32 to vector<16xf32>
          %mul3A_1173 = arith.mulf %get3A_1171, %mul3A_1172 : vector<16xf32>
          %swap3A_1174 = arith.index_cast %add3A_1144 : i32 to index
          %swap3A_1175 = arith.constant 48 : index
          %swap3A_1176 = tpu.vector_load %arg13[%swap3A_1174, %swap3A_1175] {strides = array<i32>} : memref<80x128xf32, #tpu.memory_space<vmem>>, vector<16xf32>,
          tpu.vector_store %arg13[%swap3A_1174, %swap3A_1175], %mul3A_1173 {strides = array<i32>} : memref<80x128xf32, #tpu.memory_space<vmem>>, vector<16xf32>,
          %get3A_1177 = arith.index_cast %add3A_1144 : i32 to index
          %get3A_1178 = arith.constant 64 : index
          %get3A_1179 = tpu.vector_load %arg13[%get3A_1177, %get3A_1178] {strides = array<i32>} : memref<80x128xf32, #tpu.memory_space<vmem>>, vector<16xf32>,
          %mul3A_1180 = vector.broadcast %squeeze3A_1140 : f32 to vector<16xf32>
          %mul3A_1181 = arith.mulf %get3A_1179, %mul3A_1180 : vector<16xf32>
          %swap3A_1182 = arith.index_cast %add3A_1144 : i32 to index
          %swap3A_1183 = arith.constant 64 : index
          %swap3A_1184 = tpu.vector_load %arg13[%swap3A_1182, %swap3A_1183] {strides = array<i32>} : memref<80x128xf32, #tpu.memory_space<vmem>>, vector<16xf32>,
          tpu.vector_store %arg13[%swap3A_1182, %swap3A_1183], %mul3A_1181 {strides = array<i32>} : memref<80x128xf32, #tpu.memory_space<vmem>>, vector<16xf32>,
          %get3A_1185 = arith.index_cast %add3A_1144 : i32 to index
          %get3A_1186 = arith.constant 80 : index
          %get3A_1187 = tpu.vector_load %arg13[%get3A_1185, %get3A_1186] {strides = array<i32>} : memref<80x128xf32, #tpu.memory_space<vmem>>, vector<16xf32>,
          %mul3A_1188 = vector.broadcast %squeeze3A_1140 : f32 to vector<16xf32>
          %mul3A_1189 = arith.mulf %get3A_1187, %mul3A_1188 : vector<16xf32>
          %swap3A_1190 = arith.index_cast %add3A_1144 : i32 to index
          %swap3A_1191 = arith.constant 80 : index
          %swap3A_1192 = tpu.vector_load %arg13[%swap3A_1190, %swap3A_1191] {strides = array<i32>} : memref<80x128xf32, #tpu.memory_space<vmem>>, vector<16xf32>,
          tpu.vector_store %arg13[%swap3A_1190, %swap3A_1191], %mul3A_1189 {strides = array<i32>} : memref<80x128xf32, #tpu.memory_space<vmem>>, vector<16xf32>,
          %get3A_1193 = arith.index_cast %add3A_1144 : i32 to index
          %get3A_1194 = arith.constant 96 : index
          %get3A_1195 = tpu.vector_load %arg13[%get3A_1193, %get3A_1194] {strides = array<i32>} : memref<80x128xf32, #tpu.memory_space<vmem>>, vector<16xf32>,
          %mul3A_1196 = vector.broadcast %squeeze3A_1140 : f32 to vector<16xf32>
          %mul3A_1197 = arith.mulf %get3A_1195, %mul3A_1196 : vector<16xf32>
          %swap3A_1198 = arith.index_cast %add3A_1144 : i32 to index
          %swap3A_1199 = arith.constant 96 : index
          %swap3A_1200 = tpu.vector_load %arg13[%swap3A_1198, %swap3A_1199] {strides = array<i32>} : memref<80x128xf32, #tpu.memory_space<vmem>>, vector<16xf32>,
          tpu.vector_store %arg13[%swap3A_1198, %swap3A_1199], %mul3A_1197 {strides = array<i32>} : memref<80x128xf32, #tpu.memory_space<vmem>>, vector<16xf32>,
          %get3A_1201 = arith.index_cast %add3A_1144 : i32 to index
          %get3A_1202 = arith.constant 112 : index
          %get3A_1203 = tpu.vector_load %arg13[%get3A_1201, %get3A_1202] {strides = array<i32>} : memref<80x128xf32, #tpu.memory_space<vmem>>, vector<16xf32>,
          %mul3A_1204 = vector.broadcast %squeeze3A_1140 : f32 to vector<16xf32>
          %mul3A_1205 = arith.mulf %get3A_1203, %mul3A_1204 : vector<16xf32>
          %swap3A_1206 = arith.index_cast %add3A_1144 : i32 to index
          %swap3A_1207 = arith.constant 112 : index
          %swap3A_1208 = tpu.vector_load %arg13[%swap3A_1206, %swap3A_1207] {strides = array<i32>} : memref<80x128xf32, #tpu.memory_space<vmem>>, vector<16xf32>,
          tpu.vector_store %arg13[%swap3A_1206, %swap3A_1207], %mul3A_1205 {strides = array<i32>} : memref<80x128xf32, #tpu.memory_space<vmem>>, vector<16xf32>,
        }
        %scan3A_85 = arith.constant 5 : i32
        "tpu.region"() ({
          %run_scoped3A = tpu.sem_alloc : memref<!tpu.dma_semaphore, #tpu.memory_space<semaphore_mem>>
          %dma_start3A_86 = arith.constant 0 : i32
          %dma_start3A_87 = tpu.memref_slice %arg10[%scan3A_22, %dma_start3A_86] : memref<25x80xi32, #tpu.memory_space<vmem>> -> memref<1x80xi32, #tpu.memory_space<vmem>>
          %dma_start3A_88 = tpu.memref_squeeze %dma_start3A_87 : memref<1x80xi32, #tpu.memory_space<vmem>> -> memref<80xi32, #tpu.memory_space<vmem>>
          %dma_start3A_89 = arith.constant 0 : i32
          %dma_start3A_90 = arith.constant 0 : i32
          %dma_start3A_91 = tpu.memref_slice %arg15[%dma_start3A_89, %dma_start3A_90] : memref<10240x128xf32, #tpu.memory_space<vmem_shared>> -> memref<10240x128xf32, #tpu.memory_space<vmem_shared>>
          tpu.enqueue_indirect_dma source(%arg13 : memref<80x128xf32, #tpu.memory_space<vmem>>) target(%dma_start3A_91 : memref<10240x128xf32, #tpu.memory_space<vmem_shared>>) offsets(%dma_start3A_88 : memref<80xi32, #tpu.memory_space<vmem>>) semaphore(%run_scoped3A : memref<!tpu.dma_semaphore, #tpu.memory_space<semaphore_mem>>) {add = true}
          %dma_wait3A_92 = arith.constant 0 : i32
          %dma_wait3A_93 = tpu.memref_slice %arg10[%scan3A_22, %dma_wait3A_92] : memref<25x80xi32, #tpu.memory_space<vmem>> -> memref<1x80xi32, #tpu.memory_space<vmem>>
          %dma_wait3A_94 = tpu.memref_squeeze %dma_wait3A_93 : memref<1x80xi32, #tpu.memory_space<vmem>> -> memref<80xi32, #tpu.memory_space<vmem>>
          %dma_wait3A_95 = arith.constant 0 : i32
          %dma_wait3A_96 = arith.constant 0 : i32
          %dma_wait3A_97 = tpu.memref_slice %arg15[%dma_wait3A_95, %dma_wait3A_96] : memref<10240x128xf32, #tpu.memory_space<vmem_shared>> -> memref<10240x128xf32, #tpu.memory_space<vmem_shared>>
          tpu.wait_indirect_dma semaphore(%run_scoped3A : memref<!tpu.dma_semaphore, #tpu.memory_space<semaphore_mem>>) src(%arg13 : memref<80x128xf32, #tpu.memory_space<vmem>>) dst(%dma_wait3A_97 : memref<10240x128xf32, #tpu.memory_space<vmem_shared>>)
          tpu.yield
        }) : () -> ()
      }
      %scan3A_21 = arith.constant 25 : i32
    }
    %scan3A_9 = arith.constant 5 : i32
    %barrier3A_10 = arith.constant 0 : index
    tpu.barrier barrier_id(%barrier3A_10)
    %mul3A_11 = arith.constant 640 : i32
    %mul3A_12 = arith.muli %arg1, %mul3A_11 : i32
    %mul3A_13 = arith.constant 640 : i32
    %mul3A_14 = arith.muli %arg1, %mul3A_13 : i32
    "tpu.region"() ({
      %run_scoped3A = tpu.sem_alloc : memref<!tpu.dma_semaphore, #tpu.memory_space<semaphore_mem>>
      %dma_start3A = arith.constant 0 : i32
      %dma_start3A_15 = arith.constant 0 : i32
      %dma_start3A_16 = tpu.memref_slice %arg8[%arg0, %dma_start3A, %dma_start3A_15] : memref<2x10240x128xf32, #tpu.memory_space<hbm>> -> memref<1x10240x128xf32, #tpu.memory_space<hbm>>
      %dma_start3A_17 = tpu.memref_squeeze %dma_start3A_16 : memref<1x10240x128xf32, #tpu.memory_space<hbm>> -> memref<10240x128xf32, #tpu.memory_space<hbm>>
      %dma_start3A_18 = arith.constant 0 : i32
      %dma_start3A_19 = tpu.memref_slice %dma_start3A_17[%mul3A_14, %dma_start3A_18] : memref<10240x128xf32, #tpu.memory_space<hbm>> -> memref<640x128xf32, #tpu.memory_space<hbm>>
      %dma_start3A_20 = arith.constant 0 : i32
      %dma_start3A_21 = tpu.memref_slice %arg15[%mul3A_12, %dma_start3A_20] : memref<10240x128xf32, #tpu.memory_space<vmem_shared>> -> memref<640x128xf32, #tpu.memory_space<vmem_shared>>
      tpu.enqueue_dma source(%dma_start3A_21 : memref<640x128xf32, #tpu.memory_space<vmem_shared>>) target(%dma_start3A_19 : memref<640x128xf32, #tpu.memory_space<hbm>>) target_semaphore(%run_scoped3A : memref<!tpu.dma_semaphore, #tpu.memory_space<semaphore_mem>>)
      %dma_wait3A = arith.constant 0 : i32
      %dma_wait3A_22 = arith.constant 0 : i32
      %dma_wait3A_23 = tpu.memref_slice %arg8[%arg0, %dma_wait3A, %dma_wait3A_22] : memref<2x10240x128xf32, #tpu.memory_space<hbm>> -> memref<1x10240x128xf32, #tpu.memory_space<hbm>>
      %dma_wait3A_24 = tpu.memref_squeeze %dma_wait3A_23 : memref<1x10240x128xf32, #tpu.memory_space<hbm>> -> memref<10240x128xf32, #tpu.memory_space<hbm>>
      %dma_wait3A_25 = arith.constant 0 : i32
      %dma_wait3A_26 = tpu.memref_slice %dma_wait3A_24[%mul3A_14, %dma_wait3A_25] : memref<10240x128xf32, #tpu.memory_space<hbm>> -> memref<640x128xf32, #tpu.memory_space<hbm>>
      %dma_wait3A_27 = arith.constant 0 : i32
      %dma_wait3A_28 = tpu.memref_slice %arg15[%mul3A_12, %dma_wait3A_27] : memref<10240x128xf32, #tpu.memory_space<vmem_shared>> -> memref<640x128xf32, #tpu.memory_space<vmem_shared>>
      tpu.wait_dma2 semaphore(%run_scoped3A : memref<!tpu.dma_semaphore, #tpu.memory_space<semaphore_mem>>) src(%dma_wait3A_28 : memref<640x128xf32, #tpu.memory_space<vmem_shared>>) dst(%dma_wait3A_26 : memref<640x128xf32, #tpu.memory_space<hbm>>)
      tpu.yield
    }) : () -> ()
    return
  }
}

#map = affine_map<(d0, d1) -> (0, 0, 0)>
#map1 = affine_map<(d0, d1) -> (0)>
#map2 = affine_map<(d0, d1) -> (0, 0)>
module attributes {stable_mosaic.version = 14 : i64} {
  func.func @_deg_body(%arg0: i32, %arg1: i32, %arg2: memref<32x125x80xi32, #tpu.memory_space<hbm>>, %arg3: memref<32x125x80xf32, #tpu.memory_space<hbm>>, %arg4: memref<10000xf32, #tpu.memory_space<hbm>>, %arg5: memref<2x10000xf32, #tpu.memory_space<hbm>>, %arg6: memref<125x80xi32, #tpu.memory_space<vmem>>, %arg7: memref<125x80xf32, #tpu.memory_space<vmem>>, %arg8: memref<10000xf32, #tpu.memory_space<vmem_shared>>) attributes {dimension_semantics = [#tpu.dimension_semantics<core_parallel>, #tpu.dimension_semantics<subcore_parallel>], iteration_bounds = array<i64: 2, 16>, scalar_prefetch = 0 : i64, scratch_operands = 3 : i64, tpu.core_type = #tpu.core_type<sc_vector_subcore>, window_params = [{transform_indices = #map}, {transform_indices = #map}, {transform_indices = #map1}, {transform_indices = #map2}]} {
    %mul3A = arith.constant 16 : i32
    %mul3A_0 = arith.muli %arg0, %mul3A : i32
    %add3A = arith.addi %mul3A_0, %arg1 : i32
    %eq3A = arith.constant 0 : i32
    %eq3A_1 = arith.cmpi eq, %arg1, %eq3A : i32
    %convert_element_type3A = arith.extui %eq3A_1 : i1 to i32
    %cond3A = arith.constant 0 : i32
    %cond3A_2 = arith.cmpi ne, %convert_element_type3A, %cond3A : i32
    scf.if %cond3A_2 {
      "tpu.region"() ({
        %run_scoped3A = tpu.sem_alloc : memref<!tpu.dma_semaphore, #tpu.memory_space<semaphore_mem>>
        tpu.enqueue_dma source(%arg4 : memref<10000xf32, #tpu.memory_space<hbm>>) target(%arg8 : memref<10000xf32, #tpu.memory_space<vmem_shared>>) target_semaphore(%run_scoped3A : memref<!tpu.dma_semaphore, #tpu.memory_space<semaphore_mem>>)
        tpu.wait_dma2 semaphore(%run_scoped3A : memref<!tpu.dma_semaphore, #tpu.memory_space<semaphore_mem>>) src(%arg4 : memref<10000xf32, #tpu.memory_space<hbm>>) dst(%arg8 : memref<10000xf32, #tpu.memory_space<vmem_shared>>)
        tpu.yield
      }) : () -> ()
    } else {
    }
    %barrier3A = arith.constant 0 : index
    tpu.barrier barrier_id(%barrier3A)
    "tpu.region"() ({
      %run_scoped3A = tpu.sem_alloc : memref<!tpu.dma_semaphore, #tpu.memory_space<semaphore_mem>>
      %dma_start3A = arith.constant 0 : i32
      %dma_start3A_14 = arith.constant 0 : i32
      %dma_start3A_15 = tpu.memref_slice %arg2[%add3A, %dma_start3A, %dma_start3A_14] : memref<32x125x80xi32, #tpu.memory_space<hbm>> -> memref<1x125x80xi32, #tpu.memory_space<hbm>>
      %dma_start3A_16 = tpu.memref_squeeze %dma_start3A_15 : memref<1x125x80xi32, #tpu.memory_space<hbm>> -> memref<125x80xi32, #tpu.memory_space<hbm>>
      %dma_start3A_17 = arith.constant 0 : i32
      %dma_start3A_18 = arith.constant 0 : i32
      %dma_start3A_19 = tpu.memref_slice %arg2[%add3A, %dma_start3A_17, %dma_start3A_18] : memref<32x125x80xi32, #tpu.memory_space<hbm>> -> memref<1x125x80xi32, #tpu.memory_space<hbm>>
      %dma_start3A_20 = tpu.memref_squeeze %dma_start3A_19 : memref<1x125x80xi32, #tpu.memory_space<hbm>> -> memref<125x80xi32, #tpu.memory_space<hbm>>
      tpu.enqueue_dma source(%dma_start3A_20 : memref<125x80xi32, #tpu.memory_space<hbm>>) target(%arg6 : memref<125x80xi32, #tpu.memory_space<vmem>>) target_semaphore(%run_scoped3A : memref<!tpu.dma_semaphore, #tpu.memory_space<semaphore_mem>>)
      %dma_wait3A = arith.constant 0 : i32
      %dma_wait3A_21 = arith.constant 0 : i32
      %dma_wait3A_22 = tpu.memref_slice %arg2[%add3A, %dma_wait3A, %dma_wait3A_21] : memref<32x125x80xi32, #tpu.memory_space<hbm>> -> memref<1x125x80xi32, #tpu.memory_space<hbm>>
      %dma_wait3A_23 = tpu.memref_squeeze %dma_wait3A_22 : memref<1x125x80xi32, #tpu.memory_space<hbm>> -> memref<125x80xi32, #tpu.memory_space<hbm>>
      %dma_wait3A_24 = arith.constant 0 : i32
      %dma_wait3A_25 = arith.constant 0 : i32
      %dma_wait3A_26 = tpu.memref_slice %arg2[%add3A, %dma_wait3A_24, %dma_wait3A_25] : memref<32x125x80xi32, #tpu.memory_space<hbm>> -> memref<1x125x80xi32, #tpu.memory_space<hbm>>
      %dma_wait3A_27 = tpu.memref_squeeze %dma_wait3A_26 : memref<1x125x80xi32, #tpu.memory_space<hbm>> -> memref<125x80xi32, #tpu.memory_space<hbm>>
      tpu.wait_dma2 semaphore(%run_scoped3A : memref<!tpu.dma_semaphore, #tpu.memory_space<semaphore_mem>>) src(%dma_wait3A_27 : memref<125x80xi32, #tpu.memory_space<hbm>>) dst(%arg6 : memref<125x80xi32, #tpu.memory_space<vmem>>)
      tpu.yield
    }) : () -> ()
    "tpu.region"() ({
      %run_scoped3A = tpu.sem_alloc : memref<!tpu.dma_semaphore, #tpu.memory_space<semaphore_mem>>
      %dma_start3A = arith.constant 0 : i32
      %dma_start3A_14 = arith.constant 0 : i32
      %dma_start3A_15 = tpu.memref_slice %arg3[%add3A, %dma_start3A, %dma_start3A_14] : memref<32x125x80xf32, #tpu.memory_space<hbm>> -> memref<1x125x80xf32, #tpu.memory_space<hbm>>
      %dma_start3A_16 = tpu.memref_squeeze %dma_start3A_15 : memref<1x125x80xf32, #tpu.memory_space<hbm>> -> memref<125x80xf32, #tpu.memory_space<hbm>>
      %dma_start3A_17 = arith.constant 0 : i32
      %dma_start3A_18 = arith.constant 0 : i32
      %dma_start3A_19 = tpu.memref_slice %arg3[%add3A, %dma_start3A_17, %dma_start3A_18] : memref<32x125x80xf32, #tpu.memory_space<hbm>> -> memref<1x125x80xf32, #tpu.memory_space<hbm>>
      %dma_start3A_20 = tpu.memref_squeeze %dma_start3A_19 : memref<1x125x80xf32, #tpu.memory_space<hbm>> -> memref<125x80xf32, #tpu.memory_space<hbm>>
      tpu.enqueue_dma source(%dma_start3A_20 : memref<125x80xf32, #tpu.memory_space<hbm>>) target(%arg7 : memref<125x80xf32, #tpu.memory_space<vmem>>) target_semaphore(%run_scoped3A : memref<!tpu.dma_semaphore, #tpu.memory_space<semaphore_mem>>)
      %dma_wait3A = arith.constant 0 : i32
      %dma_wait3A_21 = arith.constant 0 : i32
      %dma_wait3A_22 = tpu.memref_slice %arg3[%add3A, %dma_wait3A, %dma_wait3A_21] : memref<32x125x80xf32, #tpu.memory_space<hbm>> -> memref<1x125x80xf32, #tpu.memory_space<hbm>>
      %dma_wait3A_23 = tpu.memref_squeeze %dma_wait3A_22 : memref<1x125x80xf32, #tpu.memory_space<hbm>> -> memref<125x80xf32, #tpu.memory_space<hbm>>
      %dma_wait3A_24 = arith.constant 0 : i32
      %dma_wait3A_25 = arith.constant 0 : i32
      %dma_wait3A_26 = tpu.memref_slice %arg3[%add3A, %dma_wait3A_24, %dma_wait3A_25] : memref<32x125x80xf32, #tpu.memory_space<hbm>> -> memref<1x125x80xf32, #tpu.memory_space<hbm>>
      %dma_wait3A_27 = tpu.memref_squeeze %dma_wait3A_26 : memref<1x125x80xf32, #tpu.memory_space<hbm>> -> memref<125x80xf32, #tpu.memory_space<hbm>>
      tpu.wait_dma2 semaphore(%run_scoped3A : memref<!tpu.dma_semaphore, #tpu.memory_space<semaphore_mem>>) src(%dma_wait3A_27 : memref<125x80xf32, #tpu.memory_space<hbm>>) dst(%arg7 : memref<125x80xf32, #tpu.memory_space<vmem>>)
      tpu.yield
    }) : () -> ()
    %scan3A = arith.constant 0 : i32
    %scan3A_3 = arith.constant 0 : i32
    %scan3A_4 = arith.constant 125 : i32
    %scan3A_5 = arith.addi %scan3A_3, %scan3A_4 : i32
    %scan3A_6 = arith.constant 1 : i32
    scf.for %scan3A_14 = %scan3A_3 to %scan3A_5 step %scan3A_6  : i32 {
      "tpu.region"() ({
        %run_scoped3A = tpu.sem_alloc : memref<!tpu.dma_semaphore, #tpu.memory_space<semaphore_mem>>
        %dma_start3A = arith.constant 0 : i32
        %dma_start3A_15 = tpu.memref_slice %arg7[%scan3A_14, %dma_start3A] : memref<125x80xf32, #tpu.memory_space<vmem>> -> memref<1x80xf32, #tpu.memory_space<vmem>>
        %dma_start3A_16 = tpu.memref_squeeze %dma_start3A_15 : memref<1x80xf32, #tpu.memory_space<vmem>> -> memref<80xf32, #tpu.memory_space<vmem>>
        %dma_start3A_17 = arith.constant 0 : i32
        %dma_start3A_18 = tpu.memref_slice %arg6[%scan3A_14, %dma_start3A_17] : memref<125x80xi32, #tpu.memory_space<vmem>> -> memref<1x80xi32, #tpu.memory_space<vmem>>
        %dma_start3A_19 = tpu.memref_squeeze %dma_start3A_18 : memref<1x80xi32, #tpu.memory_space<vmem>> -> memref<80xi32, #tpu.memory_space<vmem>>
        %dma_start3A_20 = arith.constant 0 : i32
        %dma_start3A_21 = tpu.memref_slice %arg8[%dma_start3A_20] : memref<10000xf32, #tpu.memory_space<vmem_shared>> -> memref<10000xf32, #tpu.memory_space<vmem_shared>>
        tpu.enqueue_indirect_dma source(%dma_start3A_16 : memref<80xf32, #tpu.memory_space<vmem>>) target(%dma_start3A_21 : memref<10000xf32, #tpu.memory_space<vmem_shared>>) offsets(%dma_start3A_19 : memref<80xi32, #tpu.memory_space<vmem>>) semaphore(%run_scoped3A : memref<!tpu.dma_semaphore, #tpu.memory_space<semaphore_mem>>) {add = true}
        %dma_wait3A = arith.constant 0 : i32
        %dma_wait3A_22 = tpu.memref_slice %arg7[%scan3A_14, %dma_wait3A] : memref<125x80xf32, #tpu.memory_space<vmem>> -> memref<1x80xf32, #tpu.memory_space<vmem>>
        %dma_wait3A_23 = tpu.memref_squeeze %dma_wait3A_22 : memref<1x80xf32, #tpu.memory_space<vmem>> -> memref<80xf32, #tpu.memory_space<vmem>>
        %dma_wait3A_24 = arith.constant 0 : i32
        %dma_wait3A_25 = tpu.memref_slice %arg6[%scan3A_14, %dma_wait3A_24] : memref<125x80xi32, #tpu.memory_space<vmem>> -> memref<1x80xi32, #tpu.memory_space<vmem>>
        %dma_wait3A_26 = tpu.memref_squeeze %dma_wait3A_25 : memref<1x80xi32, #tpu.memory_space<vmem>> -> memref<80xi32, #tpu.memory_space<vmem>>
        %dma_wait3A_27 = arith.constant 0 : i32
        %dma_wait3A_28 = tpu.memref_slice %arg8[%dma_wait3A_27] : memref<10000xf32, #tpu.memory_space<vmem_shared>> -> memref<10000xf32, #tpu.memory_space<vmem_shared>>
        tpu.wait_indirect_dma semaphore(%run_scoped3A : memref<!tpu.dma_semaphore, #tpu.memory_space<semaphore_mem>>) src(%dma_wait3A_23 : memref<80xf32, #tpu.memory_space<vmem>>) dst(%dma_wait3A_28 : memref<10000xf32, #tpu.memory_space<vmem_shared>>)
        tpu.yield
      }) : () -> ()
    }
    %scan3A_7 = arith.constant 125 : i32
    %barrier3A_8 = arith.constant 0 : index
    tpu.barrier barrier_id(%barrier3A_8)
    %eq3A_9 = arith.constant 0 : i32
    %eq3A_10 = arith.cmpi eq, %arg1, %eq3A_9 : i32
    %convert_element_type3A_11 = arith.extui %eq3A_10 : i1 to i32
    %cond3A_12 = arith.constant 0 : i32
    %cond3A_13 = arith.cmpi ne, %convert_element_type3A_11, %cond3A_12 : i32
    scf.if %cond3A_13 {
      "tpu.region"() ({
        %run_scoped3A = tpu.sem_alloc : memref<!tpu.dma_semaphore, #tpu.memory_space<semaphore_mem>>
        %dma_start3A = arith.constant 0 : i32
        %dma_start3A_14 = tpu.memref_slice %arg5[%arg0, %dma_start3A] : memref<2x10000xf32, #tpu.memory_space<hbm>> -> memref<1x10000xf32, #tpu.memory_space<hbm>>
        %dma_start3A_15 = tpu.memref_squeeze %dma_start3A_14 : memref<1x10000xf32, #tpu.memory_space<hbm>> -> memref<10000xf32, #tpu.memory_space<hbm>>
        tpu.enqueue_dma source(%arg8 : memref<10000xf32, #tpu.memory_space<vmem_shared>>) target(%dma_start3A_15 : memref<10000xf32, #tpu.memory_space<hbm>>) target_semaphore(%run_scoped3A : memref<!tpu.dma_semaphore, #tpu.memory_space<semaphore_mem>>)
        %dma_wait3A = arith.constant 0 : i32
        %dma_wait3A_16 = tpu.memref_slice %arg5[%arg0, %dma_wait3A] : memref<2x10000xf32, #tpu.memory_space<hbm>> -> memref<1x10000xf32, #tpu.memory_space<hbm>>
        %dma_wait3A_17 = tpu.memref_squeeze %dma_wait3A_16 : memref<1x10000xf32, #tpu.memory_space<hbm>> -> memref<10000xf32, #tpu.memory_space<hbm>>
        tpu.wait_dma2 semaphore(%run_scoped3A : memref<!tpu.dma_semaphore, #tpu.memory_space<semaphore_mem>>) src(%arg8 : memref<10000xf32, #tpu.memory_space<vmem_shared>>) dst(%dma_wait3A_17 : memref<10000xf32, #tpu.memory_space<hbm>>)
        tpu.yield
      }) : () -> ()
    } else {
    }
    return
  }
}

module attributes {stable_mosaic.version = 14 : i64} {
  func.func @_prep_body(%arg0: memref<10000x128xf32, #tpu.memory_space<vmem>>, %arg1: memref<128x128xf32, #tpu.memory_space<vmem>>, %arg2: memref<10000x2xf32, #tpu.memory_space<vmem>>, %arg3: memref<10000x128xf32, #tpu.memory_space<vmem>>, %arg4: memref<10000x128xf32, #tpu.memory_space<vmem>>, %arg5: memref<10000x1xf32, #tpu.memory_space<vmem>>) attributes {dimension_semantics = [], scalar_prefetch = 0 : i64, scratch_operands = 0 : i64, tpu.core_type = #tpu.core_type<tc>} {
    %get3A = arith.constant 0 : index
    %get3A_0 = arith.constant 0 : index
    %get3A_1 = vector.load %arg2[%get3A, %get3A_0] : memref<10000x2xf32, #tpu.memory_space<vmem>>, vector<10000x1xf32>
    %get3A_2 = arith.constant 0 : index
    %get3A_3 = arith.constant 1 : index
    %get3A_4 = vector.load %arg2[%get3A_2, %get3A_3] : memref<10000x2xf32, #tpu.memory_space<vmem>>, vector<10000x1xf32>
    %add3A = arith.addf %get3A_1, %get3A_4 : vector<10000x1xf32>
    %add3A_5 = arith.constant 1.000000e+00 : f32
    %add3A_6 = vector.broadcast %add3A_5 : f32 to vector<10000x1xf32>
    %add3A_7 = arith.addf %add3A, %add3A_6 : vector<10000x1xf32>
    %gt3A = arith.constant 0.000000e+00 : f32
    %gt3A_8 = vector.broadcast %gt3A : f32 to vector<10000x1xf32>
    %gt3A_9 = arith.cmpf ogt, %add3A_7, %gt3A_8 : vector<10000x1xf32>
    %jit3A = arith.constant 1.000000e+00 : f32
    %broadcast_in_dim3A = vector.broadcast %jit3A : f32 to vector<10000x1xf32>
    %select_n3A = arith.select %gt3A_9, %add3A_7, %broadcast_in_dim3A : vector<10000x1xi1>, vector<10000x1xf32>
    %gt3A_10 = arith.constant 0.000000e+00 : f32
    %gt3A_11 = vector.broadcast %gt3A_10 : f32 to vector<10000x1xf32>
    %gt3A_12 = arith.cmpf ogt, %add3A_7, %gt3A_11 : vector<10000x1xf32>
    %rsqrt3A = math.rsqrt %select_n3A : vector<10000x1xf32>
    %jit3A_13 = arith.constant 0.000000e+00 : f32
    %broadcast_in_dim3A_14 = vector.broadcast %jit3A_13 : f32 to vector<10000x1xf32>
    %select_n3A_15 = arith.select %gt3A_12, %rsqrt3A, %broadcast_in_dim3A_14 : vector<10000x1xi1>, vector<10000x1xf32>
    %get3A_16 = arith.constant 0 : index
    %get3A_17 = arith.constant 0 : index
    %get3A_18 = vector.load %arg0[%get3A_16, %get3A_17] : memref<10000x128xf32, #tpu.memory_space<vmem>>, vector<10000x128xf32>
    %get3A_19 = arith.constant 0 : index
    %get3A_20 = arith.constant 0 : index
    %get3A_21 = vector.load %arg1[%get3A_19, %get3A_20] : memref<128x128xf32, #tpu.memory_space<vmem>>, vector<128x128xf32>
    %dot_general3A = arith.constant dense<0.000000e+00> : vector<10000x128xf32>
    %dot_general3A_22 = tpu.matmul %get3A_18, %get3A_21, %dot_general3A {dimension_numbers = #tpu.dot_dimension_numbers<[1], [0], [0], [1], [0, 0, 1, 1], [], []>, transpose_lhs_hint = false} : vector<10000x128xf32>, vector<128x128xf32>, vector<10000x128xf32> -> vector<10000x128xf32>
    %mul3A = vector.broadcast %select_n3A_15 : vector<10000x1xf32> to vector<10000x128xf32>
    %mul3A_23 = arith.mulf %dot_general3A_22, %mul3A : vector<10000x128xf32>
    %swap3A = arith.constant 0 : index
    %swap3A_24 = arith.constant 0 : index
    %swap3A_25 = vector.load %arg3[%swap3A, %swap3A_24] : memref<10000x128xf32, #tpu.memory_space<vmem>>, vector<10000x128xf32>
    tpu.vector_store %arg3[%swap3A, %swap3A_24], %mul3A_23 {strides = array<i32>} : memref<10000x128xf32, #tpu.memory_space<vmem>>, vector<10000x128xf32>,
    %mul3A_26 = vector.broadcast %select_n3A_15 : vector<10000x1xf32> to vector<10000x128xf32>
    %mul3A_27 = arith.mulf %mul3A_23, %mul3A_26 : vector<10000x128xf32>
    %swap3A_28 = arith.constant 0 : index
    %swap3A_29 = arith.constant 0 : index
    %swap3A_30 = vector.load %arg4[%swap3A_28, %swap3A_29] : memref<10000x128xf32, #tpu.memory_space<vmem>>, vector<10000x128xf32>
    tpu.vector_store %arg4[%swap3A_28, %swap3A_29], %mul3A_27 {strides = array<i32>} : memref<10000x128xf32, #tpu.memory_space<vmem>>, vector<10000x128xf32>,
    %swap3A_31 = arith.constant 0 : index
    %swap3A_32 = arith.constant 0 : index
    %swap3A_33 = vector.load %arg5[%swap3A_31, %swap3A_32] : memref<10000x1xf32, #tpu.memory_space<vmem>>, vector<10000x1xf32>
    tpu.vector_store %arg5[%swap3A_31, %swap3A_32], %select_n3A_15 {strides = array<i32>} : memref<10000x1xf32, #tpu.memory_space<vmem>>, vector<10000x1xf32>,
    return
  }
}

module attributes {stable_mosaic.version = 14 : i64} {
  func.func @_final_body(%arg0: memref<2x10000x128xf32, #tpu.memory_space<vmem>>, %arg1: memref<10000x128xf32, #tpu.memory_space<vmem>>, %arg2: memref<1x128xf32, #tpu.memory_space<vmem>>, %arg3: memref<1x128xf32, #tpu.memory_space<vmem>>, %arg4: memref<1x128xf32, #tpu.memory_space<vmem>>, %arg5: memref<1x128xf32, #tpu.memory_space<vmem>>, %arg6: memref<1x10000xi32, #tpu.memory_space<vmem>>, %arg7: memref<10000x1xi32, #tpu.memory_space<vmem>>, %arg8: memref<10000x128xf32, #tpu.memory_space<vmem>>, %arg9: memref<16x128xf32, #tpu.memory_space<vmem>>) attributes {dimension_semantics = [], scalar_prefetch = 0 : i64, scratch_operands = 0 : i64, tpu.core_type = #tpu.core_type<tc>} {
    %get3A = arith.constant 0 : index
    %get3A_0 = arith.constant 0 : index
    %get3A_1 = arith.constant 0 : index
    %get3A_2 = vector.load %arg0[%get3A, %get3A_0, %get3A_1] : memref<2x10000x128xf32, #tpu.memory_space<vmem>>, vector<1x10000x128xf32>
    %get3A_3 = vector.shape_cast %get3A_2 : vector<1x10000x128xf32> to vector<10000x128xf32>
    %get3A_4 = arith.constant 1 : index
    %get3A_5 = arith.constant 0 : index
    %get3A_6 = arith.constant 0 : index
    %get3A_7 = vector.load %arg0[%get3A_4, %get3A_5, %get3A_6] : memref<2x10000x128xf32, #tpu.memory_space<vmem>>, vector<1x10000x128xf32>
    %get3A_8 = vector.shape_cast %get3A_7 : vector<1x10000x128xf32> to vector<10000x128xf32>
    %add3A = arith.addf %get3A_3, %get3A_8 : vector<10000x128xf32>
    %get3A_9 = arith.constant 0 : index
    %get3A_10 = arith.constant 0 : index
    %get3A_11 = vector.load %arg1[%get3A_9, %get3A_10] : memref<10000x128xf32, #tpu.memory_space<vmem>>, vector<10000x128xf32>
    %add3A_12 = arith.addf %add3A, %get3A_11 : vector<10000x128xf32>
    %get3A_13 = arith.constant 0 : index
    %get3A_14 = arith.constant 0 : index
    %get3A_15 = vector.load %arg2[%get3A_13, %get3A_14] : memref<1x128xf32, #tpu.memory_space<vmem>>, vector<1x128xf32>
    %add3A_16 = vector.broadcast %get3A_15 : vector<1x128xf32> to vector<10000x128xf32>
    %add3A_17 = arith.addf %add3A_12, %add3A_16 : vector<10000x128xf32>
    %get3A_18 = arith.constant 0 : index
    %get3A_19 = arith.constant 0 : index
    %get3A_20 = vector.load %arg5[%get3A_18, %get3A_19] : memref<1x128xf32, #tpu.memory_space<vmem>>, vector<1x128xf32>
    %iota3A = tpu.iota {dimensions = array<i32: 0>} : vector<16x10000xi32>
    %get3A_21 = arith.constant 0 : index
    %get3A_22 = arith.constant 0 : index
    %get3A_23 = vector.load %arg6[%get3A_21, %get3A_22] : memref<1x10000xi32, #tpu.memory_space<vmem>>, vector<1x10000xi32>
    %eq3A = vector.broadcast %get3A_23 : vector<1x10000xi32> to vector<16x10000xi32>
    %eq3A_24 = arith.cmpi eq, %eq3A, %iota3A : vector<16x10000xi32>
    %convert_element_type3A = arith.extui %eq3A_24 : vector<16x10000xi1> to vector<16x10000xi32>
    %convert_element_type3A_25 = arith.sitofp %convert_element_type3A : vector<16x10000xi32> to vector<16x10000xf32>
    %reduce_sum3A = arith.constant dense<0.000000e+00> : vector<16xf32>
    %reduce_sum3A_26 = vector.multi_reduction <add>, %convert_element_type3A_25, %reduce_sum3A [1] : vector<16x10000xf32> to vector<16xf32>
    %broadcast_in_dim3A = vector.shape_cast %reduce_sum3A_26 : vector<16xf32> to vector<16x1xf32>
    %max3A = arith.constant 1.000000e+00 : f32
    %max3A_27 = vector.broadcast %max3A : f32 to vector<16x1xf32>
    %max3A_28 = arith.maximumf %broadcast_in_dim3A, %max3A_27 : vector<16x1xf32>
    %dot_general3A = arith.constant dense<0.000000e+00> : vector<16x128xf32>
    %dot_general3A_29 = tpu.matmul %convert_element_type3A_25, %add3A_17, %dot_general3A {dimension_numbers = #tpu.dot_dimension_numbers<[1], [0], [0], [1], [0, 0, 1, 1], [], []>, transpose_lhs_hint = false} : vector<16x10000xf32>, vector<10000x128xf32>, vector<16x128xf32> -> vector<16x128xf32>
    %mul3A = arith.mulf %add3A_17, %add3A_17 : vector<10000x128xf32>
    %dot_general3A_30 = arith.constant dense<0.000000e+00> : vector<16x128xf32>
    %dot_general3A_31 = tpu.matmul %convert_element_type3A_25, %mul3A, %dot_general3A_30 {dimension_numbers = #tpu.dot_dimension_numbers<[1], [0], [0], [1], [0, 0, 1, 1], [], []>, transpose_lhs_hint = false} : vector<16x10000xf32>, vector<10000x128xf32>, vector<16x128xf32> -> vector<16x128xf32>
    %div3A = vector.broadcast %max3A_28 : vector<16x1xf32> to vector<16x128xf32>
    %div3A_32 = arith.divf %dot_general3A_29, %div3A : vector<16x128xf32>
    %div3A_33 = vector.broadcast %max3A_28 : vector<16x1xf32> to vector<16x128xf32>
    %div3A_34 = arith.divf %dot_general3A_31, %div3A_33 : vector<16x128xf32>
    %mul3A_35 = arith.constant 2.000000e+00 : f32
    %mul3A_36 = vector.broadcast %mul3A_35 : f32 to vector<1x128xf32>
    %mul3A_37 = arith.mulf %mul3A_36, %get3A_20 : vector<1x128xf32>
    %mul3A_38 = arith.mulf %get3A_20, %get3A_20 : vector<1x128xf32>
    %sub3A = arith.subf %mul3A_37, %mul3A_38 : vector<1x128xf32>
    %mul3A_39 = vector.broadcast %sub3A : vector<1x128xf32> to vector<16x128xf32>
    %mul3A_40 = arith.mulf %mul3A_39, %div3A_32 : vector<16x128xf32>
    %mul3A_41 = arith.mulf %mul3A_40, %div3A_32 : vector<16x128xf32>
    %sub3A_42 = arith.subf %div3A_34, %mul3A_41 : vector<16x128xf32>
    %add3A_43 = arith.constant 9.99999974E-6 : f32
    %add3A_44 = vector.broadcast %add3A_43 : f32 to vector<16x128xf32>
    %add3A_45 = arith.addf %sub3A_42, %add3A_44 : vector<16x128xf32>
    %rsqrt3A = math.rsqrt %add3A_45 : vector<16x128xf32>
    %get3A_46 = arith.constant 0 : index
    %get3A_47 = arith.constant 0 : index
    %get3A_48 = vector.load %arg3[%get3A_46, %get3A_47] : memref<1x128xf32, #tpu.memory_space<vmem>>, vector<1x128xf32>
    %mul3A_49 = vector.broadcast %get3A_48 : vector<1x128xf32> to vector<16x128xf32>
    %mul3A_50 = arith.mulf %mul3A_49, %rsqrt3A : vector<16x128xf32>
    %get3A_51 = arith.constant 0 : index
    %get3A_52 = arith.constant 0 : index
    %get3A_53 = vector.load %arg4[%get3A_51, %get3A_52] : memref<1x128xf32, #tpu.memory_space<vmem>>, vector<1x128xf32>
    %mul3A_54 = vector.broadcast %get3A_20 : vector<1x128xf32> to vector<16x128xf32>
    %mul3A_55 = arith.mulf %mul3A_54, %div3A_32 : vector<16x128xf32>
    %mul3A_56 = arith.mulf %mul3A_55, %mul3A_50 : vector<16x128xf32>
    %sub3A_57 = vector.broadcast %get3A_53 : vector<1x128xf32> to vector<16x128xf32>
    %sub3A_58 = arith.subf %sub3A_57, %mul3A_56 : vector<16x128xf32>
    %iota3A_59 = tpu.iota {dimensions = array<i32: 1>} : vector<10000x16xi32>
    %get3A_60 = arith.constant 0 : index
    %get3A_61 = arith.constant 0 : index
    %get3A_62 = vector.load %arg7[%get3A_60, %get3A_61] : memref<10000x1xi32, #tpu.memory_space<vmem>>, vector<10000x1xi32>
    %eq3A_63 = vector.broadcast %get3A_62 : vector<10000x1xi32> to vector<10000x16xi32>
    %eq3A_64 = arith.cmpi eq, %eq3A_63, %iota3A_59 : vector<10000x16xi32>
    %convert_element_type3A_65 = arith.extui %eq3A_64 : vector<10000x16xi1> to vector<10000x16xi32>
    %convert_element_type3A_66 = arith.sitofp %convert_element_type3A_65 : vector<10000x16xi32> to vector<10000x16xf32>
    %dot_general3A_67 = arith.constant dense<0.000000e+00> : vector<10000x128xf32>
    %dot_general3A_68 = tpu.matmul %convert_element_type3A_66, %mul3A_50, %dot_general3A_67 {dimension_numbers = #tpu.dot_dimension_numbers<[1], [0], [0], [1], [0, 0, 1, 1], [], []>, transpose_lhs_hint = false} : vector<10000x16xf32>, vector<16x128xf32>, vector<10000x128xf32> -> vector<10000x128xf32>
    %dot_general3A_69 = arith.constant dense<0.000000e+00> : vector<10000x128xf32>
    %dot_general3A_70 = tpu.matmul %convert_element_type3A_66, %sub3A_58, %dot_general3A_69 {dimension_numbers = #tpu.dot_dimension_numbers<[1], [0], [0], [1], [0, 0, 1, 1], [], []>, transpose_lhs_hint = false} : vector<10000x16xf32>, vector<16x128xf32>, vector<10000x128xf32> -> vector<10000x128xf32>
    %mul3A_71 = arith.mulf %add3A_17, %dot_general3A_68 : vector<10000x128xf32>
    %add3A_72 = arith.addf %mul3A_71, %dot_general3A_70 : vector<10000x128xf32>
    %max3A_73 = arith.constant 0.000000e+00 : f32
    %max3A_74 = vector.broadcast %max3A_73 : f32 to vector<10000x128xf32>
    %max3A_75 = arith.maximumf %add3A_72, %max3A_74 : vector<10000x128xf32>
    %swap3A = arith.constant 0 : index
    %swap3A_76 = arith.constant 0 : index
    %swap3A_77 = vector.load %arg8[%swap3A, %swap3A_76] : memref<10000x128xf32, #tpu.memory_space<vmem>>, vector<10000x128xf32>
    tpu.vector_store %arg8[%swap3A, %swap3A_76], %max3A_75 {strides = array<i32>} : memref<10000x128xf32, #tpu.memory_space<vmem>>, vector<10000x128xf32>,
    %slice3A = vector.extract_strided_slice %convert_element_type3A_66 {offsets = [0, 0], sizes = [10000, 1], strides = [1, 1]} : vector<10000x16xf32> to vector<10000x1xf32>
    %gt3A = arith.constant 0.000000e+00 : f32
    %gt3A_78 = vector.broadcast %gt3A : f32 to vector<10000x1xf32>
    %gt3A_79 = arith.cmpf ogt, %slice3A, %gt3A_78 : vector<10000x1xf32>
    %jit3A = arith.constant 0xFF800000 : f32
    %broadcast_in_dim3A_80 = vector.shape_cast %gt3A_79 : vector<10000x1xi1> to vector<10000x1xi1>
    %broadcast_in_dim3A_81 = vector.broadcast %broadcast_in_dim3A_80 : vector<10000x1xi1> to vector<10000x128xi1>
    %broadcast_in_dim3A_82 = vector.broadcast %jit3A : f32 to vector<10000x128xf32>
    %select_n3A = arith.select %broadcast_in_dim3A_81, %max3A_75, %broadcast_in_dim3A_82 : vector<10000x128xi1>, vector<10000x128xf32>
    %reduce_max3A = arith.constant dense<0xFF800000> : vector<128xf32>
    %reduce_max3A_83 = vector.multi_reduction <maximumf>, %select_n3A, %reduce_max3A [0] : vector<10000x128xf32> to vector<128xf32>
    %broadcast_in_dim3A_84 = vector.shape_cast %reduce_max3A_83 : vector<128xf32> to vector<1x128xf32>
    %swap3A_85 = arith.constant 0 : index
    %swap3A_86 = arith.constant 0 : index
    %swap3A_87 = vector.load %arg9[%swap3A_85, %swap3A_86] : memref<16x128xf32, #tpu.memory_space<vmem>>, vector<1x128xf32>
    tpu.vector_store %arg9[%swap3A_85, %swap3A_86], %broadcast_in_dim3A_84 {strides = array<i32>} : memref<16x128xf32, #tpu.memory_space<vmem>>, vector<1x128xf32>,
    %slice3A_88 = vector.extract_strided_slice %convert_element_type3A_66 {offsets = [0, 1], sizes = [10000, 1], strides = [1, 1]} : vector<10000x16xf32> to vector<10000x1xf32>
    %gt3A_89 = arith.constant 0.000000e+00 : f32
    %gt3A_90 = vector.broadcast %gt3A_89 : f32 to vector<10000x1xf32>
    %gt3A_91 = arith.cmpf ogt, %slice3A_88, %gt3A_90 : vector<10000x1xf32>
    %jit3A_92 = arith.constant 0xFF800000 : f32
    %broadcast_in_dim3A_93 = vector.shape_cast %gt3A_91 : vector<10000x1xi1> to vector<10000x1xi1>
    %broadcast_in_dim3A_94 = vector.broadcast %broadcast_in_dim3A_93 : vector<10000x1xi1> to vector<10000x128xi1>
    %broadcast_in_dim3A_95 = vector.broadcast %jit3A_92 : f32 to vector<10000x128xf32>
    %select_n3A_96 = arith.select %broadcast_in_dim3A_94, %max3A_75, %broadcast_in_dim3A_95 : vector<10000x128xi1>, vector<10000x128xf32>
    %reduce_max3A_97 = arith.constant dense<0xFF800000> : vector<128xf32>
    %reduce_max3A_98 = vector.multi_reduction <maximumf>, %select_n3A_96, %reduce_max3A_97 [0] : vector<10000x128xf32> to vector<128xf32>
    %broadcast_in_dim3A_99 = vector.shape_cast %reduce_max3A_98 : vector<128xf32> to vector<1x128xf32>
    %swap3A_100 = arith.constant 1 : index
    %swap3A_101 = arith.constant 0 : index
    %swap3A_102 = vector.load %arg9[%swap3A_100, %swap3A_101] : memref<16x128xf32, #tpu.memory_space<vmem>>, vector<1x128xf32>
    tpu.vector_store %arg9[%swap3A_100, %swap3A_101], %broadcast_in_dim3A_99 {strides = array<i32>} : memref<16x128xf32, #tpu.memory_space<vmem>>, vector<1x128xf32>,
    %slice3A_103 = vector.extract_strided_slice %convert_element_type3A_66 {offsets = [0, 2], sizes = [10000, 1], strides = [1, 1]} : vector<10000x16xf32> to vector<10000x1xf32>
    %gt3A_104 = arith.constant 0.000000e+00 : f32
    %gt3A_105 = vector.broadcast %gt3A_104 : f32 to vector<10000x1xf32>
    %gt3A_106 = arith.cmpf ogt, %slice3A_103, %gt3A_105 : vector<10000x1xf32>
    %jit3A_107 = arith.constant 0xFF800000 : f32
    %broadcast_in_dim3A_108 = vector.shape_cast %gt3A_106 : vector<10000x1xi1> to vector<10000x1xi1>
    %broadcast_in_dim3A_109 = vector.broadcast %broadcast_in_dim3A_108 : vector<10000x1xi1> to vector<10000x128xi1>
    %broadcast_in_dim3A_110 = vector.broadcast %jit3A_107 : f32 to vector<10000x128xf32>
    %select_n3A_111 = arith.select %broadcast_in_dim3A_109, %max3A_75, %broadcast_in_dim3A_110 : vector<10000x128xi1>, vector<10000x128xf32>
    %reduce_max3A_112 = arith.constant dense<0xFF800000> : vector<128xf32>
    %reduce_max3A_113 = vector.multi_reduction <maximumf>, %select_n3A_111, %reduce_max3A_112 [0] : vector<10000x128xf32> to vector<128xf32>
    %broadcast_in_dim3A_114 = vector.shape_cast %reduce_max3A_113 : vector<128xf32> to vector<1x128xf32>
    %swap3A_115 = arith.constant 2 : index
    %swap3A_116 = arith.constant 0 : index
    %swap3A_117 = vector.load %arg9[%swap3A_115, %swap3A_116] : memref<16x128xf32, #tpu.memory_space<vmem>>, vector<1x128xf32>
    tpu.vector_store %arg9[%swap3A_115, %swap3A_116], %broadcast_in_dim3A_114 {strides = array<i32>} : memref<16x128xf32, #tpu.memory_space<vmem>>, vector<1x128xf32>,
    %slice3A_118 = vector.extract_strided_slice %convert_element_type3A_66 {offsets = [0, 3], sizes = [10000, 1], strides = [1, 1]} : vector<10000x16xf32> to vector<10000x1xf32>
    %gt3A_119 = arith.constant 0.000000e+00 : f32
    %gt3A_120 = vector.broadcast %gt3A_119 : f32 to vector<10000x1xf32>
    %gt3A_121 = arith.cmpf ogt, %slice3A_118, %gt3A_120 : vector<10000x1xf32>
    %jit3A_122 = arith.constant 0xFF800000 : f32
    %broadcast_in_dim3A_123 = vector.shape_cast %gt3A_121 : vector<10000x1xi1> to vector<10000x1xi1>
    %broadcast_in_dim3A_124 = vector.broadcast %broadcast_in_dim3A_123 : vector<10000x1xi1> to vector<10000x128xi1>
    %broadcast_in_dim3A_125 = vector.broadcast %jit3A_122 : f32 to vector<10000x128xf32>
    %select_n3A_126 = arith.select %broadcast_in_dim3A_124, %max3A_75, %broadcast_in_dim3A_125 : vector<10000x128xi1>, vector<10000x128xf32>
    %reduce_max3A_127 = arith.constant dense<0xFF800000> : vector<128xf32>
    %reduce_max3A_128 = vector.multi_reduction <maximumf>, %select_n3A_126, %reduce_max3A_127 [0] : vector<10000x128xf32> to vector<128xf32>
    %broadcast_in_dim3A_129 = vector.shape_cast %reduce_max3A_128 : vector<128xf32> to vector<1x128xf32>
    %swap3A_130 = arith.constant 3 : index
    %swap3A_131 = arith.constant 0 : index
    %swap3A_132 = vector.load %arg9[%swap3A_130, %swap3A_131] : memref<16x128xf32, #tpu.memory_space<vmem>>, vector<1x128xf32>
    tpu.vector_store %arg9[%swap3A_130, %swap3A_131], %broadcast_in_dim3A_129 {strides = array<i32>} : memref<16x128xf32, #tpu.memory_space<vmem>>, vector<1x128xf32>,
    %slice3A_133 = vector.extract_strided_slice %convert_element_type3A_66 {offsets = [0, 4], sizes = [10000, 1], strides = [1, 1]} : vector<10000x16xf32> to vector<10000x1xf32>
    %gt3A_134 = arith.constant 0.000000e+00 : f32
    %gt3A_135 = vector.broadcast %gt3A_134 : f32 to vector<10000x1xf32>
    %gt3A_136 = arith.cmpf ogt, %slice3A_133, %gt3A_135 : vector<10000x1xf32>
    %jit3A_137 = arith.constant 0xFF800000 : f32
    %broadcast_in_dim3A_138 = vector.shape_cast %gt3A_136 : vector<10000x1xi1> to vector<10000x1xi1>
    %broadcast_in_dim3A_139 = vector.broadcast %broadcast_in_dim3A_138 : vector<10000x1xi1> to vector<10000x128xi1>
    %broadcast_in_dim3A_140 = vector.broadcast %jit3A_137 : f32 to vector<10000x128xf32>
    %select_n3A_141 = arith.select %broadcast_in_dim3A_139, %max3A_75, %broadcast_in_dim3A_140 : vector<10000x128xi1>, vector<10000x128xf32>
    %reduce_max3A_142 = arith.constant dense<0xFF800000> : vector<128xf32>
    %reduce_max3A_143 = vector.multi_reduction <maximumf>, %select_n3A_141, %reduce_max3A_142 [0] : vector<10000x128xf32> to vector<128xf32>
    %broadcast_in_dim3A_144 = vector.shape_cast %reduce_max3A_143 : vector<128xf32> to vector<1x128xf32>
    %swap3A_145 = arith.constant 4 : index
    %swap3A_146 = arith.constant 0 : index
    %swap3A_147 = vector.load %arg9[%swap3A_145, %swap3A_146] : memref<16x128xf32, #tpu.memory_space<vmem>>, vector<1x128xf32>
    tpu.vector_store %arg9[%swap3A_145, %swap3A_146], %broadcast_in_dim3A_144 {strides = array<i32>} : memref<16x128xf32, #tpu.memory_space<vmem>>, vector<1x128xf32>,
    %slice3A_148 = vector.extract_strided_slice %convert_element_type3A_66 {offsets = [0, 5], sizes = [10000, 1], strides = [1, 1]} : vector<10000x16xf32> to vector<10000x1xf32>
    %gt3A_149 = arith.constant 0.000000e+00 : f32
    %gt3A_150 = vector.broadcast %gt3A_149 : f32 to vector<10000x1xf32>
    %gt3A_151 = arith.cmpf ogt, %slice3A_148, %gt3A_150 : vector<10000x1xf32>
    %jit3A_152 = arith.constant 0xFF800000 : f32
    %broadcast_in_dim3A_153 = vector.shape_cast %gt3A_151 : vector<10000x1xi1> to vector<10000x1xi1>
    %broadcast_in_dim3A_154 = vector.broadcast %broadcast_in_dim3A_153 : vector<10000x1xi1> to vector<10000x128xi1>
    %broadcast_in_dim3A_155 = vector.broadcast %jit3A_152 : f32 to vector<10000x128xf32>
    %select_n3A_156 = arith.select %broadcast_in_dim3A_154, %max3A_75, %broadcast_in_dim3A_155 : vector<10000x128xi1>, vector<10000x128xf32>
    %reduce_max3A_157 = arith.constant dense<0xFF800000> : vector<128xf32>
    %reduce_max3A_158 = vector.multi_reduction <maximumf>, %select_n3A_156, %reduce_max3A_157 [0] : vector<10000x128xf32> to vector<128xf32>
    %broadcast_in_dim3A_159 = vector.shape_cast %reduce_max3A_158 : vector<128xf32> to vector<1x128xf32>
    %swap3A_160 = arith.constant 5 : index
    %swap3A_161 = arith.constant 0 : index
    %swap3A_162 = vector.load %arg9[%swap3A_160, %swap3A_161] : memref<16x128xf32, #tpu.memory_space<vmem>>, vector<1x128xf32>
    tpu.vector_store %arg9[%swap3A_160, %swap3A_161], %broadcast_in_dim3A_159 {strides = array<i32>} : memref<16x128xf32, #tpu.memory_space<vmem>>, vector<1x128xf32>,
    %slice3A_163 = vector.extract_strided_slice %convert_element_type3A_66 {offsets = [0, 6], sizes = [10000, 1], strides = [1, 1]} : vector<10000x16xf32> to vector<10000x1xf32>
    %gt3A_164 = arith.constant 0.000000e+00 : f32
    %gt3A_165 = vector.broadcast %gt3A_164 : f32 to vector<10000x1xf32>
    %gt3A_166 = arith.cmpf ogt, %slice3A_163, %gt3A_165 : vector<10000x1xf32>
    %jit3A_167 = arith.constant 0xFF800000 : f32
    %broadcast_in_dim3A_168 = vector.shape_cast %gt3A_166 : vector<10000x1xi1> to vector<10000x1xi1>
    %broadcast_in_dim3A_169 = vector.broadcast %broadcast_in_dim3A_168 : vector<10000x1xi1> to vector<10000x128xi1>
    %broadcast_in_dim3A_170 = vector.broadcast %jit3A_167 : f32 to vector<10000x128xf32>
    %select_n3A_171 = arith.select %broadcast_in_dim3A_169, %max3A_75, %broadcast_in_dim3A_170 : vector<10000x128xi1>, vector<10000x128xf32>
    %reduce_max3A_172 = arith.constant dense<0xFF800000> : vector<128xf32>
    %reduce_max3A_173 = vector.multi_reduction <maximumf>, %select_n3A_171, %reduce_max3A_172 [0] : vector<10000x128xf32> to vector<128xf32>
    %broadcast_in_dim3A_174 = vector.shape_cast %reduce_max3A_173 : vector<128xf32> to vector<1x128xf32>
    %swap3A_175 = arith.constant 6 : index
    %swap3A_176 = arith.constant 0 : index
    %swap3A_177 = vector.load %arg9[%swap3A_175, %swap3A_176] : memref<16x128xf32, #tpu.memory_space<vmem>>, vector<1x128xf32>
    tpu.vector_store %arg9[%swap3A_175, %swap3A_176], %broadcast_in_dim3A_174 {strides = array<i32>} : memref<16x128xf32, #tpu.memory_space<vmem>>, vector<1x128xf32>,
    %slice3A_178 = vector.extract_strided_slice %convert_element_type3A_66 {offsets = [0, 7], sizes = [10000, 1], strides = [1, 1]} : vector<10000x16xf32> to vector<10000x1xf32>
    %gt3A_179 = arith.constant 0.000000e+00 : f32
    %gt3A_180 = vector.broadcast %gt3A_179 : f32 to vector<10000x1xf32>
    %gt3A_181 = arith.cmpf ogt, %slice3A_178, %gt3A_180 : vector<10000x1xf32>
    %jit3A_182 = arith.constant 0xFF800000 : f32
    %broadcast_in_dim3A_183 = vector.shape_cast %gt3A_181 : vector<10000x1xi1> to vector<10000x1xi1>
    %broadcast_in_dim3A_184 = vector.broadcast %broadcast_in_dim3A_183 : vector<10000x1xi1> to vector<10000x128xi1>
    %broadcast_in_dim3A_185 = vector.broadcast %jit3A_182 : f32 to vector<10000x128xf32>
    %select_n3A_186 = arith.select %broadcast_in_dim3A_184, %max3A_75, %broadcast_in_dim3A_185 : vector<10000x128xi1>, vector<10000x128xf32>
    %reduce_max3A_187 = arith.constant dense<0xFF800000> : vector<128xf32>
    %reduce_max3A_188 = vector.multi_reduction <maximumf>, %select_n3A_186, %reduce_max3A_187 [0] : vector<10000x128xf32> to vector<128xf32>
    %broadcast_in_dim3A_189 = vector.shape_cast %reduce_max3A_188 : vector<128xf32> to vector<1x128xf32>
    %swap3A_190 = arith.constant 7 : index
    %swap3A_191 = arith.constant 0 : index
    %swap3A_192 = vector.load %arg9[%swap3A_190, %swap3A_191] : memref<16x128xf32, #tpu.memory_space<vmem>>, vector<1x128xf32>
    tpu.vector_store %arg9[%swap3A_190, %swap3A_191], %broadcast_in_dim3A_189 {strides = array<i32>} : memref<16x128xf32, #tpu.memory_space<vmem>>, vector<1x128xf32>,
    %slice3A_193 = vector.extract_strided_slice %convert_element_type3A_66 {offsets = [0, 8], sizes = [10000, 1], strides = [1, 1]} : vector<10000x16xf32> to vector<10000x1xf32>
    %gt3A_194 = arith.constant 0.000000e+00 : f32
    %gt3A_195 = vector.broadcast %gt3A_194 : f32 to vector<10000x1xf32>
    %gt3A_196 = arith.cmpf ogt, %slice3A_193, %gt3A_195 : vector<10000x1xf32>
    %jit3A_197 = arith.constant 0xFF800000 : f32
    %broadcast_in_dim3A_198 = vector.shape_cast %gt3A_196 : vector<10000x1xi1> to vector<10000x1xi1>
    %broadcast_in_dim3A_199 = vector.broadcast %broadcast_in_dim3A_198 : vector<10000x1xi1> to vector<10000x128xi1>
    %broadcast_in_dim3A_200 = vector.broadcast %jit3A_197 : f32 to vector<10000x128xf32>
    %select_n3A_201 = arith.select %broadcast_in_dim3A_199, %max3A_75, %broadcast_in_dim3A_200 : vector<10000x128xi1>, vector<10000x128xf32>
    %reduce_max3A_202 = arith.constant dense<0xFF800000> : vector<128xf32>
    %reduce_max3A_203 = vector.multi_reduction <maximumf>, %select_n3A_201, %reduce_max3A_202 [0] : vector<10000x128xf32> to vector<128xf32>
    %broadcast_in_dim3A_204 = vector.shape_cast %reduce_max3A_203 : vector<128xf32> to vector<1x128xf32>
    %swap3A_205 = arith.constant 8 : index
    %swap3A_206 = arith.constant 0 : index
    %swap3A_207 = vector.load %arg9[%swap3A_205, %swap3A_206] : memref<16x128xf32, #tpu.memory_space<vmem>>, vector<1x128xf32>
    tpu.vector_store %arg9[%swap3A_205, %swap3A_206], %broadcast_in_dim3A_204 {strides = array<i32>} : memref<16x128xf32, #tpu.memory_space<vmem>>, vector<1x128xf32>,
    %slice3A_208 = vector.extract_strided_slice %convert_element_type3A_66 {offsets = [0, 9], sizes = [10000, 1], strides = [1, 1]} : vector<10000x16xf32> to vector<10000x1xf32>
    %gt3A_209 = arith.constant 0.000000e+00 : f32
    %gt3A_210 = vector.broadcast %gt3A_209 : f32 to vector<10000x1xf32>
    %gt3A_211 = arith.cmpf ogt, %slice3A_208, %gt3A_210 : vector<10000x1xf32>
    %jit3A_212 = arith.constant 0xFF800000 : f32
    %broadcast_in_dim3A_213 = vector.shape_cast %gt3A_211 : vector<10000x1xi1> to vector<10000x1xi1>
    %broadcast_in_dim3A_214 = vector.broadcast %broadcast_in_dim3A_213 : vector<10000x1xi1> to vector<10000x128xi1>
    %broadcast_in_dim3A_215 = vector.broadcast %jit3A_212 : f32 to vector<10000x128xf32>
    %select_n3A_216 = arith.select %broadcast_in_dim3A_214, %max3A_75, %broadcast_in_dim3A_215 : vector<10000x128xi1>, vector<10000x128xf32>
    %reduce_max3A_217 = arith.constant dense<0xFF800000> : vector<128xf32>
    %reduce_max3A_218 = vector.multi_reduction <maximumf>, %select_n3A_216, %reduce_max3A_217 [0] : vector<10000x128xf32> to vector<128xf32>
    %broadcast_in_dim3A_219 = vector.shape_cast %reduce_max3A_218 : vector<128xf32> to vector<1x128xf32>
    %swap3A_220 = arith.constant 9 : index
    %swap3A_221 = arith.constant 0 : index
    %swap3A_222 = vector.load %arg9[%swap3A_220, %swap3A_221] : memref<16x128xf32, #tpu.memory_space<vmem>>, vector<1x128xf32>
    tpu.vector_store %arg9[%swap3A_220, %swap3A_221], %broadcast_in_dim3A_219 {strides = array<i32>} : memref<16x128xf32, #tpu.memory_space<vmem>>, vector<1x128xf32>,
    %slice3A_223 = vector.extract_strided_slice %convert_element_type3A_66 {offsets = [0, 10], sizes = [10000, 1], strides = [1, 1]} : vector<10000x16xf32> to vector<10000x1xf32>
    %gt3A_224 = arith.constant 0.000000e+00 : f32
    %gt3A_225 = vector.broadcast %gt3A_224 : f32 to vector<10000x1xf32>
    %gt3A_226 = arith.cmpf ogt, %slice3A_223, %gt3A_225 : vector<10000x1xf32>
    %jit3A_227 = arith.constant 0xFF800000 : f32
    %broadcast_in_dim3A_228 = vector.shape_cast %gt3A_226 : vector<10000x1xi1> to vector<10000x1xi1>
    %broadcast_in_dim3A_229 = vector.broadcast %broadcast_in_dim3A_228 : vector<10000x1xi1> to vector<10000x128xi1>
    %broadcast_in_dim3A_230 = vector.broadcast %jit3A_227 : f32 to vector<10000x128xf32>
    %select_n3A_231 = arith.select %broadcast_in_dim3A_229, %max3A_75, %broadcast_in_dim3A_230 : vector<10000x128xi1>, vector<10000x128xf32>
    %reduce_max3A_232 = arith.constant dense<0xFF800000> : vector<128xf32>
    %reduce_max3A_233 = vector.multi_reduction <maximumf>, %select_n3A_231, %reduce_max3A_232 [0] : vector<10000x128xf32> to vector<128xf32>
    %broadcast_in_dim3A_234 = vector.shape_cast %reduce_max3A_233 : vector<128xf32> to vector<1x128xf32>
    %swap3A_235 = arith.constant 10 : index
    %swap3A_236 = arith.constant 0 : index
    %swap3A_237 = vector.load %arg9[%swap3A_235, %swap3A_236] : memref<16x128xf32, #tpu.memory_space<vmem>>, vector<1x128xf32>
    tpu.vector_store %arg9[%swap3A_235, %swap3A_236], %broadcast_in_dim3A_234 {strides = array<i32>} : memref<16x128xf32, #tpu.memory_space<vmem>>, vector<1x128xf32>,
    %slice3A_238 = vector.extract_strided_slice %convert_element_type3A_66 {offsets = [0, 11], sizes = [10000, 1], strides = [1, 1]} : vector<10000x16xf32> to vector<10000x1xf32>
    %gt3A_239 = arith.constant 0.000000e+00 : f32
    %gt3A_240 = vector.broadcast %gt3A_239 : f32 to vector<10000x1xf32>
    %gt3A_241 = arith.cmpf ogt, %slice3A_238, %gt3A_240 : vector<10000x1xf32>
    %jit3A_242 = arith.constant 0xFF800000 : f32
    %broadcast_in_dim3A_243 = vector.shape_cast %gt3A_241 : vector<10000x1xi1> to vector<10000x1xi1>
    %broadcast_in_dim3A_244 = vector.broadcast %broadcast_in_dim3A_243 : vector<10000x1xi1> to vector<10000x128xi1>
    %broadcast_in_dim3A_245 = vector.broadcast %jit3A_242 : f32 to vector<10000x128xf32>
    %select_n3A_246 = arith.select %broadcast_in_dim3A_244, %max3A_75, %broadcast_in_dim3A_245 : vector<10000x128xi1>, vector<10000x128xf32>
    %reduce_max3A_247 = arith.constant dense<0xFF800000> : vector<128xf32>
    %reduce_max3A_248 = vector.multi_reduction <maximumf>, %select_n3A_246, %reduce_max3A_247 [0] : vector<10000x128xf32> to vector<128xf32>
    %broadcast_in_dim3A_249 = vector.shape_cast %reduce_max3A_248 : vector<128xf32> to vector<1x128xf32>
    %swap3A_250 = arith.constant 11 : index
    %swap3A_251 = arith.constant 0 : index
    %swap3A_252 = vector.load %arg9[%swap3A_250, %swap3A_251] : memref<16x128xf32, #tpu.memory_space<vmem>>, vector<1x128xf32>
    tpu.vector_store %arg9[%swap3A_250, %swap3A_251], %broadcast_in_dim3A_249 {strides = array<i32>} : memref<16x128xf32, #tpu.memory_space<vmem>>, vector<1x128xf32>,
    %slice3A_253 = vector.extract_strided_slice %convert_element_type3A_66 {offsets = [0, 12], sizes = [10000, 1], strides = [1, 1]} : vector<10000x16xf32> to vector<10000x1xf32>
    %gt3A_254 = arith.constant 0.000000e+00 : f32
    %gt3A_255 = vector.broadcast %gt3A_254 : f32 to vector<10000x1xf32>
    %gt3A_256 = arith.cmpf ogt, %slice3A_253, %gt3A_255 : vector<10000x1xf32>
    %jit3A_257 = arith.constant 0xFF800000 : f32
    %broadcast_in_dim3A_258 = vector.shape_cast %gt3A_256 : vector<10000x1xi1> to vector<10000x1xi1>
    %broadcast_in_dim3A_259 = vector.broadcast %broadcast_in_dim3A_258 : vector<10000x1xi1> to vector<10000x128xi1>
    %broadcast_in_dim3A_260 = vector.broadcast %jit3A_257 : f32 to vector<10000x128xf32>
    %select_n3A_261 = arith.select %broadcast_in_dim3A_259, %max3A_75, %broadcast_in_dim3A_260 : vector<10000x128xi1>, vector<10000x128xf32>
    %reduce_max3A_262 = arith.constant dense<0xFF800000> : vector<128xf32>
    %reduce_max3A_263 = vector.multi_reduction <maximumf>, %select_n3A_261, %reduce_max3A_262 [0] : vector<10000x128xf32> to vector<128xf32>
    %broadcast_in_dim3A_264 = vector.shape_cast %reduce_max3A_263 : vector<128xf32> to vector<1x128xf32>
    %swap3A_265 = arith.constant 12 : index
    %swap3A_266 = arith.constant 0 : index
    %swap3A_267 = vector.load %arg9[%swap3A_265, %swap3A_266] : memref<16x128xf32, #tpu.memory_space<vmem>>, vector<1x128xf32>
    tpu.vector_store %arg9[%swap3A_265, %swap3A_266], %broadcast_in_dim3A_264 {strides = array<i32>} : memref<16x128xf32, #tpu.memory_space<vmem>>, vector<1x128xf32>,
    %slice3A_268 = vector.extract_strided_slice %convert_element_type3A_66 {offsets = [0, 13], sizes = [10000, 1], strides = [1, 1]} : vector<10000x16xf32> to vector<10000x1xf32>
    %gt3A_269 = arith.constant 0.000000e+00 : f32
    %gt3A_270 = vector.broadcast %gt3A_269 : f32 to vector<10000x1xf32>
    %gt3A_271 = arith.cmpf ogt, %slice3A_268, %gt3A_270 : vector<10000x1xf32>
    %jit3A_272 = arith.constant 0xFF800000 : f32
    %broadcast_in_dim3A_273 = vector.shape_cast %gt3A_271 : vector<10000x1xi1> to vector<10000x1xi1>
    %broadcast_in_dim3A_274 = vector.broadcast %broadcast_in_dim3A_273 : vector<10000x1xi1> to vector<10000x128xi1>
    %broadcast_in_dim3A_275 = vector.broadcast %jit3A_272 : f32 to vector<10000x128xf32>
    %select_n3A_276 = arith.select %broadcast_in_dim3A_274, %max3A_75, %broadcast_in_dim3A_275 : vector<10000x128xi1>, vector<10000x128xf32>
    %reduce_max3A_277 = arith.constant dense<0xFF800000> : vector<128xf32>
    %reduce_max3A_278 = vector.multi_reduction <maximumf>, %select_n3A_276, %reduce_max3A_277 [0] : vector<10000x128xf32> to vector<128xf32>
    %broadcast_in_dim3A_279 = vector.shape_cast %reduce_max3A_278 : vector<128xf32> to vector<1x128xf32>
    %swap3A_280 = arith.constant 13 : index
    %swap3A_281 = arith.constant 0 : index
    %swap3A_282 = vector.load %arg9[%swap3A_280, %swap3A_281] : memref<16x128xf32, #tpu.memory_space<vmem>>, vector<1x128xf32>
    tpu.vector_store %arg9[%swap3A_280, %swap3A_281], %broadcast_in_dim3A_279 {strides = array<i32>} : memref<16x128xf32, #tpu.memory_space<vmem>>, vector<1x128xf32>,
    %slice3A_283 = vector.extract_strided_slice %convert_element_type3A_66 {offsets = [0, 14], sizes = [10000, 1], strides = [1, 1]} : vector<10000x16xf32> to vector<10000x1xf32>
    %gt3A_284 = arith.constant 0.000000e+00 : f32
    %gt3A_285 = vector.broadcast %gt3A_284 : f32 to vector<10000x1xf32>
    %gt3A_286 = arith.cmpf ogt, %slice3A_283, %gt3A_285 : vector<10000x1xf32>
    %jit3A_287 = arith.constant 0xFF800000 : f32
    %broadcast_in_dim3A_288 = vector.shape_cast %gt3A_286 : vector<10000x1xi1> to vector<10000x1xi1>
    %broadcast_in_dim3A_289 = vector.broadcast %broadcast_in_dim3A_288 : vector<10000x1xi1> to vector<10000x128xi1>
    %broadcast_in_dim3A_290 = vector.broadcast %jit3A_287 : f32 to vector<10000x128xf32>
    %select_n3A_291 = arith.select %broadcast_in_dim3A_289, %max3A_75, %broadcast_in_dim3A_290 : vector<10000x128xi1>, vector<10000x128xf32>
    %reduce_max3A_292 = arith.constant dense<0xFF800000> : vector<128xf32>
    %reduce_max3A_293 = vector.multi_reduction <maximumf>, %select_n3A_291, %reduce_max3A_292 [0] : vector<10000x128xf32> to vector<128xf32>
    %broadcast_in_dim3A_294 = vector.shape_cast %reduce_max3A_293 : vector<128xf32> to vector<1x128xf32>
    %swap3A_295 = arith.constant 14 : index
    %swap3A_296 = arith.constant 0 : index
    %swap3A_297 = vector.load %arg9[%swap3A_295, %swap3A_296] : memref<16x128xf32, #tpu.memory_space<vmem>>, vector<1x128xf32>
    tpu.vector_store %arg9[%swap3A_295, %swap3A_296], %broadcast_in_dim3A_294 {strides = array<i32>} : memref<16x128xf32, #tpu.memory_space<vmem>>, vector<1x128xf32>,
    %slice3A_298 = vector.extract_strided_slice %convert_element_type3A_66 {offsets = [0, 15], sizes = [10000, 1], strides = [1, 1]} : vector<10000x16xf32> to vector<10000x1xf32>
    %gt3A_299 = arith.constant 0.000000e+00 : f32
    %gt3A_300 = vector.broadcast %gt3A_299 : f32 to vector<10000x1xf32>
    %gt3A_301 = arith.cmpf ogt, %slice3A_298, %gt3A_300 : vector<10000x1xf32>
    %jit3A_302 = arith.constant 0xFF800000 : f32
    %broadcast_in_dim3A_303 = vector.shape_cast %gt3A_301 : vector<10000x1xi1> to vector<10000x1xi1>
    %broadcast_in_dim3A_304 = vector.broadcast %broadcast_in_dim3A_303 : vector<10000x1xi1> to vector<10000x128xi1>
    %broadcast_in_dim3A_305 = vector.broadcast %jit3A_302 : f32 to vector<10000x128xf32>
    %select_n3A_306 = arith.select %broadcast_in_dim3A_304, %max3A_75, %broadcast_in_dim3A_305 : vector<10000x128xi1>, vector<10000x128xf32>
    %reduce_max3A_307 = arith.constant dense<0xFF800000> : vector<128xf32>
    %reduce_max3A_308 = vector.multi_reduction <maximumf>, %select_n3A_306, %reduce_max3A_307 [0] : vector<10000x128xf32> to vector<128xf32>
    %broadcast_in_dim3A_309 = vector.shape_cast %reduce_max3A_308 : vector<128xf32> to vector<1x128xf32>
    %swap3A_310 = arith.constant 15 : index
    %swap3A_311 = arith.constant 0 : index
    %swap3A_312 = vector.load %arg9[%swap3A_310, %swap3A_311] : memref<16x128xf32, #tpu.memory_space<vmem>>, vector<1x128xf32>
    tpu.vector_store %arg9[%swap3A_310, %swap3A_311], %broadcast_in_dim3A_309 {strides = array<i32>} : memref<16x128xf32, #tpu.memory_space<vmem>>, vector<1x128xf32>,
    return
  }
}

</mosaic_0001>

<sc_bundles>
// kernel: kernel.6.cloned.1.call-start
scs
__scs_entry_jumppad:
0x0: {  	(pc) =	sbr.rel $0x88, $3  }
0x1: {  	(tag) =	ssettag $0x0;
	lr =	simm.s32 $0x1  }
0x2: {  	[smem:$0x3F98] =	sst lr;
	_ =	strace $0xD0000000  }
0x3: {  	_ = 	snop  }
0x4: {  	_ = 	snop  }
0x5: {  	_ = 	snop  }
0x6: {  	_ = 	snop  }
0x7: {  	_ = 	snop  }
__scs_overlays_trampoline_lowered:
0x8: {  	[smem:$0x3FA7] =	sst s0  }
0x9: {  	[smem:$0x3FA8] =	sst s1  }
0xa: {  	[smem:$0x3FA9] =	sst s2  }
0xb: {  	[smem:$0x3FAA] =	sst s3  }
0xc: {  	[smem:$0x3FAB] =	sst s4  }
0xd: {  	[smem:$0x3FAC] =	sst s5  }
0xe: {  	[smem:$0x3FAD] =	sst s6  }
0xf: {  	[smem:$0x3FAE] =	sst s7  }
0x10: {  	[smem:$0x3FAF] =	sst s8  }
0x11: {  	[smem:$0x3FB0] =	sst s9;
	s0 =	simm.s32 @!p0 $0x0  }
0x12: {  	s1 =	sld [smem:$0x3F96];
	s0 =	simm.s32 @p0 $0x1  }
0x13: {  	[smem:$0x3FB1] =	sst s0;
	s0 =	simm.s32 @!p1 $0x0  }
0x14: {  	s2 =	sld [smem:$0x3F95];
	s0 =	simm.s32 @p1 $0x1  }
0x15: {  	[smem:$0x3FB2] =	sst s0;
	s0 =	simm.s32 @!p2 $0x0  }
0x16: {  	s3 =	sld [smem:$0x3FDB];
	s0 =	simm.s32 @p2 $0x1  }
0x17: {  	s4 =	simm.s32 $0x1BF5;
	[smem:$0x3FB4] =	sst s0  }
0x18: {  	s0 =	sld [smem:$0x3F97];
	_ =	swait.ge [sflag:s4], $0x0  }
0x19: {  	s7 =	sld [smem:$0x3F98]  }
0x1a: {  	s8 =	sadd.s32 $0xFFFFE003, lr  }
0x1b: {  	s9 =	sadd.s32 $0xFFFFFEF7, lr;
	s5 =	simm.s32 $0xFFFFFFFF;
	p2 =	slt.u32 s8, $0xFFFFF086  }
0x1c: {  	p1 =	slt.u32 s9, $0xF7A;
	s5 =	simm.s32 @!p2 $0x0  }
0x1d: {  	s5 =	simm.s32 @p1 $0x1;
	p0 =	seq.s32 s7, s2  }
0x1e: {  	s7 =	smul.u32 @!p0 $0xF7A, s2;
	p2 =	seq.s32 @!p0 s5, $0x0  }
0x1f: {  	s9 =	smul.u32 $0xF7A, s1;
	s8 =	simm.s32 @!p0 $0x1BF5;
	p2 =	por !p2, p0  }
0x20: {  	[sflag:s8] =	ssyncset.s32 @!p0 $0xFFFFF086;
	s6 =	sadd.s32 @!p0 s3, s7;
	s7 =	simm.s32 @!p0 $0x108  }
0x21: {  	s3 =	sadd.s32 s3, s9;
	s6 =	sadd.s32 @!p0 $0x88, s6;
	s7 =	simm.s32 @p2 $0x1082  }
0x22: {  	[simem:s7], [sflag:s8] =	dma.local @!p0 [hbm:s6], $0xF7A  }
0x23: {  	s9 =	sor.u32 $0xD0000000, s2;
	s6 =	simm.s32 $0x108;
	_ =	swait.ge @!p0 [sflag:s8], $0x0  }
0x24: {  	s3 =	sadd.s32 $0x88, s3;
	s6 =	simm.s32 @!p1 $0x1082;
	[sflag:s4] =	ssyncset.s32 $0xFFFFF086  }
0x25: {  	[simem:s6], [sflag:s4] =	dma.local [hbm:s3], $0xF7A  }
0x26: {  	[smem:$0x3F98] =	sst s1;
	(tag) =	ssettag s2;
	_ =	strace s9  }
0x27: {  	s1 =	sld [smem:$0x3FA8]  }
0x28: {  	s2 =	sld [smem:$0x3FA9]  }
0x29: {  	s4 =	sld [smem:$0x3FAB]  }
0x2a: {  	p0 =	seq.s32 s5, $0x0;
	s5 =	sld [smem:$0x3FAC]  }
0x2b: {  	s6 =	sld [smem:$0x3FAD]  }
0x2c: {  	s7 =	sld [smem:$0x3FAE]  }
0x2d: {  	s3 =	simm.s32 $0x108;
	s8 =	sld [smem:$0x3FAF]  }
0x2e: {  	s3 =	simm.s32 @!p0 $0x1082;
	s9 =	sld [smem:$0x3FB0]  }
0x2f: {  	lr =	sadd.s32 s0, s3;
	s0 =	sld [smem:$0x3FA7]  }
0x30: {  	s3 =	sld [smem:$0x3FAA]  }
0x31: {  	[smem:$0x3FB3] =	sst s10  }
0x32: {  	s10 =	sld [smem:$0x3FB1];
	_ =	sdelay $0x3  }
0x33: {  	p0 =	seq.s32 s10, $0x1;
	s10 =	sld [smem:$0x3FB3];
	_ =	sdelay $0x3  }
0x34: {  	[smem:$0x3FB3] =	sst s10  }
0x35: {  	s10 =	sld [smem:$0x3FB2];
	_ =	sdelay $0x3  }
0x36: {  	p1 =	seq.s32 s10, $0x1;
	s10 =	sld [smem:$0x3FB3];
	_ =	sdelay $0x3  }
0x37: {  	[smem:$0x3FB3] =	sst s10  }
0x38: {  	s10 =	sld [smem:$0x3FB4]  }
0x39: {  	_ = 	snop;
	(pc) =	sbr.ind lr, $3  }
0x3a: {  	_ = 	snop  }
0x3b: {  	_ = 	snop  }
0x3c: {  	p2 =	seq.s32 s10, $0x1;
	s10 =	sld [smem:$0x3FB3]  }
0x3d: {  	_ =	shalt  }
0x3e: {  	_ =	shalt  }
0x3f: {  	_ =	shalt  }
0x40: {  	_ =	shalt  }
0x41: {  	_ =	shalt  }
0x42: {  	_ =	shalt  }
0x43: {  	_ =	shalt  }
0x44: {  	_ =	shalt  }
0x45: {  	_ =	shalt  }
0x46: {  	_ =	shalt  }
0x47: {  	_ =	shalt  }
0x48: {  	_ =	shalt  }
0x49: {  	_ =	shalt  }
0x4a: {  	_ =	shalt  }
0x4b: {  	_ =	shalt  }
0x4c: {  	_ =	shalt  }
0x4d: {  	_ =	shalt  }
0x4e: {  	_ =	shalt  }
0x4f: {  	_ =	shalt  }
0x50: {  	_ =	shalt  }
0x51: {  	_ =	shalt  }
0x52: {  	_ =	shalt  }
0x53: {  	_ =	shalt  }
0x54: {  	_ =	shalt  }
0x55: {  	_ =	shalt  }
0x56: {  	_ =	shalt  }
0x57: {  	_ =	shalt  }
0x58: {  	_ =	shalt  }
0x59: {  	_ =	shalt  }
0x5a: {  	_ =	shalt  }
0x5b: {  	_ =	shalt  }
0x5c: {  	_ =	shalt  }
0x5d: {  	_ =	shalt  }
0x5e: {  	_ =	shalt  }
0x5f: {  	_ =	shalt  }
0x60: {  	_ =	shalt  }
0x61: {  	_ =	shalt  }
0x62: {  	_ =	shalt  }
0x63: {  	_ =	shalt  }
0x64: {  	_ =	shalt  }
0x65: {  	_ =	shalt  }
0x66: {  	_ =	shalt  }
0x67: {  	_ =	shalt  }
0x68: {  	_ =	shalt  }
0x69: {  	_ =	shalt  }
0x6a: {  	_ =	shalt  }
0x6b: {  	_ =	shalt  }
0x6c: {  	_ =	shalt  }
0x6d: {  	_ =	shalt  }
0x6e: {  	_ =	shalt  }
0x6f: {  	_ =	shalt  }
0x70: {  	_ =	shalt  }
0x71: {  	_ =	shalt  }
0x72: {  	_ =	shalt  }
0x73: {  	_ =	shalt  }
0x74: {  	_ =	shalt  }
0x75: {  	_ =	shalt  }
0x76: {  	_ =	shalt  }
0x77: {  	_ =	shalt  }
0x78: {  	_ =	shalt  }
0x79: {  	_ =	shalt  }
0x7a: {  	_ =	shalt  }
0x7b: {  	_ =	shalt  }
0x7c: {  	_ =	shalt  }
0x7d: {  	_ =	shalt  }
0x7e: {  	_ =	shalt  }
0x7f: {  	_ =	shalt  }
0x80: {  	_ =	shalt  }
0x81: {  	_ =	shalt  }
0x82: {  	_ =	shalt  }
0x83: {  	_ =	shalt  }
0x84: {  	_ =	shalt  }
0x85: {  	_ =	shalt  }
0x86: {  	_ =	shalt  }
0x87: {  	_ =	shalt  }
.Lfunc_end0:
.L_simem_size_0:
called_computation_lowered:
.L_overlay_start_0:
0x88: {  	s2 =	sld [smem:$0x3FD9]  }
0x89: {  	s3 =	sld [smem:$0x3FFE];
	_ =	sdelay $0x1  }
0x8a: {  	s1 =	srdreg.scid  }
0x8b: {  	s0 =	sand.u32 $0x1, s1  }
0x8c: {  	s15 =	sshll.u32 s0, $0xA;
	s2 =	sadd.s32 s3, s2  }
0x8d: {  	s2 =	sadd.s32 s2, s15  }
0x8e: {  	[smem:$0x3FBF] =	sst s2  }
0x8f: {  	_ = 	snop  }
0x90: {  	s2 =	sld [smem:$0x3FD0];
	_ =	sdelay $0x2  }
0x91: {  	s16 =	simm.s32 $0xA;
	s4 =	simm.s32 $0x10  }
0x92: {  	[smem:s4], [sflag:s16] =	dma.local [hbm:s2], $0x1  }
0x93: {  	_ =	swait.eq [sflag:s16], $0x1  }
0x94: {  	s17 =	sld [smem:$0x10]  }
0x95: {  	s18 =	sld [smem:$0x12];
	[sflag:s16] =	ssyncset.done $0x0  }
0x96: {  	s5 =	sld [smem:$0x13];
	[sflag:s16] =	ssyncadd.s32 $0xFFFFFFFF  }
0x97: {  	s19 =	sld [smem:$0x14];
	(tm) =	ssettm $0x1  }
0x98: {  	s6 =	sld [smem:$0x3FFB];
	_ =	sdelay $0x3  }
0x99: {  	_ =	strace s6  }
0x9a: {  	s6 =	sld [smem:$0x3FFC];
	_ =	sdelay $0x3  }
0x9b: {  	_ =	strace s6  }
0x9c: {  	s6 =	sld [smem:$0x3FFD];
	_ =	sdelay $0x3  }
0x9d: {  	_ =	strace s6  }
0x9e: {  	_ =	strace $0x8FFFFFFF  }
0x9f: {  	s20 =	sld [smem:$0x3FDB];
	_ =	sdelay $0x1  }
0xa0: {  	s7 =	simm.s32 $_scs_section_size  }
0xa1: {  	s8 =	simm.s32 $_size__tile_overlayer_lowered;
	s9 =	simm.s32 $_tile_overlayer_lowered  }
0xa2: {  	s23 =	simm.s32 $0x1BFF;
	s22 =	sshll.u32 s9, $0x1;
	s6 =	sadd.s32 s7, s20  }
0xa3: {  	s10 =	simm.s32 $0x0;
	s21 =	sshll.u32 s8, $0x1;
	s8 =	sadd.s32 s22, s6  }
0xa4: {  	[timem:s10], [sflag:s23] =	dma.local [hbm:s8], s21  }
0xa5: {  	_ =	swait.ge [sflag:s23], s21  }
0xa6: {  	s7 =	ssub.s32 $0x0, s21;
	[sflag:s23] =	ssyncset.done $0x0  }
0xa7: {  	[sflag:s23] =	ssyncadd.s32 s7;
	_ =	sdelay $0x1  }
0xa8: {  	s24 =	simm.s32 $0x1B8B  }
0xa9: {  	_ =	swait.ge [sflag:s24], $0x1  }
0xaa: {  	[sflag:s24] =	ssyncset.done $0x0  }
0xab: {  	s25 =	simm.s32 $0x1B8E;
	[sflag:s24] =	ssyncadd.s32 $0xFFFFFFFF  }
0xac: {  	s26 =	simm.s32 $execute0_lowered;
	[smem:$0x3FD2] =	sst s25  }
0xad: {  	s7 =	sshll.u32 s26, $0x1;
	_ =	strace $0x80000046;
	[dreg:$0x1] =	wrdreg $0xFFFFFFFF  }
0xae: {  	s28 =	simm.s32 $_size_execute0_lowered;
	s6 =	sadd.s32 s6, s7;
	[dreg:$0x0] =	wrdreg $0x0  }
0xaf: {  	s7 =	sshll.u32 s28, $0x1;
	[dreg:$0x2] =	wrdreg s6  }
0xb0: {  	[dreg:$0x3] =	wrdreg s7  }
0xb1: {  	[dreg:$0x4] =	wrdreg $0xC0  }
0xb2: {  	_ =	task [dreg:s10], $0x5FFFF  }
0xb3: {  	[dreg:$0x1] =	wrdreg $0xFFFFFFFF  }
0xb4: {  	[dreg:$0x0] =	wrdreg $0x60  }
0xb5: {  	[dreg:$0x2] =	wrdreg s18  }
0xb6: {  	[dreg:$0x3] =	wrdreg s17  }
0xb7: {  	[dreg:$0x4] =	wrdreg s19  }
0xb8: {  	[dreg:$0x5] =	wrdreg s5  }
0xb9: {  	[dreg:$0x6] =	wrdreg $0x80000  }
0xba: {  	[dreg:$0x7] =	wrdreg $0x9  }
0xbb: {  	_ =	task.clear_ibuf [dreg:s10], $0x8FFFF;
	_ =	strace $0x90000046  }
0xbc: {  	s29 =	simm.s32 $0x9;
	_ =	strace $0x80000048  }
0xbd: {  	_ =	swait.ge [sflag:s29], $0x1  }
0xbe: {  	[sflag:s29] =	ssyncadd.s32 $0xFFFFFFFF  }
0xbf: {  	_ =	strace $0x90000048  }
0xc0: {  	_ =	sfence  }
0xc1: {  	s30 =	sld [smem:$0x0];
	_ =	sdelay $0x2  }
0xc2: {  	s31 =	sshll.u32 s1, $0xD;
	s1 =	sshrl.u32 s1, $0x2  }
0xc3: {  	s3 =	sand.u32 $0x4000, s31;
	s1 =	sadd.s32 s1, s30  }
0xc4: {  	s0 =	sor.u32 s3, s0;
	s1 =	sshll.u32 s1, $0x11  }
0xc5: {  	s0 =	sor.u32 s1, s0  }
0xc6: {  	s0 =	sadd.s32 $0x8F2B, s0  }
0xc7: {  	[sflag:s0] =	ssyncadd.remote.s32 $0x1  }
0xc8: {  	_ =	sfence.sel $0xFFFF  }
0xc9: {  	[dreg:$0x0] =	wrdreg $0xFFFFFFFF;
	(pc) =	sbr.abs _section_cstart, $3  }
0xca: {  	[dreg:$0x1] =	wrdreg $0xFFFFFFFF  }
0xcb: {  	_ =	task.clear_ibuf [dreg:s10], $0x2FFFF;
	_ =	strace $0x9FFFFFFF  }
0xcc: {  	(tm) =	ssettm $0x7FFFFFFF  }
0xcd: {  	_ =	shalt  }
tec
execute0_lowered:
.L_overlay_start_1:
0x0: {  	(tag) =	ssettag $0x1  }
0x1: {  	s4 =	rddreg [dreg:$0x0]  }
0x2: {  	s5 =	rddreg [dreg:$0x1]  }
0x3: {  	s1 =	rddreg [dreg:$0x2]  }
0x4: {  	s6 =	rddreg [dreg:$0x3]  }
0x5: {  	s2 =	rddreg [dreg:$0x4]  }
0x6: {  	s0 =	rddreg [dreg:$0x5];
	s3 =	simm.s32 $0x0;
	s7 =	srdreg.scid  }
0x7: {  	s8 =	stileid.u32;
	[smem:$0x7FF] =	sst s3;
	s7 =	sand.u32 $0x1, s7  }
0x8: {  	s11 =	sshll.u32 s8, $0xB;
	p0 =	sne.s32 s8, $0x0;
	s9 =	ssub.s32 $0x2, s7  }
0x9: {  	s10 =	sshll.u32 s7, $0xF;
	_ =	strace $0x80000047;
	s7 =	sshll.u32 s7, $0x4  }
0xa: {  	s8 =	sshrl.u32 @!p0 s2, $0x3;
	s12 =	sshrl.u32 s9, $0x1;
	s10 =	sor.u32 s11, s10  }
0xb: {  	s6 =	sadd.s32 s6, s7;
	s11 =	simm.s32 $0x50;
	s9 =	ssub.s32 s9, s12  }
0xc: {  	s4 =	sadd.s32 s4, s10;
	s5 =	sadd.s32 s5, s10;
	s10 =	simm.s32 $0x4000  }
0xd: {  	s12 =	simm.s32 $0x0;
	s7 =	smax.u32 s9, $0x1;
	s9 =	simm.s32 $0x1  }
.LBB2_1:
0xe: {  	s13 =	simm.s32 @!p0 $0x1C01  }
0xf: {  	[spmem:s8], [sflag:s13] =	dma.local @!p0 [hbm:s1], $0x4F0  }
0x10: {  	s13 =	simm.s32 @!p0 $0x1  }
0x11: {  	_ =	swait.ge @!p0 [sflag:s13], $0x4F0  }
0x12: {  	[sflag:s13] =	ssyncset.done @!p0 $0x0  }
0x13: {  	[sflag:s13] =	ssyncadd.s32 @!p0 $0xFFFFFB10  }
0x14: {  	[bflag:$0x0] =	sbarrier.arrive $0xFFFF  }
0x15: {  	[tilespmem:s3], [sflag:$0x1] =	stream.linear.gather [hbm4b:s4+s3], $0x3E80, $0x38;
	[tilespmem:$0x8278] =	vst v63  }
0x16: {  	_ =	swait.ge [sflag:s9], $0x3E80  }
0x17: {  	[sflag:s9] =	ssyncset.done $0x0  }
0x18: {  	[sflag:s9] =	ssyncadd.s32 $0xFFFFC180  }
0x19: {  	[tilespmem:s10], [sflag:$0x1] =	stream.linear.gather [hbm4b:s5+s3], $0x3E80, $0x38;
	[tilespmem:$0x8278] =	vst v63  }
0x1a: {  	_ =	swait.ge [sflag:s9], $0x3E80  }
0x1b: {  	[sflag:s9] =	ssyncset.done $0x0  }
0x1c: {  	s31 =	simm.s32 $0x0;
	s14 =	simm.s32 $0x4000;
	[sflag:s9] =	ssyncadd.s32 $0xFFFFC180  }
0x1d: {  	[spmem:s2] =	stream.indirect.scatter.add.f32 [tilespmem:s14], [sflag:$0x1], $0x1, s31, s11, $0xb8;
	[tilespmem:$0x8278] =	vst v63  }
0x1e: {  	s13 =	simm.s32 $0x200;
	_ =	swait.ge [sflag:s9], $0x50  }
.LBB2_2:
0x1f: {  	s14 =	sshra.s32 s13, $0x2;
	[sflag:s9] =	ssyncset.done $0x0;
	p1 =	sne.s32 s13, $0xF800  }
.Ltmp0:
0x20: {  	s15 =	sadd.s32 $0x4000, s14;
	[sflag:s9] =	ssyncadd.s32 $0xFFFFFFB0;
	(pc) =	sbr.rel @p1 .LBB2_2-.Ltmp0, $3  }
0x21: {  	[spmem:s2] =	stream.indirect.scatter.add.f32 [tilespmem:s15], [sflag:$0x1], $0x1, s14, s11, $0xb8;
	[tilespmem:$0x8278] =	vst v63  }
0x22: {  	s13 =	sadd.s32 $0x200, s13;
	_ =	sdelay $0x1  }
0x23: {  	_ =	swait.ge [sflag:s9], $0x50  }
0x24: {  	[sflag:s9] =	ssyncset.done $0x0  }
0x25: {  	s13 =	simm.s32 @!p0 $0x1;
	s14 =	simm.s32 @!p0 $0x20;
	s12 =	sadd.s32 $0x1, s12  }
0x26: {  	s15 =	simm.s32 @!p0 $0x10;
	[sflag:s9] =	ssyncadd.s32 $0xFFFFFFB0;
	p1 =	sne.s32 s12, s7  }
.Ltmp1:
0x27: {  	s16 =	simm.s32 @!p0 $0x1C01;
	[bflag:$0x0] =	sbarrier.arrive $0xFFFF;
	(pc) =	sbr.rel @p1 .LBB2_1-.Ltmp1, $4  }
0x28: {  	[hbm:s6@s14], [sflag:s16] =	dma.strided @!p0 [spmem:s8@s15], $0x4F0, s13, $0x10   }
0x29: {  	_ =	swait.ge @!p0 [sflag:s13], $0x4F0  }
0x2a: {  	[sflag:s13] =	ssyncset.done @!p0 $0x0  }
0x2b: {  	[sflag:s13] =	ssyncadd.s32 @!p0 $0xFFFFFB10  }
0x2c: {  	_ =	sfence.sel $0x180000  }
0x2d: {  	[bflag:$0x0] =	sbarrier.arrive $0xFFFF  }
0x2e: {  	_ =	strace $0x90000047  }
0x2f: {  	s0 =	sadd.s32 @!p0 $0x100000, s0;
	[bflag:$0x2] =	sbarrier.arrive $0xFFFF  }
0x30: {  	[sflag:s0] =	ssyncadd.tile.s32 @!p0 $0x1;
	_ =	shalt  }
.Lfunc_end2:
_tile_overlayer_lowered:
.L_overlay_start_2:
0x31: {  	(tag) =	ssettag $0x2  }
0x32: {  	s0 =	rddreg [dreg:$0x0];
	s2 =	stileid.u32  }
0x33: {  	s1 =	rddreg [dreg:$0x1];
	p0 =	sne.s32 s2, $0x0  }
0x34: {  	s3 =	rddreg [dreg:$0x2];
	[bflag:$0x3] =	sbarrier.arrive $0xFFFF;
	s2 =	simm.s32 @!p0 $0x1C01  }
0x35: {  	[timem:s3], [sflag:s2] =	dma.local @!p0 [hbm:s0], s1  }
0x36: {  	s0 =	simm.s32 @!p0 $0x1  }
0x37: {  	_ =	swait.ge @!p0 [sflag:s0], s1  }
0x38: {  	s1 =	ssub.s32 @!p0 $0x0, s1;
	[sflag:s0] =	ssyncset.done @!p0 $0x0  }
0x39: {  	[sflag:s0] =	ssyncadd.s32 @!p0 s1  }
0x3a: {  	[bflag:$0x3] =	sbarrier.arrive $0xFFFF  }
0x3b: {  	_ =	shalt  }

// kernel: kernel.9.cloned.1.call-start
scs
__scs_entry_jumppad:
0x0: {  	(pc) =	sbr.rel $0x88, $3  }
0x1: {  	(tag) =	ssettag $0x0;
	lr =	simm.s32 $0x1  }
0x2: {  	[smem:$0x3F98] =	sst lr;
	_ =	strace $0xD0000000  }
0x3: {  	_ = 	snop  }
0x4: {  	_ = 	snop  }
0x5: {  	_ = 	snop  }
0x6: {  	_ = 	snop  }
0x7: {  	_ = 	snop  }
__scs_overlays_trampoline_lowered:
0x8: {  	[smem:$0x3FA7] =	sst s0  }
0x9: {  	[smem:$0x3FA8] =	sst s1  }
0xa: {  	[smem:$0x3FA9] =	sst s2  }
0xb: {  	[smem:$0x3FAA] =	sst s3  }
0xc: {  	[smem:$0x3FAB] =	sst s4  }
0xd: {  	[smem:$0x3FAC] =	sst s5  }
0xe: {  	[smem:$0x3FAD] =	sst s6  }
0xf: {  	[smem:$0x3FAE] =	sst s7  }
0x10: {  	[smem:$0x3FAF] =	sst s8  }
0x11: {  	[smem:$0x3FB0] =	sst s9;
	s0 =	simm.s32 @!p0 $0x0  }
0x12: {  	s1 =	sld [smem:$0x3F96];
	s0 =	simm.s32 @p0 $0x1  }
0x13: {  	[smem:$0x3FB1] =	sst s0;
	s0 =	simm.s32 @!p1 $0x0  }
0x14: {  	s2 =	sld [smem:$0x3F95];
	s0 =	simm.s32 @p1 $0x1  }
0x15: {  	[smem:$0x3FB2] =	sst s0;
	s0 =	simm.s32 @!p2 $0x0  }
0x16: {  	s3 =	sld [smem:$0x3FDB];
	s0 =	simm.s32 @p2 $0x1  }
0x17: {  	s4 =	simm.s32 $0x1BF5;
	[smem:$0x3FB4] =	sst s0  }
0x18: {  	s0 =	sld [smem:$0x3F97];
	_ =	swait.ge [sflag:s4], $0x0  }
0x19: {  	s7 =	sld [smem:$0x3F98]  }
0x1a: {  	s8 =	sadd.s32 $0xFFFFE003, lr  }
0x1b: {  	s9 =	sadd.s32 $0xFFFFFEF7, lr;
	s5 =	simm.s32 $0xFFFFFFFF;
	p2 =	slt.u32 s8, $0xFFFFF086  }
0x1c: {  	p1 =	slt.u32 s9, $0xF7A;
	s5 =	simm.s32 @!p2 $0x0  }
0x1d: {  	s5 =	simm.s32 @p1 $0x1;
	p0 =	seq.s32 s7, s2  }
0x1e: {  	s7 =	smul.u32 @!p0 $0xF7A, s2;
	p2 =	seq.s32 @!p0 s5, $0x0  }
0x1f: {  	s9 =	smul.u32 $0xF7A, s1;
	s8 =	simm.s32 @!p0 $0x1BF5;
	p2 =	por !p2, p0  }
0x20: {  	[sflag:s8] =	ssyncset.s32 @!p0 $0xFFFFF086;
	s6 =	sadd.s32 @!p0 s3, s7;
	s7 =	simm.s32 @!p0 $0x108  }
0x21: {  	s3 =	sadd.s32 s3, s9;
	s6 =	sadd.s32 @!p0 $0x88, s6;
	s7 =	simm.s32 @p2 $0x1082  }
0x22: {  	[simem:s7], [sflag:s8] =	dma.local @!p0 [hbm:s6], $0xF7A  }
0x23: {  	s9 =	sor.u32 $0xD0000000, s2;
	s6 =	simm.s32 $0x108;
	_ =	swait.ge @!p0 [sflag:s8], $0x0  }
0x24: {  	s3 =	sadd.s32 $0x88, s3;
	s6 =	simm.s32 @!p1 $0x1082;
	[sflag:s4] =	ssyncset.s32 $0xFFFFF086  }
0x25: {  	[simem:s6], [sflag:s4] =	dma.local [hbm:s3], $0xF7A  }
0x26: {  	[smem:$0x3F98] =	sst s1;
	(tag) =	ssettag s2;
	_ =	strace s9  }
0x27: {  	s1 =	sld [smem:$0x3FA8]  }
0x28: {  	s2 =	sld [smem:$0x3FA9]  }
0x29: {  	s4 =	sld [smem:$0x3FAB]  }
0x2a: {  	p0 =	seq.s32 s5, $0x0;
	s5 =	sld [smem:$0x3FAC]  }
0x2b: {  	s6 =	sld [smem:$0x3FAD]  }
0x2c: {  	s7 =	sld [smem:$0x3FAE]  }
0x2d: {  	s3 =	simm.s32 $0x108;
	s8 =	sld [smem:$0x3FAF]  }
0x2e: {  	s3 =	simm.s32 @!p0 $0x1082;
	s9 =	sld [smem:$0x3FB0]  }
0x2f: {  	lr =	sadd.s32 s0, s3;
	s0 =	sld [smem:$0x3FA7]  }
0x30: {  	s3 =	sld [smem:$0x3FAA]  }
0x31: {  	[smem:$0x3FB3] =	sst s10  }
0x32: {  	s10 =	sld [smem:$0x3FB1];
	_ =	sdelay $0x3  }
0x33: {  	p0 =	seq.s32 s10, $0x1;
	s10 =	sld [smem:$0x3FB3];
	_ =	sdelay $0x3  }
0x34: {  	[smem:$0x3FB3] =	sst s10  }
0x35: {  	s10 =	sld [smem:$0x3FB2];
	_ =	sdelay $0x3  }
0x36: {  	p1 =	seq.s32 s10, $0x1;
	s10 =	sld [smem:$0x3FB3];
	_ =	sdelay $0x3  }
0x37: {  	[smem:$0x3FB3] =	sst s10  }
0x38: {  	s10 =	sld [smem:$0x3FB4]  }
0x39: {  	_ = 	snop;
	(pc) =	sbr.ind lr, $3  }
0x3a: {  	_ = 	snop  }
0x3b: {  	_ = 	snop  }
0x3c: {  	p2 =	seq.s32 s10, $0x1;
	s10 =	sld [smem:$0x3FB3]  }
0x3d: {  	_ =	shalt  }
0x3e: {  	_ =	shalt  }
0x3f: {  	_ =	shalt  }
0x40: {  	_ =	shalt  }
0x41: {  	_ =	shalt  }
0x42: {  	_ =	shalt  }
0x43: {  	_ =	shalt  }
0x44: {  	_ =	shalt  }
0x45: {  	_ =	shalt  }
0x46: {  	_ =	shalt  }
0x47: {  	_ =	shalt  }
0x48: {  	_ =	shalt  }
0x49: {  	_ =	shalt  }
0x4a: {  	_ =	shalt  }
0x4b: {  	_ =	shalt  }
0x4c: {  	_ =	shalt  }
0x4d: {  	_ =	shalt  }
0x4e: {  	_ =	shalt  }
0x4f: {  	_ =	shalt  }
0x50: {  	_ =	shalt  }
0x51: {  	_ =	shalt  }
0x52: {  	_ =	shalt  }
0x53: {  	_ =	shalt  }
0x54: {  	_ =	shalt  }
0x55: {  	_ =	shalt  }
0x56: {  	_ =	shalt  }
0x57: {  	_ =	shalt  }
0x58: {  	_ =	shalt  }
0x59: {  	_ =	shalt  }
0x5a: {  	_ =	shalt  }
0x5b: {  	_ =	shalt  }
0x5c: {  	_ =	shalt  }
0x5d: {  	_ =	shalt  }
0x5e: {  	_ =	shalt  }
0x5f: {  	_ =	shalt  }
0x60: {  	_ =	shalt  }
0x61: {  	_ =	shalt  }
0x62: {  	_ =	shalt  }
0x63: {  	_ =	shalt  }
0x64: {  	_ =	shalt  }
0x65: {  	_ =	shalt  }
0x66: {  	_ =	shalt  }
0x67: {  	_ =	shalt  }
0x68: {  	_ =	shalt  }
0x69: {  	_ =	shalt  }
0x6a: {  	_ =	shalt  }
0x6b: {  	_ =	shalt  }
0x6c: {  	_ =	shalt  }
0x6d: {  	_ =	shalt  }
0x6e: {  	_ =	shalt  }
0x6f: {  	_ =	shalt  }
0x70: {  	_ =	shalt  }
0x71: {  	_ =	shalt  }
0x72: {  	_ =	shalt  }
0x73: {  	_ =	shalt  }
0x74: {  	_ =	shalt  }
0x75: {  	_ =	shalt  }
0x76: {  	_ =	shalt  }
0x77: {  	_ =	shalt  }
0x78: {  	_ =	shalt  }
0x79: {  	_ =	shalt  }
0x7a: {  	_ =	shalt  }
0x7b: {  	_ =	shalt  }
0x7c: {  	_ =	shalt  }
0x7d: {  	_ =	shalt  }
0x7e: {  	_ =	shalt  }
0x7f: {  	_ =	shalt  }
0x80: {  	_ =	shalt  }
0x81: {  	_ =	shalt  }
0x82: {  	_ =	shalt  }
0x83: {  	_ =	shalt  }
0x84: {  	_ =	shalt  }
0x85: {  	_ =	shalt  }
0x86: {  	_ =	shalt  }
0x87: {  	_ =	shalt  }
.Lfunc_end0:
.L_simem_size_0:
called_computation.1_lowered:
.L_overlay_start_0:
0x88: {  	s2 =	sld [smem:$0x3FD9]  }
0x89: {  	s3 =	sld [smem:$0x3FFE];
	_ =	sdelay $0x1  }
0x8a: {  	s1 =	srdreg.scid  }
0x8b: {  	s0 =	sand.u32 $0x1, s1  }
0x8c: {  	s14 =	sshll.u32 s0, $0xA;
	s2 =	sadd.s32 s3, s2  }
0x8d: {  	s2 =	sadd.s32 s2, s14  }
0x8e: {  	[smem:$0x3FBF] =	sst s2  }
0x8f: {  	_ = 	snop  }
0x90: {  	s2 =	sld [smem:$0x3FD0];
	_ =	sdelay $0x2  }
0x91: {  	s15 =	simm.s32 $0xA;
	s4 =	simm.s32 $0x10  }
0x92: {  	[smem:s4], [sflag:s15] =	dma.local [hbm:s2], $0x1  }
0x93: {  	_ =	swait.eq [sflag:s15], $0x1  }
0x94: {  	[sflag:s15] =	ssyncset.done $0x0  }
0x95: {  	s16 =	sld [smem:$0x10];
	[sflag:s15] =	ssyncadd.s32 $0xFFFFFFFF  }
0x96: {  	s17 =	sld [smem:$0x14];
	(tm) =	ssettm $0x1  }
0x97: {  	s18 =	sld [smem:$0x3FFB];
	_ =	sdelay $0x3  }
0x98: {  	_ =	strace s18  }
0x99: {  	s4 =	sld [smem:$0x3FFC];
	_ =	sdelay $0x3  }
0x9a: {  	_ =	strace s4  }
0x9b: {  	s4 =	sld [smem:$0x3FFD];
	_ =	sdelay $0x3  }
0x9c: {  	_ =	strace s4  }
0x9d: {  	_ =	strace $0x8FFFFFFF  }
0x9e: {  	s19 =	sld [smem:$0x3FDB];
	_ =	sdelay $0x1  }
0x9f: {  	s5 =	simm.s32 $_scs_section_size  }
0xa0: {  	s6 =	simm.s32 $_size__tile_overlayer_lowered;
	s7 =	simm.s32 $_tile_overlayer_lowered  }
0xa1: {  	s22 =	simm.s32 $0x1BFF;
	s21 =	sshll.u32 s7, $0x1;
	s4 =	sadd.s32 s5, s19  }
0xa2: {  	s8 =	simm.s32 $0x0;
	s20 =	sshll.u32 s6, $0x1;
	s6 =	sadd.s32 s21, s4  }
0xa3: {  	[timem:s8], [sflag:s22] =	dma.local [hbm:s6], s20  }
0xa4: {  	_ =	swait.ge [sflag:s22], s20  }
0xa5: {  	s5 =	ssub.s32 $0x0, s20;
	[sflag:s22] =	ssyncset.done $0x0  }
0xa6: {  	[sflag:s22] =	ssyncadd.s32 s5;
	_ =	sdelay $0x1  }
0xa7: {  	s23 =	simm.s32 $0x1B8B  }
0xa8: {  	_ =	swait.ge [sflag:s23], $0x1  }
0xa9: {  	[sflag:s23] =	ssyncset.done $0x0  }
0xaa: {  	s25 =	simm.s32 $0x1B8E;
	s24 =	sld [smem:$0x3FFE];
	[sflag:s23] =	ssyncadd.s32 $0xFFFFFFFF  }
0xab: {  	s26 =	simm.s32 $execute0_lowered;
	[smem:$0x3FD2] =	sst s25  }
0xac: {  	s6 =	sshll.u32 s26, $0x1;
	_ =	strace $0x80000049;
	[dreg:$0x1] =	wrdreg $0xFFFFFFFF  }
0xad: {  	s28 =	simm.s32 $_size_execute0_lowered;
	s4 =	sadd.s32 s4, s6;
	[dreg:$0x0] =	wrdreg $0x0  }
0xae: {  	s6 =	sshll.u32 s28, $0x1;
	[dreg:$0x2] =	wrdreg s4  }
0xaf: {  	[dreg:$0x3] =	wrdreg s6  }
0xb0: {  	[dreg:$0x4] =	wrdreg $0xC0  }
0xb1: {  	_ =	task [dreg:s8], $0x5FFFF  }
0xb2: {  	[dreg:$0x1] =	wrdreg $0xFFFFFFFF  }
0xb3: {  	[dreg:$0x0] =	wrdreg $0x60  }
0xb4: {  	[dreg:$0x2] =	wrdreg s24  }
0xb5: {  	[dreg:$0x3] =	wrdreg s16  }
0xb6: {  	[dreg:$0x4] =	wrdreg s17  }
0xb7: {  	[dreg:$0x5] =	wrdreg $0x80000  }
0xb8: {  	[dreg:$0x6] =	wrdreg $0x9  }
0xb9: {  	_ =	task.clear_ibuf [dreg:s8], $0x7FFFF;
	_ =	strace $0x90000049  }
0xba: {  	s29 =	simm.s32 $0x9;
	_ =	strace $0x8000004B  }
0xbb: {  	_ =	swait.ge [sflag:s29], $0x1  }
0xbc: {  	[sflag:s29] =	ssyncadd.s32 $0xFFFFFFFF  }
0xbd: {  	_ =	strace $0x9000004B  }
0xbe: {  	_ =	sfence  }
0xbf: {  	s30 =	sld [smem:$0x0];
	_ =	sdelay $0x2  }
0xc0: {  	s31 =	sshll.u32 s1, $0xD;
	s1 =	sshrl.u32 s1, $0x2  }
0xc1: {  	s3 =	sand.u32 $0x4000, s31;
	s1 =	sadd.s32 s1, s30  }
0xc2: {  	s0 =	sor.u32 s3, s0;
	s1 =	sshll.u32 s1, $0x11  }
0xc3: {  	s0 =	sor.u32 s1, s0  }
0xc4: {  	s0 =	sadd.s32 $0x8F2B, s0  }
0xc5: {  	[sflag:s0] =	ssyncadd.remote.s32 $0x1  }
0xc6: {  	_ =	sfence.sel $0xFFFF  }
0xc7: {  	[dreg:$0x0] =	wrdreg $0xFFFFFFFF;
	(pc) =	sbr.abs _section_cstart, $3  }
0xc8: {  	[dreg:$0x1] =	wrdreg $0xFFFFFFFF  }
0xc9: {  	_ =	task.clear_ibuf [dreg:s8], $0x2FFFF;
	_ =	strace $0x9FFFFFFF  }
0xca: {  	(tm) =	ssettm $0x7FFFFFFF  }
0xcb: {  	_ =	shalt  }
tec
execute0_lowered:
.L_overlay_start_1:
0x0: {  	(tag) =	ssettag $0x1  }
0x1: {  	s6 =	rddreg [dreg:$0x0]  }
0x2: {  	s1 =	rddreg [dreg:$0x1]  }
0x3: {  	s0 =	srdreg.scid;
	s3 =	rddreg [dreg:$0x2]  }
0x4: {  	s4 =	rddreg [dreg:$0x3];
	s5 =	simm.s32 $0x0;
	s15 =	simm.s32 $0x1000  }
0x5: {  	s16 =	simm.s32 $0x2000;
	s7 =	sand.u32 $0x1, s0;
	s0 =	stileid.u32  }
0x6: {  	s17 =	simm.s32 $0x50;
	s18 =	simm.s32 $0x5780;
	s20 =	smul.u32 $0x2800, s0  }
0x7: {  	s19 =	simm.s32 $0x1;
	[smem:$0x7FF] =	sst s5;
	s9 =	smul.u32 $0x28000, s7  }
0x8: {  	s2 =	sshll.u32 s7, $0x4;
	s7 =	ssub.s32 $0x2, s7;
	s28 =	smul.u32 $0x50000, s0  }
0x9: {  	s31 =	sshll.u32 s0, $0x6;
	s8 =	sor.u32 s0, s2;
	s2 =	rddreg [dreg:$0x4]  }
0xa: {  	_ =	strace $0x8000004A;
	s29 =	sshrl.u32 s7, $0x1;
	s8 =	smul.u32 $0xA00, s8  }
0xb: {  	s11 =	sadd.s32 s20, s6;
	s12 =	sadd.s32 s9, s6;
	s30 =	sshrl.u32 s28, $0x2  }
0xc: {  	s13 =	ssub.s32 s7, s29;
	s7 =	sor.u32 $0x1C02, s31;
	s14 =	sadd.s32 s30, s4  }
0xd: {  	s21 =	sadd.s32 $0x65800, s12;
	s10 =	sadd.s32 s8, s6;
	s6 =	sadd.s32 $0x3D800, s11  }
0xe: {  	s11 =	smax.u32 s13, $0x1;
	s12 =	sshrl.u32 s14, $0x3;
	s13 =	simm.s32 $0x2  }
0xf: {  	s14 =	simm.s32 $0x3000;
	s20 =	sadd.s32 s20, s21;
	s21 =	simm.s32 $0x0  }
0x10: {  	s8 =	sadd.s32 $0x29800, s10;
	s9 =	sadd.s32 $0x1800, s10;
	s10 =	sadd.s32 $0x15800, s10  }
.LBB2_1:
0x11: {  	[spmem:s12], [sflag:s7] =	dma.local [hbm:s6], $0x2800  }
0x12: {  	_ =	swait.ge [sflag:s13], $0x2800  }
0x13: {  	[sflag:s13] =	ssyncset.done $0x0  }
0x14: {  	[sflag:s13] =	ssyncadd.s32 $0xFFFFD800  }
0x15: {  	[tilespmem:s14], [sflag:$0x2] =	stream.linear.gather [hbm4b:s3+s5], $0x2780, $0x38;
	[tilespmem:$0x1C000] =	vst v63  }
0x16: {  	_ =	swait.ge [sflag:s13], $0x2780  }
0x17: {  	[sflag:s13] =	ssyncset.done $0x0  }
0x18: {  	[sflag:s13] =	ssyncadd.s32 $0xFFFFD880  }
0x19: {  	s22 =	simm.s32 $0x0;
	[bflag:$0x0] =	sbarrier.arrive $0xFFFF  }
.LBB2_2:
0x1a: {  	s24 =	sshll.u32 s22, $0x9  }
0x1b: {  	s23 =	simm.s32 $0x0;
	s25 =	sadd.s32 s24, s8  }
0x1c: {  	[tilespmem:s23], [sflag:$0x2] =	stream.linear.gather [hbm4b:s25+s23], $0xC80, $0x38;
	[tilespmem:$0x1C000] =	vst v63  }
0x1d: {  	_ =	swait.ge [sflag:s13], $0xC80  }
0x1e: {  	[sflag:s13] =	ssyncset.done $0x0  }
0x1f: {  	s31 =	sadd.s32 s24, s9;
	[sflag:s13] =	ssyncadd.s32 $0xFFFFF380  }
0x20: {  	[tilespmem:s15], [sflag:$0x2] =	stream.linear.gather [hbm4b:s31+s23], $0xC80, $0x38;
	[tilespmem:$0x1C000] =	vst v63  }
0x21: {  	_ =	swait.ge [sflag:s13], $0xC80  }
0x22: {  	[sflag:s13] =	ssyncset.done $0x0  }
0x23: {  	s24 =	sadd.s32 s24, s10;
	[sflag:s13] =	ssyncadd.s32 $0xFFFFF380  }
0x24: {  	[tilespmem:s16], [sflag:$0x2] =	stream.linear.gather [hbm4b:s24+s23], $0xC80, $0x38;
	[tilespmem:$0x1C000] =	vst v63  }
0x25: {  	_ =	swait.ge [sflag:s13], $0xC80  }
0x26: {  	[sflag:s13] =	ssyncset.done $0x0  }
0x27: {  	[sflag:s13] =	ssyncadd.s32 $0xFFFFF380  }
.LBB2_3:
0x28: {  	s25 =	sshll.u32 s23, $0x7  }
0x29: {  	[tilespmem:s18], [sflag:$0x1] =	stream.indirect.gather [hbm4b:s1+s17], $0x80, s25, s17, $0xb8;
	[tilespmem:$0x1C000] =	vst v63  }
0x2a: {  	_ =	swait.ge [sflag:s19], $0x2800  }
0x2b: {  	[sflag:s19] =	ssyncset.done $0x0  }
0x2c: {  	[sflag:s19] =	ssyncadd.s32 $0xFFFFD800  }
0x2d: {  	v0 =	vld [tilespmem:s25+$0x1000];
	_ =	sdelay $0x6  }
0x2e: {  	v1 =	vld [tilespmem:s25+$0x2000]  }
0x2f: {  	v0 =	vld.idx.msk [tilespmem:v0+s14+$0x0], $0xffff;
	_ =	sdelay $0x4  }
0x30: {  	v0 =	vmul.f32 v1, v0;
	_ =	sdelay $0x1  }
0x31: {  	[tilespmem:$0x7F80] =	vst v0  }
0x32: {  	v0 =	vld [tilespmem:s25+$0x1010];
	_ =	sdelay $0x6  }
0x33: {  	v1 =	vld [tilespmem:s25+$0x2010]  }
0x34: {  	v0 =	vld.idx.msk [tilespmem:v0+s14+$0x0], $0xffff;
	_ =	sdelay $0x4  }
0x35: {  	v0 =	vmul.f32 v1, v0;
	_ =	sdelay $0x1  }
0x36: {  	[tilespmem:$0x7F90] =	vst v0  }
0x37: {  	v0 =	vld [tilespmem:s25+$0x1020];
	_ =	sdelay $0x6  }
0x38: {  	v1 =	vld [tilespmem:s25+$0x2020]  }
0x39: {  	v0 =	vld.idx.msk [tilespmem:v0+s14+$0x0], $0xffff;
	_ =	sdelay $0x4  }
0x3a: {  	v0 =	vmul.f32 v1, v0;
	_ =	sdelay $0x1  }
0x3b: {  	[tilespmem:$0x7FA0] =	vst v0  }
0x3c: {  	v0 =	vld [tilespmem:s25+$0x1030];
	_ =	sdelay $0x6  }
0x3d: {  	v1 =	vld [tilespmem:s25+$0x2030]  }
0x3e: {  	v0 =	vld.idx.msk [tilespmem:v0+s14+$0x0], $0xffff;
	_ =	sdelay $0x4  }
0x3f: {  	v0 =	vmul.f32 v1, v0;
	_ =	sdelay $0x1  }
0x40: {  	[tilespmem:$0x7FB0] =	vst v0  }
0x41: {  	v0 =	vld [tilespmem:s25+$0x1040];
	_ =	sdelay $0x6  }
0x42: {  	v1 =	vld [tilespmem:s25+$0x2040]  }
0x43: {  	v0 =	vld.idx.msk [tilespmem:v0+s14+$0x0], $0xffff;
	_ =	sdelay $0x4  }
0x44: {  	v0 =	vmul.f32 v1, v0  }
0x45: {  	s24 =	simm.s32 $0x0  }
0x46: {  	s26 =	simm.s32 $0x0;
	s24 =	sand.u32 $0x3FFFFFF0, s24;
	[tilespmem:$0x7FC0] =	vst v0  }
0x47: {  	v0 =	vld [tilespmem:s24+$0x7F80];
	s24 =	sand.u32 $0x3FFFF800, s26  }
0x48: {  	v6 =	vld [tilespmem:s24+$0x5840]  }
0x49: {  	v2 =	vld [tilespmem:s24+$0x57A0]  }
0x4a: {  	v3 =	vld [tilespmem:s24+$0x57B0]  }
0x4b: {  	v9 =	vld [tilespmem:s24+$0x57E0]  }
0x4c: {  	v10 =	vld [tilespmem:s24+$0x57F0];
	v1 =	vbroadcast v0, $0x0  }
0x4d: {  	v11 =	vld [tilespmem:s24+$0x5800]  }
0x4e: {  	v12 =	vld [tilespmem:s24+$0x5810];
	v2 =	vmul.f32 v2, v1  }
0x4f: {  	v13 =	vld [tilespmem:s24+$0x5820];
	v3 =	vmul.f32 v3, v1  }
0x50: {  	v8 =	vld [tilespmem:s24+$0x5830];
	v28 =	vbroadcast v0, $0x1;
	v27 =	vmul.f32 v9, v1;
	[tilespmem:s24+$0x57A0] =	vst v2  }
0x51: {  	v7 =	vld [tilespmem:s24+$0x5850];
	v10 =	vmul.f32 v10, v1;
	[tilespmem:s24+$0x57B0] =	vst v3  }
0x52: {  	v5 =	vld [tilespmem:s24+$0x5CF0];
	v11 =	vmul.f32 v11, v28;
	[tilespmem:s24+$0x57E0] =	vst v27  }
0x53: {  	v30 =	vld [tilespmem:s24+$0x5870];
	v12 =	vmul.f32 v12, v28;
	[tilespmem:s24+$0x57F0] =	vst v10  }
0x54: {  	v31 =	vld [tilespmem:s24+$0x5880];
	v13 =	vmul.f32 v13, v28;
	[tilespmem:s24+$0x5800] =	vst v11  }
0x55: {  	v32 =	vld [tilespmem:s24+$0x5890];
	v8 =	vmul.f32 v8, v28;
	[tilespmem:s24+$0x5810] =	vst v12  }
0x56: {  	v29 =	vld [tilespmem:s24+$0x5860];
	v6 =	vmul.f32 v6, v28;
	[tilespmem:s24+$0x5820] =	vst v13  }
0x57: {  	v33 =	vld [tilespmem:s24+$0x58A0];
	v14 =	vbroadcast v0, $0x2;
	v7 =	vmul.f32 v7, v28;
	[tilespmem:s24+$0x5830] =	vst v8  }
0x58: {  	v34 =	vld [tilespmem:s24+$0x58B0];
	v9 =	vmul.f32 v30, v28;
	[tilespmem:s24+$0x5840] =	vst v6  }
0x59: {  	v35 =	vld [tilespmem:s24+$0x58C0];
	v4 =	vbroadcast v0, $0xA;
	v37 =	vmul.f32 v31, v14;
	[tilespmem:s24+$0x5850] =	vst v7  }
0x5a: {  	v36 =	vld [tilespmem:s24+$0x58D0];
	v39 =	vmul.f32 v32, v14;
	[tilespmem:s24+$0x5870] =	vst v9  }
0x5b: {  	v38 =	vld [tilespmem:s24+$0x58E0];
	v2 =	vmul.f32 v5, v4;
	[tilespmem:s24+$0x5880] =	vst v37  }
0x5c: {  	v40 =	vld [tilespmem:s24+$0x58F0];
	v10 =	vmul.f32 v29, v28;
	[tilespmem:s24+$0x5890] =	vst v39  }
0x5d: {  	v41 =	vld [tilespmem:s24+$0x5900];
	v8 =	vmul.f32 v33, v14;
	[tilespmem:s24+$0x5CF0] =	vst v2  }
0x5e: {  	v42 =	vld [tilespmem:s24+$0x5910];
	v6 =	vmul.f32 v34, v14;
	[tilespmem:s24+$0x5860] =	vst v10  }
0x5f: {  	v43 =	vld [tilespmem:s24+$0x5920];
	v7 =	vmul.f32 v35, v14;
	[tilespmem:s24+$0x58A0] =	vst v8  }
0x60: {  	v44 =	vld [tilespmem:s24+$0x5930];
	v46 =	vbroadcast v0, $0x3;
	v9 =	vmul.f32 v38, v14;
	[tilespmem:s24+$0x58B0] =	vst v6  }
0x61: {  	v45 =	vld [tilespmem:s24+$0x5940];
	v11 =	vmul.f32 v40, v14;
	[tilespmem:s24+$0x58C0] =	vst v7  }
0x62: {  	v47 =	vld [tilespmem:s24+$0x5950];
	v12 =	vmul.f32 v41, v46;
	[tilespmem:s24+$0x58E0] =	vst v9  }
0x63: {  	v48 =	vld [tilespmem:s24+$0x5960];
	v10 =	vmul.f32 v36, v14;
	[tilespmem:s24+$0x58F0] =	vst v11  }
0x64: {  	v49 =	vld [tilespmem:s24+$0x5970];
	v8 =	vmul.f32 v42, v46;
	[tilespmem:s24+$0x5900] =	vst v12  }
0x65: {  	v50 =	vld [tilespmem:s24+$0x5980];
	v6 =	vmul.f32 v43, v46;
	[tilespmem:s24+$0x58D0] =	vst v10  }
0x66: {  	v51 =	vld [tilespmem:s24+$0x5990];
	v7 =	vmul.f32 v44, v46;
	[tilespmem:s24+$0x5910] =	vst v8  }
0x67: {  	v52 =	vld [tilespmem:s24+$0x59A0];
	v9 =	vmul.f32 v47, v46;
	[tilespmem:s24+$0x5920] =	vst v6  }
0x68: {  	v53 =	vld [tilespmem:s24+$0x59B0];
	v11 =	vmul.f32 v48, v46;
	[tilespmem:s24+$0x5930] =	vst v7  }
0x69: {  	v54 =	vld [tilespmem:s24+$0x59C0];
	v55 =	vbroadcast v0, $0x4;
	v12 =	vmul.f32 v49, v46;
	[tilespmem:s24+$0x5950] =	vst v9  }
0x6a: {  	v56 =	vld [tilespmem:s24+$0x59D0];
	v10 =	vmul.f32 v45, v46;
	[tilespmem:s24+$0x5960] =	vst v11  }
0x6b: {  	v57 =	vld [tilespmem:s24+$0x59E0];
	v8 =	vmul.f32 v50, v55;
	[tilespmem:s24+$0x5970] =	vst v12  }
0x6c: {  	v58 =	vld [tilespmem:s24+$0x59F0];
	v6 =	vmul.f32 v51, v55;
	[tilespmem:s24+$0x5940] =	vst v10  }
0x6d: {  	v59 =	vld [tilespmem:s24+$0x5A00];
	v7 =	vmul.f32 v52, v55;
	[tilespmem:s24+$0x5980] =	vst v8  }
0x6e: {  	v60 =	vld [tilespmem:s24+$0x5A10];
	v9 =	vmul.f32 v54, v55;
	[tilespmem:s24+$0x5990] =	vst v6  }
0x6f: {  	v61 =	vld [tilespmem:s24+$0x5A20];
	v11 =	vmul.f32 v56, v55;
	[tilespmem:s24+$0x59A0] =	vst v7  }
0x70: {  	v62 =	vld [tilespmem:s24+$0x5A30];
	v12 =	vmul.f32 v57, v55;
	[tilespmem:s24+$0x59C0] =	vst v9  }
0x71: {  	v63 =	vld [tilespmem:s24+$0x5A40];
	v16 =	vbroadcast v0, $0x5;
	v10 =	vmul.f32 v53, v55;
	[tilespmem:s24+$0x59D0] =	vst v11  }
0x72: {  	v17 =	vld [tilespmem:s24+$0x5A50];
	v8 =	vmul.f32 v58, v55;
	[tilespmem:s24+$0x59E0] =	vst v12  }
0x73: {  	v18 =	vld [tilespmem:s24+$0x5A60];
	v6 =	vmul.f32 v59, v16;
	[tilespmem:s24+$0x59B0] =	vst v10  }
0x74: {  	v19 =	vld [tilespmem:s24+$0x5A70];
	v7 =	vmul.f32 v60, v16;
	[tilespmem:s24+$0x59F0] =	vst v8  }
0x75: {  	v20 =	vld [tilespmem:s24+$0x5A80];
	v9 =	vmul.f32 v62, v16;
	[tilespmem:s24+$0x5A00] =	vst v6  }
0x76: {  	v21 =	vld [tilespmem:s24+$0x5A90];
	v11 =	vmul.f32 v63, v16;
	[tilespmem:s24+$0x5A10] =	vst v7  }
0x77: {  	v22 =	vld [tilespmem:s24+$0x5AA0];
	v12 =	vmul.f32 v17, v16;
	[tilespmem:s24+$0x5A30] =	vst v9  }
0x78: {  	v23 =	vld [tilespmem:s24+$0x5AB0];
	v10 =	vmul.f32 v61, v16;
	[tilespmem:s24+$0x5A40] =	vst v11  }
0x79: {  	v24 =	vld [tilespmem:s24+$0x5AC0];
	v25 =	vbroadcast v0, $0x6;
	v8 =	vmul.f32 v18, v16;
	[tilespmem:s24+$0x5A50] =	vst v12  }
0x7a: {  	v56 =	vld [tilespmem:s24+$0x5C80];
	v6 =	vmul.f32 v19, v16;
	[tilespmem:s24+$0x5A20] =	vst v10  }
0x7b: {  	v26 =	vld [tilespmem:s24+$0x5AD0];
	v7 =	vmul.f32 v20, v25;
	[tilespmem:s24+$0x5A60] =	vst v8  }
0x7c: {  	v30 =	vld [tilespmem:s24+$0x5B10];
	v9 =	vmul.f32 v22, v25;
	[tilespmem:s24+$0x5A70] =	vst v6  }
0x7d: {  	v27 =	vld [tilespmem:s24+$0x5AE0];
	v11 =	vmul.f32 v23, v25;
	[tilespmem:s24+$0x5A80] =	vst v7  }
0x7e: {  	v28 =	vld [tilespmem:s24+$0x5AF0];
	v12 =	vmul.f32 v24, v25;
	[tilespmem:s24+$0x5AA0] =	vst v9  }
0x7f: {  	v31 =	vld [tilespmem:s24+$0x5B20];
	v62 =	vmul.f32 v56, v4;
	[tilespmem:s24+$0x5AB0] =	vst v11  }
0x80: {  	v32 =	vld [tilespmem:s24+$0x5B30];
	v10 =	vmul.f32 v21, v25;
	[tilespmem:s24+$0x5AC0] =	vst v12  }
0x81: {  	v3 =	vld [tilespmem:s24+$0x5D00];
	v8 =	vmul.f32 v26, v25;
	[tilespmem:s24+$0x5C80] =	vst v62  }
0x82: {  	v5 =	vld [tilespmem:s24+$0x5D10];
	v34 =	vbroadcast v0, $0x7;
	v6 =	vmul.f32 v27, v25;
	[tilespmem:s24+$0x5A90] =	vst v10  }
0x83: {  	v29 =	vld [tilespmem:s24+$0x5B00];
	v7 =	vmul.f32 v28, v25;
	[tilespmem:s24+$0x5AD0] =	vst v8  }
0x84: {  	v60 =	vld [tilespmem:s24+$0x5CC0];
	v9 =	vmul.f32 v30, v34;
	[tilespmem:s24+$0x5AE0] =	vst v6  }
0x85: {  	v33 =	vld [tilespmem:s24+$0x5B40];
	v24 =	vbroadcast v0, $0xB;
	v11 =	vmul.f32 v31, v34;
	[tilespmem:s24+$0x5AF0] =	vst v7  }
0x86: {  	v35 =	vld [tilespmem:s24+$0x5B50];
	v12 =	vmul.f32 v32, v34;
	[tilespmem:s24+$0x5B10] =	vst v9  }
0x87: {  	v38 =	vld [tilespmem:s24+$0x5B80];
	v3 =	vmul.f32 v3, v24;
	[tilespmem:s24+$0x5B20] =	vst v11  }
0x88: {  	v36 =	vld [tilespmem:s24+$0x5B60];
	v5 =	vmul.f32 v5, v24;
	[tilespmem:s24+$0x5B30] =	vst v12  }
0x89: {  	v2 =	vld [tilespmem:s24+$0x5F50];
	v19 =	vmul.f32 v60, v4;
	[tilespmem:s24+$0x5D00] =	vst v3  }
0x8a: {  	v39 =	vld [tilespmem:s24+$0x5B90];
	v10 =	vmul.f32 v29, v34;
	[tilespmem:s24+$0x5D10] =	vst v5  }
0x8b: {  	v40 =	vld [tilespmem:s24+$0x5BA0];
	v8 =	vmul.f32 v33, v34;
	[tilespmem:s24+$0x5CC0] =	vst v19  }
0x8c: {  	v43 =	vbroadcast v0, $0x8;
	v61 =	vld [tilespmem:s24+$0x5CD0];
	v6 =	vmul.f32 v35, v34;
	[tilespmem:s24+$0x5B00] =	vst v10  }
0x8d: {  	v16 =	vld [tilespmem:s24+$0x5780];
	v7 =	vmul.f32 v36, v34;
	[tilespmem:s24+$0x5B40] =	vst v8  }
0x8e: {  	v37 =	vld [tilespmem:s24+$0x5B70];
	v9 =	vmul.f32 v38, v43;
	[tilespmem:s24+$0x5B50] =	vst v6  }
0x8f: {  	v41 =	vld [tilespmem:s24+$0x5BB0];
	v11 =	vmul.f32 v39, v43;
	[tilespmem:s24+$0x5B60] =	vst v7  }
0x90: {  	v42 =	vld [tilespmem:s24+$0x5BC0];
	v12 =	vmul.f32 v40, v43;
	[tilespmem:s24+$0x5B80] =	vst v9  }
0x91: {  	v44 =	vld [tilespmem:s24+$0x5BD0];
	v21 =	vmul.f32 v61, v4;
	[tilespmem:s24+$0x5B90] =	vst v11  }
0x92: {  	v46 =	vld [tilespmem:s24+$0x5BF0];
	v25 =	vmul.f32 v1, v16;
	[tilespmem:s24+$0x5BA0] =	vst v12  }
0x93: {  	v47 =	vld [tilespmem:s24+$0x5C00];
	v10 =	vmul.f32 v37, v34;
	[tilespmem:s24+$0x5CD0] =	vst v21  }
0x94: {  	v48 =	vld [tilespmem:s24+$0x5C10];
	v8 =	vmul.f32 v41, v43;
	[tilespmem:s24+$0x5780] =	vst v25  }
0x95: {  	v6 =	vmul.f32 v42, v43;
	[tilespmem:s24+$0x5B70] =	vst v10  }
0x96: {  	v52 =	vbroadcast v0, $0x9;
	v27 =	vld [tilespmem:s24+$0x5D50];
	v7 =	vmul.f32 v44, v43;
	[tilespmem:s24+$0x5BB0] =	vst v8  }
0x97: {  	v30 =	vld [tilespmem:s24+$0x5D80];
	v9 =	vmul.f32 v46, v43;
	[tilespmem:s24+$0x5BC0] =	vst v6  }
0x98: {  	v28 =	vld [tilespmem:s24+$0x5D60];
	v3 =	vbroadcast v0, $0xF;
	v11 =	vmul.f32 v47, v52;
	[tilespmem:s24+$0x5BD0] =	vst v7  }
0x99: {  	v45 =	vld [tilespmem:s24+$0x5BE0];
	v12 =	vmul.f32 v48, v52;
	[tilespmem:s24+$0x5BF0] =	vst v9  }
0x9a: {  	v49 =	vld [tilespmem:s24+$0x5C20];
	v35 =	vbroadcast v0, $0xC;
	v2 =	vmul.f32 v2, v3;
	[tilespmem:s24+$0x5C00] =	vst v11  }
0x9b: {  	v50 =	vld [tilespmem:s24+$0x5C30];
	v32 =	vmul.f32 v27, v24;
	[tilespmem:s24+$0x5C10] =	vst v12  }
0x9c: {  	v51 =	vld [tilespmem:s24+$0x5C40];
	v14 =	vmul.f32 v30, v35;
	[tilespmem:s24+$0x5F50] =	vst v2  }
0x9d: {  	v54 =	vld [tilespmem:s24+$0x5C60];
	v40 =	vmul.f32 v28, v24;
	[tilespmem:s24+$0x5D50] =	vst v32  }
0x9e: {  	v55 =	vld [tilespmem:s24+$0x5C70];
	v10 =	vmul.f32 v45, v43;
	[tilespmem:s24+$0x5D80] =	vst v14  }
0x9f: {  	v18 =	vld [tilespmem:s24+$0x57C0];
	v8 =	vmul.f32 v49, v52;
	[tilespmem:s24+$0x5D60] =	vst v40  }
0xa0: {  	v38 =	vld [tilespmem:s24+$0x5DF0];
	v6 =	vmul.f32 v50, v52;
	[tilespmem:s24+$0x5BE0] =	vst v10  }
0xa1: {  	v29 =	vld [tilespmem:s24+$0x5D70];
	v7 =	vmul.f32 v51, v52;
	[tilespmem:s24+$0x5C20] =	vst v8  }
0xa2: {  	v33 =	vld [tilespmem:s24+$0x5DB0];
	v9 =	vmul.f32 v54, v52;
	[tilespmem:s24+$0x5C30] =	vst v6  }
0xa3: {  	v53 =	vld [tilespmem:s24+$0x5C50];
	v11 =	vmul.f32 v55, v52;
	[tilespmem:s24+$0x5C40] =	vst v7  }
0xa4: {  	v57 =	vld [tilespmem:s24+$0x5C90];
	v2 =	vmul.f32 v18, v1;
	[tilespmem:s24+$0x5C60] =	vst v9  }
0xa5: {  	v58 =	vld [tilespmem:s24+$0x5CA0];
	v14 =	vmul.f32 v38, v35;
	[tilespmem:s24+$0x5C70] =	vst v11  }
0xa6: {  	v59 =	vld [tilespmem:s24+$0x5CB0];
	v5 =	vmul.f32 v29, v24;
	[tilespmem:s24+$0x57C0] =	vst v2  }
0xa7: {  	v63 =	vld [tilespmem:s24+$0x5CE0];
	v62 =	vmul.f32 v33, v35;
	[tilespmem:s24+$0x5DF0] =	vst v14  }
0xa8: {  	v17 =	vld [tilespmem:s24+$0x5790];
	v10 =	vmul.f32 v53, v52;
	[tilespmem:s24+$0x5D70] =	vst v5  }
0xa9: {  	v20 =	vld [tilespmem:s24+$0x57D0];
	v8 =	vmul.f32 v57, v4;
	[tilespmem:s24+$0x5DB0] =	vst v62  }
0xaa: {  	v61 =	vld [tilespmem:s24+$0x5F70];
	v6 =	vmul.f32 v58, v4;
	[tilespmem:s24+$0x5C50] =	vst v10  }
0xab: {  	v46 =	vld [tilespmem:s24+$0x5E60];
	v7 =	vmul.f32 v59, v4;
	[tilespmem:s24+$0x5C90] =	vst v8  }
0xac: {  	v22 =	vld [tilespmem:s24+$0x5D20];
	v4 =	vmul.f32 v63, v4;
	[tilespmem:s24+$0x5CA0] =	vst v6  }
0xad: {  	v23 =	vld [tilespmem:s24+$0x5D30];
	v11 =	vmul.f32 v17, v1;
	[tilespmem:s24+$0x5CB0] =	vst v7  }
0xae: {  	v26 =	vld [tilespmem:s24+$0x5D40];
	v44 =	vbroadcast v0, $0xD;
	v1 =	vmul.f32 v20, v1;
	[tilespmem:s24+$0x5CE0] =	vst v4  }
0xaf: {  	v31 =	vld [tilespmem:s24+$0x5D90];
	v63 =	vmul.f32 v61, v3;
	[tilespmem:s24+$0x5790] =	vst v11  }
0xb0: {  	v34 =	vld [tilespmem:s24+$0x5DC0];
	v51 =	vmul.f32 v46, v44;
	[tilespmem:s24+$0x57D0] =	vst v1  }
0xb1: {  	v41 =	vld [tilespmem:s24+$0x5E20];
	v6 =	vmul.f32 v22, v24;
	[tilespmem:s24+$0x5F70] =	vst v63  }
0xb2: {  	v7 =	vmul.f32 v23, v24;
	v1 =	vld [tilespmem:s24+$0x5E10];
	[tilespmem:s24+$0x5E60] =	vst v51  }
0xb3: {  	v49 =	vld [tilespmem:s24+$0x5EA0];
	v4 =	vmul.f32 v26, v24;
	[tilespmem:s24+$0x5D20] =	vst v6  }
0xb4: {  	v50 =	vld [tilespmem:s24+$0x5EB0];
	v8 =	vmul.f32 v31, v35;
	[tilespmem:s24+$0x5D30] =	vst v7  }
0xb5: {  	v36 =	vld [tilespmem:s24+$0x5DD0];
	v11 =	vmul.f32 v34, v35;
	[tilespmem:s24+$0x5D40] =	vst v4  }
0xb6: {  	v37 =	vld [tilespmem:s24+$0x5DE0];
	v0 =	vbroadcast v0, $0xE;
	v10 =	vmul.f32 v41, v44;
	[tilespmem:s24+$0x5D90] =	vst v8  }
0xb7: {  	v39 =	vld [tilespmem:s24+$0x5E00];
	[tilespmem:s24+$0x5DC0] =	vst v11;
	v1 =	vmul.f32 v1, v44  }
0xb8: {  	v42 =	vld [tilespmem:s24+$0x5E30];
	v9 =	vmul.f32 v49, v0;
	[tilespmem:s24+$0x5E20] =	vst v10  }
0xb9: {  	v5 =	vmul.f32 v50, v0;
	[tilespmem:s24+$0x5E10] =	vst v1;
	v1 =	vld [tilespmem:s24+$0x5E80]  }
0xba: {  	v48 =	vld [tilespmem:s24+$0x5E90];
	v7 =	vmul.f32 v36, v35;
	[tilespmem:s24+$0x5EA0] =	vst v9  }
0xbb: {  	v57 =	vld [tilespmem:s24+$0x5F20];
	v4 =	vmul.f32 v37, v35;
	[tilespmem:s24+$0x5EB0] =	vst v5  }
0xbc: {  	v45 =	vld [tilespmem:s24+$0x5E50];
	v8 =	vmul.f32 v39, v44;
	[tilespmem:s24+$0x5DD0] =	vst v7  }
0xbd: {  	v47 =	vld [tilespmem:s24+$0x5E70];
	v11 =	vmul.f32 v42, v44;
	[tilespmem:s24+$0x5DE0] =	vst v4  }
0xbe: {  	v43 =	vld [tilespmem:s24+$0x5E40];
	[tilespmem:s24+$0x5E00] =	vst v8;
	v1 =	vmul.f32 v1, v0  }
0xbf: {  	v55 =	vld [tilespmem:s24+$0x5F00];
	v10 =	vmul.f32 v48, v0;
	[tilespmem:s24+$0x5E30] =	vst v11  }
0xc0: {  	v5 =	vmul.f32 v57, v3;
	[tilespmem:s24+$0x5E80] =	vst v1;
	v1 =	vld [tilespmem:s24+$0x5EF0]  }
0xc1: {  	v52 =	vld [tilespmem:s24+$0x5EC0];
	v4 =	vmul.f32 v45, v44;
	[tilespmem:s24+$0x5E90] =	vst v10  }
0xc2: {  	v56 =	vld [tilespmem:s24+$0x5F10];
	v8 =	vmul.f32 v47, v44;
	[tilespmem:s24+$0x5F20] =	vst v5  }
0xc3: {  	v54 =	vld [tilespmem:s24+$0x5EE0];
	v7 =	vmul.f32 v43, v44;
	[tilespmem:s24+$0x5E50] =	vst v4  }
0xc4: {  	v58 =	vld [tilespmem:s24+$0x5F30];
	v10 =	vmul.f32 v55, v3;
	[tilespmem:s24+$0x5E70] =	vst v8  }
0xc5: {  	v53 =	vld [tilespmem:s24+$0x5ED0];
	[tilespmem:s24+$0x5E40] =	vst v7;
	v1 =	vmul.f32 v1, v0  }
0xc6: {  	v59 =	vld [tilespmem:s24+$0x5F40];
	v4 =	vmul.f32 v52, v0;
	[tilespmem:s24+$0x5F00] =	vst v10  }
0xc7: {  	v60 =	vld [tilespmem:s24+$0x5F60];
	[tilespmem:s24+$0x5EF0] =	vst v1;
	v1 =	vmul.f32 v56, v3  }
0xc8: {  	v8 =	vmul.f32 v54, v0;
	[tilespmem:s24+$0x5EC0] =	vst v4  }
0xc9: {  	v2 =	vld [tilespmem:s24+$0x5DA0];
	[tilespmem:s24+$0x5F10] =	vst v1;
	v1 =	vmul.f32 v58, v3  }
0xca: {  	[tilespmem:s24+$0x5EE0] =	vst v8;
	v0 =	vmul.f32 v53, v0  }
0xcb: {  	[tilespmem:s24+$0x5F30] =	vst v1;
	v1 =	vmul.f32 v59, v3  }
0xcc: {  	[tilespmem:s24+$0x5ED0] =	vst v0;
	v3 =	vmul.f32 v60, v3  }
0xcd: {  	[tilespmem:s24+$0x5F40] =	vst v1  }
0xce: {  	s25 =	sadd.s32 $0x1000, s25;
	s26 =	simm.s32 $0x1;
	v1 =	vmul.f32 v2, v35;
	[tilespmem:s24+$0x5F60] =	vst v3  }
.LBB2_4:
0xcf: {  	s28 =	sshll.u32 s26, $0x4  }
0xd0: {  	p0 =	sne.s32 s26, $0x4;
	[tilespmem:s24+$0x5DA0] =	vst v1;
	s24 =	smov.u32 s26;
	s26 =	sadd.s32 $0x1, s26  }
0xd1: {  	s28 =	sand.u32 $0x3FFFFFF0, s28  }
0xd2: {  	s24 =	sshll.u32 s24, $0xB;
	v0 =	vld [tilespmem:s28+$0x7F80]  }
0xd3: {  	s24 =	sand.u32 $0x3FFFF800, s24  }
0xd4: {  	v7 =	vld [tilespmem:s24+$0x5840]  }
0xd5: {  	v8 =	vld [tilespmem:s24+$0x5850]  }
0xd6: {  	v9 =	vld [tilespmem:s24+$0x5830]  }
0xd7: {  	v1 =	vbroadcast v0, $0x0;
	v2 =	vld [tilespmem:s24+$0x57A0];
	v6 =	vbroadcast v0, $0x4  }
0xd8: {  	v4 =	vld [tilespmem:s24+$0x57B0]  }
0xd9: {  	v5 =	vld [tilespmem:s24+$0x5CF0]  }
0xda: {  	v10 =	vld [tilespmem:s24+$0x57E0]  }
0xdb: {  	v11 =	vld [tilespmem:s24+$0x57F0]  }
0xdc: {  	v3 =	vbroadcast v0, $0xA;
	v2 =	vmul.f32 v2, v1;
	v12 =	vld [tilespmem:s24+$0x5800]  }
0xdd: {  	v4 =	vmul.f32 v4, v1;
	v13 =	vld [tilespmem:s24+$0x5810]  }
0xde: {  	[tilespmem:s24+$0x57A0] =	vst v2;
	v14 =	vld [tilespmem:s24+$0x5820];
	v2 =	vmul.f32 v5, v3  }
0xdf: {  	[tilespmem:s24+$0x57B0] =	vst v4;
	v5 =	vmul.f32 v10, v1;
	v10 =	vbroadcast v0, $0x1;
	v4 =	vld [tilespmem:s24+$0x5D00]  }
0xe0: {  	v11 =	vmul.f32 v11, v1;
	[tilespmem:s24+$0x5CF0] =	vst v2;
	v2 =	vld [tilespmem:s24+$0x5F50]  }
0xe1: {  	[tilespmem:s24+$0x57E0] =	vst v5;
	v12 =	vmul.f32 v12, v10;
	v5 =	vld [tilespmem:s24+$0x5D10]  }
0xe2: {  	[tilespmem:s24+$0x57F0] =	vst v11;
	v11 =	vmul.f32 v13, v10;
	v13 =	vld [tilespmem:s24+$0x5860]  }
0xe3: {  	[tilespmem:s24+$0x5800] =	vst v12;
	v12 =	vmul.f32 v14, v10;
	v14 =	vld [tilespmem:s24+$0x5870]  }
0xe4: {  	v9 =	vmul.f32 v9, v10;
	[tilespmem:s24+$0x5810] =	vst v11;
	v11 =	vld [tilespmem:s24+$0x5880]  }
0xe5: {  	v7 =	vmul.f32 v7, v10;
	[tilespmem:s24+$0x5820] =	vst v12;
	v12 =	vld [tilespmem:s24+$0x5890]  }
0xe6: {  	v8 =	vmul.f32 v8, v10;
	[tilespmem:s24+$0x5830] =	vst v9;
	v9 =	vld [tilespmem:s24+$0x58A0]  }
0xe7: {  	[tilespmem:s24+$0x5840] =	vst v7;
	v7 =	vmul.f32 v13, v10;
	v13 =	vbroadcast v0, $0x2;
	v15 =	vld [tilespmem:s24+$0x58B0]  }
0xe8: {  	[tilespmem:s24+$0x5850] =	vst v8;
	v8 =	vmul.f32 v14, v10;
	v10 =	vld [tilespmem:s24+$0x58C0]  }
0xe9: {  	[tilespmem:s24+$0x5860] =	vst v7;
	v7 =	vmul.f32 v11, v13;
	v11 =	vld [tilespmem:s24+$0x58D0]  }
0xea: {  	[tilespmem:s24+$0x5870] =	vst v8;
	v8 =	vmul.f32 v12, v13;
	v12 =	vld [tilespmem:s24+$0x58E0]  }
0xeb: {  	[tilespmem:s24+$0x5880] =	vst v7;
	v7 =	vmul.f32 v9, v13;
	v9 =	vld [tilespmem:s24+$0x58F0]  }
0xec: {  	[tilespmem:s24+$0x5890] =	vst v8;
	v8 =	vmul.f32 v15, v13;
	v14 =	vld [tilespmem:s24+$0x5900]  }
0xed: {  	[tilespmem:s24+$0x58A0] =	vst v7;
	v7 =	vmul.f32 v10, v13;
	v10 =	vld [tilespmem:s24+$0x5910]  }
0xee: {  	[tilespmem:s24+$0x58B0] =	vst v8;
	v8 =	vmul.f32 v11, v13;
	v11 =	vld [tilespmem:s24+$0x5920]  }
0xef: {  	[tilespmem:s24+$0x58C0] =	vst v7;
	v7 =	vmul.f32 v12, v13;
	v12 =	vbroadcast v0, $0x3;
	v15 =	vld [tilespmem:s24+$0x5930]  }
0xf0: {  	[tilespmem:s24+$0x58D0] =	vst v8;
	v8 =	vmul.f32 v9, v13;
	v9 =	vld [tilespmem:s24+$0x5940]  }
0xf1: {  	[tilespmem:s24+$0x58E0] =	vst v7;
	v7 =	vmul.f32 v14, v12;
	v13 =	vld [tilespmem:s24+$0x5950]  }
0xf2: {  	[tilespmem:s24+$0x58F0] =	vst v8;
	v8 =	vmul.f32 v10, v12;
	v10 =	vld [tilespmem:s24+$0x5960]  }
0xf3: {  	[tilespmem:s24+$0x5900] =	vst v7;
	v7 =	vmul.f32 v11, v12;
	v11 =	vld [tilespmem:s24+$0x5970]  }
0xf4: {  	[tilespmem:s24+$0x5910] =	vst v8;
	v8 =	vmul.f32 v15, v12;
	v14 =	vld [tilespmem:s24+$0x5980]  }
0xf5: {  	[tilespmem:s24+$0x5920] =	vst v7;
	v7 =	vmul.f32 v9, v12;
	v9 =	vld [tilespmem:s24+$0x5990]  }
0xf6: {  	[tilespmem:s24+$0x5930] =	vst v8;
	v8 =	vmul.f32 v13, v12;
	v13 =	vld [tilespmem:s24+$0x59A0]  }
0xf7: {  	[tilespmem:s24+$0x5940] =	vst v7;
	v7 =	vmul.f32 v10, v12;
	v10 =	vld [tilespmem:s24+$0x59B0]  }
0xf8: {  	[tilespmem:s24+$0x5950] =	vst v8;
	v8 =	vmul.f32 v11, v12;
	v11 =	vld [tilespmem:s24+$0x59C0]  }
0xf9: {  	[tilespmem:s24+$0x5960] =	vst v7;
	v7 =	vmul.f32 v14, v6;
	v12 =	vld [tilespmem:s24+$0x59D0]  }
0xfa: {  	[tilespmem:s24+$0x5970] =	vst v8;
	v8 =	vmul.f32 v9, v6;
	v9 =	vld [tilespmem:s24+$0x59E0]  }
0xfb: {  	[tilespmem:s24+$0x5980] =	vst v7;
	v7 =	vmul.f32 v13, v6;
	v13 =	vld [tilespmem:s24+$0x59F0]  }
0xfc: {  	[tilespmem:s24+$0x5990] =	vst v8;
	v8 =	vmul.f32 v10, v6;
	v10 =	vld [tilespmem:s24+$0x5A00]  }
0xfd: {  	[tilespmem:s24+$0x59A0] =	vst v7;
	v7 =	vmul.f32 v11, v6;
	v11 =	vld [tilespmem:s24+$0x5A10]  }
0xfe: {  	[tilespmem:s24+$0x59B0] =	vst v8;
	v8 =	vmul.f32 v12, v6;
	v12 =	vld [tilespmem:s24+$0x5A20]  }
0xff: {  	[tilespmem:s24+$0x59C0] =	vst v7;
	v7 =	vmul.f32 v9, v6;
	v9 =	vbroadcast v0, $0x5;
	v14 =	vld [tilespmem:s24+$0x5A30]  }
0x100: {  	[tilespmem:s24+$0x59D0] =	vst v8;
	v6 =	vmul.f32 v13, v6;
	v8 =	vld [tilespmem:s24+$0x5A40]  }
0x101: {  	[tilespmem:s24+$0x59E0] =	vst v7;
	v7 =	vmul.f32 v10, v9;
	v10 =	vld [tilespmem:s24+$0x5A50]  }
0x102: {  	[tilespmem:s24+$0x59F0] =	vst v6;
	v6 =	vmul.f32 v11, v9;
	v11 =	vld [tilespmem:s24+$0x5A60]  }
0x103: {  	[tilespmem:s24+$0x5A00] =	vst v7;
	v7 =	vmul.f32 v12, v9;
	v12 =	vld [tilespmem:s24+$0x5A70]  }
0x104: {  	[tilespmem:s24+$0x5A10] =	vst v6;
	v6 =	vmul.f32 v14, v9;
	v13 =	vld [tilespmem:s24+$0x5A80]  }
0x105: {  	[tilespmem:s24+$0x5A20] =	vst v7;
	v7 =	vmul.f32 v8, v9;
	v8 =	vld [tilespmem:s24+$0x5A90]  }
0x106: {  	[tilespmem:s24+$0x5A30] =	vst v6;
	v6 =	vmul.f32 v10, v9;
	v10 =	vld [tilespmem:s24+$0x5AA0]  }
0x107: {  	[tilespmem:s24+$0x5A40] =	vst v7;
	v7 =	vmul.f32 v11, v9;
	v11 =	vbroadcast v0, $0x6;
	v14 =	vld [tilespmem:s24+$0x5AB0]  }
0x108: {  	[tilespmem:s24+$0x5A50] =	vst v6;
	v6 =	vmul.f32 v12, v9;
	v9 =	vld [tilespmem:s24+$0x5AC0]  }
0x109: {  	[tilespmem:s24+$0x5A60] =	vst v7;
	v7 =	vmul.f32 v13, v11;
	v12 =	vld [tilespmem:s24+$0x5AD0]  }
0x10a: {  	[tilespmem:s24+$0x5A70] =	vst v6;
	v6 =	vmul.f32 v8, v11;
	v8 =	vld [tilespmem:s24+$0x5AE0]  }
0x10b: {  	[tilespmem:s24+$0x5A80] =	vst v7;
	v7 =	vmul.f32 v10, v11;
	v10 =	vld [tilespmem:s24+$0x5AF0]  }
0x10c: {  	[tilespmem:s24+$0x5A90] =	vst v6;
	v6 =	vmul.f32 v14, v11;
	v13 =	vld [tilespmem:s24+$0x5B00]  }
0x10d: {  	[tilespmem:s24+$0x5AA0] =	vst v7;
	v7 =	vmul.f32 v9, v11;
	v9 =	vld [tilespmem:s24+$0x5B10]  }
0x10e: {  	[tilespmem:s24+$0x5AB0] =	vst v6;
	v6 =	vmul.f32 v12, v11;
	v12 =	vld [tilespmem:s24+$0x5B20]  }
0x10f: {  	[tilespmem:s24+$0x5AC0] =	vst v7;
	v7 =	vmul.f32 v8, v11;
	v8 =	vbroadcast v0, $0x7;
	v14 =	vld [tilespmem:s24+$0x5B30]  }
0x110: {  	[tilespmem:s24+$0x5AD0] =	vst v6;
	v6 =	vmul.f32 v10, v11;
	v10 =	vld [tilespmem:s24+$0x5B40]  }
0x111: {  	[tilespmem:s24+$0x5AE0] =	vst v7;
	v7 =	vmul.f32 v13, v8;
	v11 =	vld [tilespmem:s24+$0x5B50]  }
0x112: {  	[tilespmem:s24+$0x5AF0] =	vst v6;
	v6 =	vmul.f32 v9, v8;
	v9 =	vld [tilespmem:s24+$0x5B60]  }
0x113: {  	[tilespmem:s24+$0x5B00] =	vst v7;
	v7 =	vmul.f32 v12, v8;
	v12 =	vld [tilespmem:s24+$0x5B70]  }
0x114: {  	[tilespmem:s24+$0x5B10] =	vst v6;
	v6 =	vmul.f32 v14, v8;
	v13 =	vld [tilespmem:s24+$0x5B80]  }
0x115: {  	[tilespmem:s24+$0x5B20] =	vst v7;
	v7 =	vmul.f32 v10, v8;
	v10 =	vld [tilespmem:s24+$0x5B90]  }
0x116: {  	[tilespmem:s24+$0x5B30] =	vst v6;
	v6 =	vmul.f32 v11, v8;
	v11 =	vld [tilespmem:s24+$0x5BA0]  }
0x117: {  	[tilespmem:s24+$0x5B40] =	vst v7;
	v7 =	vmul.f32 v9, v8;
	v9 =	vbroadcast v0, $0x8;
	v14 =	vld [tilespmem:s24+$0x5BB0]  }
0x118: {  	[tilespmem:s24+$0x5B50] =	vst v6;
	v6 =	vmul.f32 v12, v8;
	v8 =	vld [tilespmem:s24+$0x5BC0]  }
0x119: {  	[tilespmem:s24+$0x5B60] =	vst v7;
	v7 =	vmul.f32 v13, v9;
	v12 =	vld [tilespmem:s24+$0x5BD0]  }
0x11a: {  	[tilespmem:s24+$0x5B70] =	vst v6;
	v6 =	vmul.f32 v10, v9;
	v10 =	vld [tilespmem:s24+$0x5BE0]  }
0x11b: {  	[tilespmem:s24+$0x5B80] =	vst v7;
	v7 =	vmul.f32 v11, v9;
	v11 =	vld [tilespmem:s24+$0x5BF0]  }
0x11c: {  	[tilespmem:s24+$0x5B90] =	vst v6;
	v6 =	vmul.f32 v14, v9;
	v13 =	vld [tilespmem:s24+$0x5C00]  }
0x11d: {  	[tilespmem:s24+$0x5BA0] =	vst v7;
	v7 =	vmul.f32 v8, v9;
	v8 =	vld [tilespmem:s24+$0x5C10]  }
0x11e: {  	[tilespmem:s24+$0x5BB0] =	vst v6;
	v6 =	vmul.f32 v12, v9;
	v12 =	vld [tilespmem:s24+$0x5C20]  }
0x11f: {  	[tilespmem:s24+$0x5BC0] =	vst v7;
	v7 =	vmul.f32 v10, v9;
	v10 =	vbroadcast v0, $0x9;
	v14 =	vld [tilespmem:s24+$0x5C30]  }
0x120: {  	[tilespmem:s24+$0x5BD0] =	vst v6;
	v6 =	vmul.f32 v11, v9;
	v9 =	vld [tilespmem:s24+$0x5C40]  }
0x121: {  	[tilespmem:s24+$0x5BE0] =	vst v7;
	v7 =	vmul.f32 v13, v10;
	v11 =	vld [tilespmem:s24+$0x5C50]  }
0x122: {  	[tilespmem:s24+$0x5BF0] =	vst v6;
	v6 =	vmul.f32 v8, v10;
	v8 =	vld [tilespmem:s24+$0x5C60]  }
0x123: {  	[tilespmem:s24+$0x5C00] =	vst v7;
	v7 =	vmul.f32 v12, v10;
	v12 =	vld [tilespmem:s24+$0x5C70]  }
0x124: {  	[tilespmem:s24+$0x5C10] =	vst v6;
	v6 =	vmul.f32 v14, v10;
	v13 =	vld [tilespmem:s24+$0x5C80]  }
0x125: {  	[tilespmem:s24+$0x5C20] =	vst v7;
	v7 =	vmul.f32 v9, v10;
	v9 =	vld [tilespmem:s24+$0x5C90]  }
0x126: {  	[tilespmem:s24+$0x5C30] =	vst v6;
	v6 =	vmul.f32 v11, v10;
	v11 =	vld [tilespmem:s24+$0x5CA0]  }
0x127: {  	[tilespmem:s24+$0x5C40] =	vst v7;
	v7 =	vmul.f32 v8, v10;
	v8 =	vld [tilespmem:s24+$0x5CB0]  }
0x128: {  	[tilespmem:s24+$0x5C50] =	vst v6;
	v6 =	vmul.f32 v12, v10;
	v10 =	vld [tilespmem:s24+$0x5CC0]  }
0x129: {  	[tilespmem:s24+$0x5C60] =	vst v7;
	v7 =	vmul.f32 v13, v3;
	v12 =	vld [tilespmem:s24+$0x5CD0]  }
0x12a: {  	[tilespmem:s24+$0x5C70] =	vst v6;
	v6 =	vmul.f32 v9, v3;
	v9 =	vld [tilespmem:s24+$0x5CE0]  }
0x12b: {  	v13 =	vld [tilespmem:s24+$0x5780];
	[tilespmem:s24+$0x5C80] =	vst v7;
	v7 =	vmul.f32 v11, v3  }
0x12c: {  	v11 =	vld [tilespmem:s24+$0x5790];
	[tilespmem:s24+$0x5C90] =	vst v6;
	v6 =	vmul.f32 v8, v3  }
0x12d: {  	v8 =	vld [tilespmem:s24+$0x57C0];
	[tilespmem:s24+$0x5CA0] =	vst v7;
	v7 =	vmul.f32 v10, v3  }
0x12e: {  	v10 =	vld [tilespmem:s24+$0x57D0];
	[tilespmem:s24+$0x5CB0] =	vst v6;
	v6 =	vmul.f32 v12, v3  }
0x12f: {  	[tilespmem:s24+$0x5CC0] =	vst v7;
	v7 =	vmul.f32 v9, v3;
	v9 =	vbroadcast v0, $0xB;
	v12 =	vld [tilespmem:s24+$0x5D20]  }
0x130: {  	v3 =	vbroadcast v0, $0xF;
	v13 =	vmul.f32 v1, v13;
	[tilespmem:s24+$0x5CD0] =	vst v6;
	v6 =	vld [tilespmem:s24+$0x5D30]  }
0x131: {  	v11 =	vmul.f32 v11, v1;
	[tilespmem:s24+$0x5CE0] =	vst v7;
	v4 =	vmul.f32 v4, v9;
	v7 =	vld [tilespmem:s24+$0x5D40]  }
0x132: {  	v5 =	vmul.f32 v5, v9;
	[tilespmem:s24+$0x5780] =	vst v13;
	v8 =	vmul.f32 v8, v1;
	v13 =	vld [tilespmem:s24+$0x5D50]  }
0x133: {  	v2 =	vmul.f32 v2, v3;
	v10 =	vmul.f32 v10, v1;
	[tilespmem:s24+$0x5D00] =	vst v4;
	v1 =	vld [tilespmem:s24+$0x5D60]  }
0x134: {  	[tilespmem:s24+$0x5D10] =	vst v5;
	v4 =	vmul.f32 v12, v9;
	v5 =	vld [tilespmem:s24+$0x5D70]  }
0x135: {  	v6 =	vmul.f32 v6, v9;
	v12 =	vld [tilespmem:s24+$0x5D80];
	[tilespmem:s24+$0x5F50] =	vst v2  }
0x136: {  	[tilespmem:s24+$0x5790] =	vst v11;
	v2 =	vmul.f32 v7, v9;
	v7 =	vld [tilespmem:s24+$0x5D90]  }
0x137: {  	[tilespmem:s24+$0x57C0] =	vst v8;
	v8 =	vmul.f32 v13, v9;
	v11 =	vld [tilespmem:s24+$0x5DA0]  }
0x138: {  	v13 =	vbroadcast v0, $0xC;
	[tilespmem:s24+$0x5D20] =	vst v4;
	v4 =	vmul.f32 v1, v9;
	v14 =	vld [tilespmem:s24+$0x5DB0]  }
0x139: {  	[tilespmem:s24+$0x5D50] =	vst v8;
	v5 =	vmul.f32 v5, v9;
	v8 =	vld [tilespmem:s24+$0x5DC0]  }
0x13a: {  	[tilespmem:s24+$0x5D30] =	vst v6;
	v1 =	vmul.f32 v12, v13;
	v6 =	vld [tilespmem:s24+$0x5DD0]  }
0x13b: {  	[tilespmem:s24+$0x5D40] =	vst v2;
	v2 =	vmul.f32 v7, v13;
	v7 =	vld [tilespmem:s24+$0x5DE0]  }
0x13c: {  	[tilespmem:s24+$0x5D80] =	vst v1;
	v1 =	vmul.f32 v11, v13;
	v9 =	vld [tilespmem:s24+$0x5DF0]  }
0x13d: {  	[tilespmem:s24+$0x5D90] =	vst v2;
	v2 =	vld [tilespmem:s24+$0x5E00]  }
0x13e: {  	[tilespmem:s24+$0x57D0] =	vst v10;
	v8 =	vmul.f32 v8, v13;
	v10 =	vld [tilespmem:s24+$0x5E10]  }
0x13f: {  	[tilespmem:s24+$0x5D60] =	vst v4;
	v4 =	vmul.f32 v6, v13;
	v6 =	vld [tilespmem:s24+$0x5E20]  }
0x140: {  	[tilespmem:s24+$0x5DC0] =	vst v8;
	v7 =	vmul.f32 v7, v13;
	v8 =	vbroadcast v0, $0xD;
	v11 =	vld [tilespmem:s24+$0x5E30]  }
0x141: {  	[tilespmem:s24+$0x5DD0] =	vst v4;
	v4 =	vmul.f32 v9, v13;
	v9 =	vld [tilespmem:s24+$0x5E40]  }
0x142: {  	[tilespmem:s24+$0x5DE0] =	vst v7;
	v2 =	vmul.f32 v2, v8;
	v7 =	vld [tilespmem:s24+$0x5E50]  }
0x143: {  	[tilespmem:s24+$0x5DF0] =	vst v4;
	v4 =	vmul.f32 v10, v8;
	v10 =	vld [tilespmem:s24+$0x5E60]  }
0x144: {  	[tilespmem:s24+$0x5E00] =	vst v2;
	v2 =	vmul.f32 v6, v8;
	v6 =	vld [tilespmem:s24+$0x5E70]  }
0x145: {  	[tilespmem:s24+$0x5E10] =	vst v4;
	v4 =	vmul.f32 v11, v8;
	v11 =	vld [tilespmem:s24+$0x5E80]  }
0x146: {  	[tilespmem:s24+$0x5E20] =	vst v2;
	v2 =	vmul.f32 v9, v8;
	v9 =	vld [tilespmem:s24+$0x5E90]  }
0x147: {  	[tilespmem:s24+$0x5E30] =	vst v4;
	v4 =	vmul.f32 v7, v8;
	v7 =	vld [tilespmem:s24+$0x5EA0]  }
0x148: {  	v0 =	vbroadcast v0, $0xE;
	[tilespmem:s24+$0x5D70] =	vst v5;
	v5 =	vmul.f32 v10, v8;
	v10 =	vld [tilespmem:s24+$0x5EB0]  }
0x149: {  	[tilespmem:s24+$0x5E50] =	vst v4;
	v4 =	vmul.f32 v6, v8;
	v6 =	vld [tilespmem:s24+$0x5EC0]  }
0x14a: {  	[tilespmem:s24+$0x5E60] =	vst v5;
	v5 =	vmul.f32 v11, v0;
	v8 =	vld [tilespmem:s24+$0x5ED0]  }
0x14b: {  	[tilespmem:s24+$0x5E70] =	vst v4;
	v4 =	vmul.f32 v9, v0;
	v9 =	vld [tilespmem:s24+$0x5EE0]  }
0x14c: {  	[tilespmem:s24+$0x5E80] =	vst v5;
	v5 =	vmul.f32 v7, v0;
	v7 =	vld [tilespmem:s24+$0x5EF0]  }
0x14d: {  	[tilespmem:s24+$0x5E90] =	vst v4;
	v4 =	vmul.f32 v10, v0;
	v10 =	vld [tilespmem:s24+$0x5F00]  }
0x14e: {  	[tilespmem:s24+$0x5EA0] =	vst v5;
	v5 =	vmul.f32 v6, v0;
	v6 =	vld [tilespmem:s24+$0x5F10]  }
0x14f: {  	[tilespmem:s24+$0x5EB0] =	vst v4;
	v4 =	vmul.f32 v8, v0;
	v8 =	vld [tilespmem:s24+$0x5F20]  }
0x150: {  	[tilespmem:s24+$0x5EC0] =	vst v5;
	v5 =	vmul.f32 v9, v0;
	v9 =	vld [tilespmem:s24+$0x5F30]  }
0x151: {  	[tilespmem:s24+$0x5E40] =	vst v2;
	v0 =	vmul.f32 v7, v0;
	v2 =	vld [tilespmem:s24+$0x5F40]  }
0x152: {  	[tilespmem:s24+$0x5EE0] =	vst v5;
	v5 =	vmul.f32 v10, v3;
	v7 =	vld [tilespmem:s24+$0x5F60]  }
0x153: {  	[tilespmem:s24+$0x5EF0] =	vst v0;
	v0 =	vmul.f32 v6, v3;
	v6 =	vld [tilespmem:s24+$0x5F70]  }
0x154: {  	[tilespmem:s24+$0x5F00] =	vst v5;
	v5 =	vmul.f32 v8, v3  }
0x155: {  	[tilespmem:s24+$0x5F10] =	vst v0;
	v0 =	vmul.f32 v9, v3  }
0x156: {  	v8 =	vmul.f32 v14, v13;
	[tilespmem:s24+$0x5F20] =	vst v5  }
0x157: {  	[tilespmem:s24+$0x5F30] =	vst v0;
	v0 =	vmul.f32 v2, v3  }
.Ltmp0:
0x158: {  	[tilespmem:s24+$0x5DB0] =	vst v8;
	v2 =	vmul.f32 v6, v3;
	(pc) =	sbr.rel @p0 .LBB2_4-.Ltmp0, $4  }
0x159: {  	[tilespmem:s24+$0x5F40] =	vst v0  }
0x15a: {  	v0 =	vmul.f32 v7, v3;
	[tilespmem:s24+$0x5F70] =	vst v2  }
0x15b: {  	[tilespmem:s24+$0x5ED0] =	vst v4  }
0x15c: {  	[tilespmem:s24+$0x5F60] =	vst v0  }
0x15d: {  	s23 =	sadd.s32 $0x1, s23  }
0x15e: {  	p0 =	sne.s32 s23, $0x19  }
.Ltmp1:
0x15f: {  	[tilespmem:s24+$0x5DA0] =	vst v1;
	(pc) =	sbr.rel @p0 .LBB2_3-.Ltmp1, $4  }
0x160: {  	[spmem:s4] =	stream.indirect.scatter.add.f32 [tilespmem:s18], [sflag:$0x2], $0x80, s25, s17, $0xb8;
	[tilespmem:$0x1C000] =	vst v63  }
0x161: {  	_ =	swait.ge [sflag:s13], $0x2800  }
0x162: {  	[sflag:s13] =	ssyncset.done $0x0  }
0x163: {  	[sflag:s13] =	ssyncadd.s32 $0xFFFFD800  }
0x164: {  	s22 =	sadd.s32 $0x1, s22  }
0x165: {  	p0 =	sne.s32 s22, $0x5  }
.Ltmp2:
0x166: {  	_ = 	snop;
	(pc) =	sbr.rel @p0 .LBB2_2-.Ltmp2, $1  }
0x167: {  	_ =	sdelay $0x3  }
0x168: {  	s21 =	sadd.s32 $0x1, s21  }
0x169: {  	p0 =	sne.s32 s21, s11  }
.Ltmp3:
0x16a: {  	[bflag:$0x0] =	sbarrier.arrive $0xFFFF;
	(pc) =	sbr.rel @p0 .LBB2_1-.Ltmp3, $4  }
0x16b: {  	[hbm:s20], [sflag:s7] =	dma.local [spmem:s12], $0x2800  }
0x16c: {  	_ =	swait.ge [sflag:s13], $0x2800  }
0x16d: {  	[sflag:s13] =	ssyncset.done $0x0  }
0x16e: {  	[sflag:s13] =	ssyncadd.s32 $0xFFFFD800  }
0x16f: {  	_ =	sfence.sel $0x180000  }
0x170: {  	[bflag:$0x0] =	sbarrier.arrive $0xFFFF  }
0x171: {  	p0 =	sne.s32 s0, $0x0;
	_ =	strace $0x9000004A  }
0x172: {  	s0 =	sadd.s32 @!p0 $0x100000, s2;
	[bflag:$0x2] =	sbarrier.arrive $0xFFFF  }
0x173: {  	[sflag:s0] =	ssyncadd.tile.s32 @!p0 $0x1;
	_ =	shalt  }
.Lfunc_end2:
_tile_overlayer_lowered:
.L_overlay_start_2:
0x174: {  	(tag) =	ssettag $0x2  }
0x175: {  	s0 =	rddreg [dreg:$0x0];
	s2 =	stileid.u32  }
0x176: {  	s1 =	rddreg [dreg:$0x1];
	p0 =	sne.s32 s2, $0x0  }
0x177: {  	s3 =	rddreg [dreg:$0x2];
	[bflag:$0x3] =	sbarrier.arrive $0xFFFF;
	s2 =	simm.s32 @!p0 $0x1C02  }
0x178: {  	[timem:s3], [sflag:s2] =	dma.local @!p0 [hbm:s0], s1  }
0x179: {  	s0 =	simm.s32 @!p0 $0x2  }
0x17a: {  	_ =	swait.ge @!p0 [sflag:s0], s1  }
0x17b: {  	s1 =	ssub.s32 @!p0 $0x0, s1;
	[sflag:s0] =	ssyncset.done @!p0 $0x0  }
0x17c: {  	[sflag:s0] =	ssyncadd.s32 @!p0 s1  }
0x17d: {  	[bflag:$0x3] =	sbarrier.arrive $0xFFFF  }
0x17e: {  	_ =	shalt  }

</sc_bundles>
